<compile_context>
chip_gen: v7x
topology: tpu7x:2x2x1
jax: 0.10.2.dev20260603
libtpu: 0.0.44.dev20260713+nightly
codegen_flags: <defaults>
</compile_context>

<pallas_src>
import functools

import jax
import jax.numpy as jnp
from jax import lax
from jax.experimental import pallas as pl
from jax.experimental.pallas import tpu as pltpu
from jax.experimental.pallas import tpu_sc as plsc

_N_ATOMS = 10000
_N_EDGES = 320000
_D = 128
_NS = 16
_STRIPE = 624
_STRIPE_LAST = _N_ATOMS - 15 * _STRIPE
_E_PER_TILE = _N_EDGES // _NS
_WIN = 96
_N_WIN = _E_PER_TILE // _WIN
_N_PAIR = _N_WIN // 2
_TAIL = _E_PER_TILE - _N_WIN * _WIN
_N_TRASH = 16
_ACC_ROWS = _N_ATOMS + _N_TRASH
_LANES = 16
_COLS = _D // _LANES


def _zero_buf(buf, n_rows):
    zero = jnp.zeros((_LANES,), jnp.float32)

    def body(r, carry):
        for k in range(_COLS):
            buf[r, pl.ds(k * _LANES, _LANES)] = zero
        return carry

    lax.fori_loop(0, n_rows, body, 0)


_mesh = plsc.VectorSubcoreMesh(core_axis_name="c", subcore_axis_name="s")


@functools.partial(
    pl.kernel,
    out_type=(
        jax.ShapeDtypeStruct((_N_ATOMS, _D), jnp.float32),
        jax.ShapeDtypeStruct((_N_ATOMS, _D), jnp.float32),
    ),
    mesh=_mesh,
    scratch_types=[
        pltpu.VMEM((_WIN, _D), jnp.float32),
        pltpu.VMEM((_WIN, _D), jnp.float32),
        pltpu.VMEM((_WIN, _D), jnp.float32),
        pltpu.VMEM((_WIN, _D), jnp.float32),
        pltpu.VMEM((_WIN,), jnp.int32),
        pltpu.VMEM((_WIN,), jnp.int32),
        pltpu.VMEM((_WIN,), jnp.int32),
        pltpu.VMEM((_WIN,), jnp.int32),
        pltpu.SemaphoreType.DMA,
        pltpu.SemaphoreType.DMA,
        pltpu.SemaphoreType.DMA,
        pltpu.SemaphoreType.DMA,
        pltpu.VMEM_SHARED((_ACC_ROWS, _D), jnp.float32),
    ],
)
def _seg_accum(
    m1, m2, id1, id2, id3, id4, a_out, b_out,
    vals0, vals1, nvals0, nvals1, ida0, ida1, idb0, idb1,
    insem0, insem1, scsem0, scsem1, acc,
):
    c = lax.axis_index("c")
    s = lax.axis_index("s")
    row0 = s * _STRIPE
    is_last = s == _NS - 1

    def run_core(mat, ia, ib):
        slots = (
            (vals0, nvals0, ida0, idb0, insem0, scsem0),
            (vals1, nvals1, ida1, idb1, insem1, scsem1),
        )

        def start_in(slot, w):
            vals, _, ida, idb, insem, _ = slots[slot]
            base = s * _E_PER_TILE + w * _WIN
            pltpu.async_copy(mat.at[pl.ds(base, _WIN)], vals, insem)
            pltpu.async_copy(ia.at[pl.ds(base, _WIN)], ida, insem)
            pltpu.async_copy(ib.at[pl.ds(base, _WIN)], idb, insem)

        def drain_in(slot, w):
            vals, _, ida, idb, insem, _ = slots[slot]
            base = s * _E_PER_TILE + w * _WIN
            pltpu.make_async_copy(mat.at[pl.ds(base, _WIN)], vals, insem).wait()
            pltpu.make_async_copy(ia.at[pl.ds(base, _WIN)], ida, insem).wait()
            pltpu.make_async_copy(ib.at[pl.ds(base, _WIN)], idb, insem).wait()

        def start_scat(slot):
            vals, nvals, ida, idb, _, scsem = slots[slot]
            pltpu.async_copy(vals, acc.at[ida], scsem, add=True)

            def neg(r, carry):
                for k in range(_COLS):
                    sl = pl.ds(k * _LANES, _LANES)
                    nvals[r, sl] = -vals[r, sl]
                return carry

            lax.fori_loop(0, _WIN, neg, 0)
            pltpu.async_copy(nvals, acc.at[idb], scsem, add=True)

        def drain_scat(slot):
            vals, nvals, ida, idb, _, scsem = slots[slot]
            pltpu.make_async_copy(vals, acc.at[ida], scsem).wait()
            pltpu.make_async_copy(nvals, acc.at[idb], scsem).wait()

        start_in(0, 0)

        _zero_buf(nvals0, _WIN)
        n_zfull = _STRIPE // _WIN

        def zbody(j, carry):
            pltpu.sync_copy(nvals0, acc.at[pl.ds(row0 + j * _WIN, _WIN)])
            return carry

        lax.fori_loop(0, n_zfull, zbody, 0)
        rem = _STRIPE - n_zfull * _WIN
        rem_last = _STRIPE_LAST + _N_TRASH - n_zfull * _WIN

        @pl.when(jnp.logical_not(is_last))
        def _():
            pltpu.sync_copy(
                nvals0.at[pl.ds(0, rem)],
                acc.at[pl.ds(row0 + n_zfull * _WIN, rem)],
            )

        @pl.when(is_last)
        def _():
            pltpu.sync_copy(
                nvals0.at[pl.ds(0, rem_last)],
                acc.at[pl.ds(row0 + n_zfull * _WIN, rem_last)],
            )

        plsc.subcore_barrier()

        def body(p, carry):
            w = 2 * p

            @pl.when(p > 0)
            def _():
                drain_scat(1)

            start_in(1, w + 1)
            drain_in(0, w)
            start_scat(0)

            @pl.when(p < _N_PAIR - 1)
            def _():
                drain_scat(0)
                start_in(0, w + 2)

            drain_in(1, w + 1)
            start_scat(1)
            return carry

        lax.fori_loop(0, _N_PAIR, body, 0)

        drain_scat(0)
        tbase = s * _E_PER_TILE + _N_WIN * _WIN
        pltpu.sync_copy(mat.at[pl.ds(tbase, _TAIL)], vals0.at[pl.ds(0, _TAIL)])
        pltpu.sync_copy(ia.at[pl.ds(tbase, _TAIL)], ida0.at[pl.ds(0, _TAIL)])
        pltpu.sync_copy(ib.at[pl.ds(tbase, _TAIL)], idb0.at[pl.ds(0, _TAIL)])
        trash = lax.iota(jnp.int32, _LANES) + _N_ATOMS
        for off in range(_TAIL, _WIN, _LANES):
            ida0[pl.ds(off, _LANES)] = trash
            idb0[pl.ds(off, _LANES)] = trash
        pltpu.async_copy(vals0, acc.at[ida0], scsem0, add=True)

        def tneg(r, carry):
            for k in range(_COLS):
                sl = pl.ds(k * _LANES, _LANES)
                nvals0[r, sl] = -vals0[r, sl]
            return carry

        lax.fori_loop(0, _TAIL, tneg, 0)
        pltpu.async_copy(nvals0, acc.at[idb0], scsem0, add=True)

        drain_scat(1)
        drain_scat(0)

    @pl.when(c == 0)
    def _():
        run_core(m1, id1, id3)

    @pl.when(c == 1)
    def _():
        run_core(m2, id2, id4)

    plsc.subcore_barrier()

    for core, out in ((0, a_out), (1, b_out)):

        @pl.when(jnp.logical_and(c == core, jnp.logical_not(is_last)))
        def _(out=out):
            pltpu.sync_copy(
                acc.at[pl.ds(row0, _STRIPE)], out.at[pl.ds(row0, _STRIPE)]
            )

        @pl.when(jnp.logical_and(c == core, is_last))
        def _(out=out):
            pltpu.sync_copy(
                acc.at[pl.ds(row0, _STRIPE_LAST)],
                out.at[pl.ds(row0, _STRIPE_LAST)],
            )


_BLK = 2000


def _hdot_body(h_ref, w3_ref, g_ref):
    g_ref[...] = jnp.dot(
        h_ref[...], w3_ref[...], preferred_element_type=jnp.float32
    )


def _hdot(h, w3):
    n_blk = _N_ATOMS // _BLK
    return pl.pallas_call(
        _hdot_body,
        grid=(n_blk,),
        in_specs=[
            pl.BlockSpec((_BLK, _D), lambda i: (i, 0)),
            pl.BlockSpec((_D, _D), lambda i: (0, 0)),
        ],
        out_specs=pl.BlockSpec((_BLK, _D), lambda i: (i, 0)),
        out_shape=jax.ShapeDtypeStruct((_N_ATOMS, _D), jnp.float32),
    )(h, w3)


def _mlp_body(a_ref, b_ref, g_ref, w12_ref, o_ref):
    w12 = w12_ref[...]
    o_ref[...] = (
        g_ref[...]
        + jnp.dot(a_ref[...], w12[0:_D, :], preferred_element_type=jnp.float32)
        + jnp.dot(b_ref[...], w12[_D:, :], preferred_element_type=jnp.float32)
    )


def _mlp(a, b, g, W12):
    n_blk = _N_ATOMS // _BLK
    return pl.pallas_call(
        _mlp_body,
        grid=(n_blk,),
        in_specs=[
            pl.BlockSpec((_BLK, _D), lambda i: (i, 0)),
            pl.BlockSpec((_BLK, _D), lambda i: (i, 0)),
            pl.BlockSpec((_BLK, _D), lambda i: (i, 0)),
            pl.BlockSpec((2 * _D, _D), lambda i: (0, 0)),
        ],
        out_specs=pl.BlockSpec((_BLK, _D), lambda i: (i, 0)),
        out_shape=jax.ShapeDtypeStruct((_N_ATOMS, _D), jnp.float32),
    )(a, b, g, W12)


def kernel(h, m1, m2, id1, id2, id3, id4, W):
    g = _hdot(h, W[2 * _D :])
    a, b = _seg_accum(
        m1,
        m2,
        id1.astype(jnp.int32),
        id2.astype(jnp.int32),
        id3.astype(jnp.int32),
        id4.astype(jnp.int32),
    )
    return _mlp(a, b, g, W[0 : 2 * _D])

# --- scband reference (transcript-rebuilt; emitter-appended) ---
"""Pipeline reference for scband-atom-update-block-33200097198200 (READ-ONLY COPY).

The authoritative reference and input builder live on the scoring server;
editing this copy changes nothing except your own understanding.
"""

import jax, jax.numpy as jnp
import numpy as np

N_ATOMS = 10000
N_EDGES = 320000
EMB_ATOM = 128
EMB_EDGE = 128


def setup_inputs(seed: int = 0) -> dict:
    key = jax.random.key(seed)
    ks = jax.random.split(key, 8)
    h = jax.random.normal(ks[0], (N_ATOMS, EMB_ATOM), dtype=jnp.float32)
    m1 = jax.random.normal(ks[1], (N_EDGES, EMB_EDGE), dtype=jnp.float32)
    m2 = jax.random.normal(ks[2], (N_EDGES, EMB_EDGE), dtype=jnp.float32)
    id1 = jax.random.randint(ks[3], (N_EDGES,), 0, N_ATOMS)
    id2 = jax.random.randint(ks[4], (N_EDGES,), 0, N_ATOMS)
    id3 = jax.random.randint(ks[5], (N_EDGES,), 0, N_ATOMS)
    id4 = jax.random.randint(ks[6], (N_EDGES,), 0, N_ATOMS)
    # Linear(in=emb_size_edge*2+emb_size_atom, out=emb_size_atom, bias=False)
    fan_in = EMB_EDGE * 2 + EMB_ATOM
    W = jax.random.uniform(ks[7], (fan_in, EMB_ATOM), dtype=jnp.float32,
                           minval=-1.0 / np.sqrt(fan_in), maxval=1.0 / np.sqrt(fan_in))
    return {"h": h, "m1": m1, "m2": m2, "id1": id1, "id2": id2,
            "id3": id3, "id4": id4, "W": W}


def reference(h, m1, m2, id1, id2, id3, id4, W):
    nAtoms = h.shape[0]
    x1 = jax.ops.segment_sum(m1, id1, num_segments=nAtoms)
    x2 = jax.ops.segment_sum(m2, id2, num_segments=nAtoms)
    x3 = jax.ops.segment_sum(m1, id3, num_segments=nAtoms)
    x4 = jax.ops.segment_sum(m2, id4, num_segments=nAtoms)
    x1 = x1 - x3
    x2 = x2 - x4
    x = jnp.concatenate([x1, x2, h], axis=-1)
    return x @ W

if __name__ == "__main__":
    import jax
    _d = setup_inputs()
    print(jax.jit(kernel)(*tuple(_d.values())))

</pallas_src>

<mosaic_0001>
#map = affine_map<(d0, d1) -> (0, 0)>
#map1 = affine_map<(d0, d1) -> (0)>
module attributes {stable_mosaic.version = 14 : i64} {
  func.func @_seg_accum(%arg0: i32, %arg1: i32, %arg2: memref<320000x128xf32, #tpu.memory_space<hbm>>, %arg3: memref<320000x128xf32, #tpu.memory_space<hbm>>, %arg4: memref<320000xi32, #tpu.memory_space<hbm>>, %arg5: memref<320000xi32, #tpu.memory_space<hbm>>, %arg6: memref<320000xi32, #tpu.memory_space<hbm>>, %arg7: memref<320000xi32, #tpu.memory_space<hbm>>, %arg8: memref<10000x128xf32, #tpu.memory_space<hbm>>, %arg9: memref<10000x128xf32, #tpu.memory_space<hbm>>, %arg10: memref<96x128xf32, #tpu.memory_space<vmem>>, %arg11: memref<96x128xf32, #tpu.memory_space<vmem>>, %arg12: memref<96x128xf32, #tpu.memory_space<vmem>>, %arg13: memref<96x128xf32, #tpu.memory_space<vmem>>, %arg14: memref<96xi32, #tpu.memory_space<vmem>>, %arg15: memref<96xi32, #tpu.memory_space<vmem>>, %arg16: memref<96xi32, #tpu.memory_space<vmem>>, %arg17: memref<96xi32, #tpu.memory_space<vmem>>, %arg18: memref<!tpu.dma_semaphore, #tpu.memory_space<semaphore_mem>>, %arg19: memref<!tpu.dma_semaphore, #tpu.memory_space<semaphore_mem>>, %arg20: memref<!tpu.dma_semaphore, #tpu.memory_space<semaphore_mem>>, %arg21: memref<!tpu.dma_semaphore, #tpu.memory_space<semaphore_mem>>, %arg22: memref<10016x128xf32, #tpu.memory_space<vmem_shared>>) attributes {dimension_semantics = [#tpu.dimension_semantics<core_parallel>, #tpu.dimension_semantics<subcore_parallel>], iteration_bounds = array<i64: 2, 16>, scalar_prefetch = 0 : i64, scratch_operands = 13 : i64, tpu.core_type = #tpu.core_type<sc_vector_subcore>, window_params = [{transform_indices = #map}, {transform_indices = #map}, {transform_indices = #map1}, {transform_indices = #map1}, {transform_indices = #map1}, {transform_indices = #map1}, {transform_indices = #map}, {transform_indices = #map}]} {
    %mul3A = arith.constant 624 : i32
    %mul3A_0 = arith.muli %arg1, %mul3A : i32
    %eq3A = arith.constant 15 : i32
    %eq3A_1 = arith.cmpi eq, %arg1, %eq3A : i32
    %eq3A_2 = arith.constant 0 : i32
    %eq3A_3 = arith.cmpi eq, %arg0, %eq3A_2 : i32
    %convert_element_type3A = arith.extui %eq3A_3 : i1 to i32
    %cond3A = arith.constant 0 : i32
    %cond3A_4 = arith.cmpi ne, %convert_element_type3A, %cond3A : i32
    scf.if %cond3A_4 {
      %mul3A_36 = arith.constant 20000 : i32
      %mul3A_37 = arith.muli %arg1, %mul3A_36 : i32
      %add3A = arith.constant 0 : i32
      %add3A_38 = arith.addi %mul3A_37, %add3A : i32
      %dma_start3A = arith.constant 0 : i32
      %dma_start3A_39 = tpu.memref_slice %arg2[%add3A_38, %dma_start3A] : memref<320000x128xf32, #tpu.memory_space<hbm>> -> memref<96x128xf32, #tpu.memory_space<hbm>>
      %dma_start3A_40 = arith.constant 0 : i32
      %dma_start3A_41 = tpu.memref_slice %arg2[%add3A_38, %dma_start3A_40] : memref<320000x128xf32, #tpu.memory_space<hbm>> -> memref<96x128xf32, #tpu.memory_space<hbm>>
      tpu.enqueue_dma source(%dma_start3A_41 : memref<96x128xf32, #tpu.memory_space<hbm>>) target(%arg10 : memref<96x128xf32, #tpu.memory_space<vmem>>) target_semaphore(%arg18 : memref<!tpu.dma_semaphore, #tpu.memory_space<semaphore_mem>>)
      %dma_start3A_42 = tpu.memref_slice %arg4[%add3A_38] : memref<320000xi32, #tpu.memory_space<hbm>> -> memref<96xi32, #tpu.memory_space<hbm>>
      %dma_start3A_43 = tpu.memref_slice %arg4[%add3A_38] : memref<320000xi32, #tpu.memory_space<hbm>> -> memref<96xi32, #tpu.memory_space<hbm>>
      tpu.enqueue_dma source(%dma_start3A_43 : memref<96xi32, #tpu.memory_space<hbm>>) target(%arg14 : memref<96xi32, #tpu.memory_space<vmem>>) target_semaphore(%arg18 : memref<!tpu.dma_semaphore, #tpu.memory_space<semaphore_mem>>)
      %dma_start3A_44 = tpu.memref_slice %arg6[%add3A_38] : memref<320000xi32, #tpu.memory_space<hbm>> -> memref<96xi32, #tpu.memory_space<hbm>>
      %dma_start3A_45 = tpu.memref_slice %arg6[%add3A_38] : memref<320000xi32, #tpu.memory_space<hbm>> -> memref<96xi32, #tpu.memory_space<hbm>>
      tpu.enqueue_dma source(%dma_start3A_45 : memref<96xi32, #tpu.memory_space<hbm>>) target(%arg16 : memref<96xi32, #tpu.memory_space<vmem>>) target_semaphore(%arg18 : memref<!tpu.dma_semaphore, #tpu.memory_space<semaphore_mem>>)
      %broadcast_in_dim3A = arith.constant 0.000000e+00 : f32
      %broadcast_in_dim3A_46 = vector.broadcast %broadcast_in_dim3A : f32 to vector<16xf32>
      %scan3A = arith.constant 0 : i32
      %scan3A_47 = arith.constant 0 : i32
      %scan3A_48 = arith.constant 96 : i32
      %scan3A_49 = arith.addi %scan3A_47, %scan3A_48 : i32
      %scan3A_50 = arith.constant 1 : i32
      scf.for %scan3A_140 = %scan3A_47 to %scan3A_49 step %scan3A_50  : i32 {
        %swap3A_141 = arith.index_cast %scan3A_140 : i32 to index
        %swap3A_142 = arith.constant 0 : index
        %swap3A_143 = tpu.vector_load %arg12[%swap3A_141, %swap3A_142] {strides = array<i32>} : memref<96x128xf32, #tpu.memory_space<vmem>>, vector<1x16xf32>,
        %swap3A_144 = vector.shape_cast %swap3A_143 : vector<1x16xf32> to vector<16xf32>
        %swap3A_145 = vector.shape_cast %broadcast_in_dim3A_46 : vector<16xf32> to vector<1x16xf32>
        tpu.vector_store %arg12[%swap3A_141, %swap3A_142], %swap3A_145 {strides = array<i32>} : memref<96x128xf32, #tpu.memory_space<vmem>>, vector<1x16xf32>,
        %swap3A_146 = arith.index_cast %scan3A_140 : i32 to index
        %swap3A_147 = arith.constant 16 : index
        %swap3A_148 = tpu.vector_load %arg12[%swap3A_146, %swap3A_147] {strides = array<i32>} : memref<96x128xf32, #tpu.memory_space<vmem>>, vector<1x16xf32>,
        %swap3A_149 = vector.shape_cast %swap3A_148 : vector<1x16xf32> to vector<16xf32>
        %swap3A_150 = vector.shape_cast %broadcast_in_dim3A_46 : vector<16xf32> to vector<1x16xf32>
        tpu.vector_store %arg12[%swap3A_146, %swap3A_147], %swap3A_150 {strides = array<i32>} : memref<96x128xf32, #tpu.memory_space<vmem>>, vector<1x16xf32>,
        %swap3A_151 = arith.index_cast %scan3A_140 : i32 to index
        %swap3A_152 = arith.constant 32 : index
        %swap3A_153 = tpu.vector_load %arg12[%swap3A_151, %swap3A_152] {strides = array<i32>} : memref<96x128xf32, #tpu.memory_space<vmem>>, vector<1x16xf32>,
        %swap3A_154 = vector.shape_cast %swap3A_153 : vector<1x16xf32> to vector<16xf32>
        %swap3A_155 = vector.shape_cast %broadcast_in_dim3A_46 : vector<16xf32> to vector<1x16xf32>
        tpu.vector_store %arg12[%swap3A_151, %swap3A_152], %swap3A_155 {strides = array<i32>} : memref<96x128xf32, #tpu.memory_space<vmem>>, vector<1x16xf32>,
        %swap3A_156 = arith.index_cast %scan3A_140 : i32 to index
        %swap3A_157 = arith.constant 48 : index
        %swap3A_158 = tpu.vector_load %arg12[%swap3A_156, %swap3A_157] {strides = array<i32>} : memref<96x128xf32, #tpu.memory_space<vmem>>, vector<1x16xf32>,
        %swap3A_159 = vector.shape_cast %swap3A_158 : vector<1x16xf32> to vector<16xf32>
        %swap3A_160 = vector.shape_cast %broadcast_in_dim3A_46 : vector<16xf32> to vector<1x16xf32>
        tpu.vector_store %arg12[%swap3A_156, %swap3A_157], %swap3A_160 {strides = array<i32>} : memref<96x128xf32, #tpu.memory_space<vmem>>, vector<1x16xf32>,
        %swap3A_161 = arith.index_cast %scan3A_140 : i32 to index
        %swap3A_162 = arith.constant 64 : index
        %swap3A_163 = tpu.vector_load %arg12[%swap3A_161, %swap3A_162] {strides = array<i32>} : memref<96x128xf32, #tpu.memory_space<vmem>>, vector<1x16xf32>,
        %swap3A_164 = vector.shape_cast %swap3A_163 : vector<1x16xf32> to vector<16xf32>
        %swap3A_165 = vector.shape_cast %broadcast_in_dim3A_46 : vector<16xf32> to vector<1x16xf32>
        tpu.vector_store %arg12[%swap3A_161, %swap3A_162], %swap3A_165 {strides = array<i32>} : memref<96x128xf32, #tpu.memory_space<vmem>>, vector<1x16xf32>,
        %swap3A_166 = arith.index_cast %scan3A_140 : i32 to index
        %swap3A_167 = arith.constant 80 : index
        %swap3A_168 = tpu.vector_load %arg12[%swap3A_166, %swap3A_167] {strides = array<i32>} : memref<96x128xf32, #tpu.memory_space<vmem>>, vector<1x16xf32>,
        %swap3A_169 = vector.shape_cast %swap3A_168 : vector<1x16xf32> to vector<16xf32>
        %swap3A_170 = vector.shape_cast %broadcast_in_dim3A_46 : vector<16xf32> to vector<1x16xf32>
        tpu.vector_store %arg12[%swap3A_166, %swap3A_167], %swap3A_170 {strides = array<i32>} : memref<96x128xf32, #tpu.memory_space<vmem>>, vector<1x16xf32>,
        %swap3A_171 = arith.index_cast %scan3A_140 : i32 to index
        %swap3A_172 = arith.constant 96 : index
        %swap3A_173 = tpu.vector_load %arg12[%swap3A_171, %swap3A_172] {strides = array<i32>} : memref<96x128xf32, #tpu.memory_space<vmem>>, vector<1x16xf32>,
        %swap3A_174 = vector.shape_cast %swap3A_173 : vector<1x16xf32> to vector<16xf32>
        %swap3A_175 = vector.shape_cast %broadcast_in_dim3A_46 : vector<16xf32> to vector<1x16xf32>
        tpu.vector_store %arg12[%swap3A_171, %swap3A_172], %swap3A_175 {strides = array<i32>} : memref<96x128xf32, #tpu.memory_space<vmem>>, vector<1x16xf32>,
        %swap3A_176 = arith.index_cast %scan3A_140 : i32 to index
        %swap3A_177 = arith.constant 112 : index
        %swap3A_178 = tpu.vector_load %arg12[%swap3A_176, %swap3A_177] {strides = array<i32>} : memref<96x128xf32, #tpu.memory_space<vmem>>, vector<1x16xf32>,
        %swap3A_179 = vector.shape_cast %swap3A_178 : vector<1x16xf32> to vector<16xf32>
        %swap3A_180 = vector.shape_cast %broadcast_in_dim3A_46 : vector<16xf32> to vector<1x16xf32>
        tpu.vector_store %arg12[%swap3A_176, %swap3A_177], %swap3A_180 {strides = array<i32>} : memref<96x128xf32, #tpu.memory_space<vmem>>, vector<1x16xf32>,
      }
      %scan3A_51 = arith.constant 96 : i32
      %scan3A_52 = arith.constant 0 : i32
      %scan3A_53 = arith.constant 0 : i32
      %scan3A_54 = arith.constant 6 : i32
      %scan3A_55 = arith.addi %scan3A_53, %scan3A_54 : i32
      %scan3A_56 = arith.constant 1 : i32
      scf.for %scan3A_140 = %scan3A_53 to %scan3A_55 step %scan3A_56  : i32 {
        %mul3A_141 = arith.constant 96 : i32
        %mul3A_142 = arith.muli %scan3A_140, %mul3A_141 : i32
        %add3A_143 = arith.addi %mul3A_0, %mul3A_142 : i32
        "tpu.region"() ({
          %run_scoped3A = tpu.sem_alloc : memref<!tpu.dma_semaphore, #tpu.memory_space<semaphore_mem>>
          %dma_start3A_144 = arith.constant 0 : i32
          %dma_start3A_145 = tpu.memref_slice %arg22[%add3A_143, %dma_start3A_144] : memref<10016x128xf32, #tpu.memory_space<vmem_shared>> -> memref<96x128xf32, #tpu.memory_space<vmem_shared>>
          %dma_start3A_146 = arith.constant 0 : i32
          %dma_start3A_147 = tpu.memref_slice %arg22[%add3A_143, %dma_start3A_146] : memref<10016x128xf32, #tpu.memory_space<vmem_shared>> -> memref<96x128xf32, #tpu.memory_space<vmem_shared>>
          tpu.enqueue_dma source(%arg12 : memref<96x128xf32, #tpu.memory_space<vmem>>) target(%dma_start3A_147 : memref<96x128xf32, #tpu.memory_space<vmem_shared>>) target_semaphore(%run_scoped3A : memref<!tpu.dma_semaphore, #tpu.memory_space<semaphore_mem>>)
          %dma_wait3A_148 = arith.constant 0 : i32
          %dma_wait3A_149 = tpu.memref_slice %arg22[%add3A_143, %dma_wait3A_148] : memref<10016x128xf32, #tpu.memory_space<vmem_shared>> -> memref<96x128xf32, #tpu.memory_space<vmem_shared>>
          %dma_wait3A_150 = arith.constant 0 : i32
          %dma_wait3A_151 = tpu.memref_slice %arg22[%add3A_143, %dma_wait3A_150] : memref<10016x128xf32, #tpu.memory_space<vmem_shared>> -> memref<96x128xf32, #tpu.memory_space<vmem_shared>>
          tpu.wait_dma2 semaphore(%run_scoped3A : memref<!tpu.dma_semaphore, #tpu.memory_space<semaphore_mem>>) src(%arg12 : memref<96x128xf32, #tpu.memory_space<vmem>>) dst(%dma_wait3A_151 : memref<96x128xf32, #tpu.memory_space<vmem_shared>>)
          tpu.yield
        }) : () -> ()
      }
      %scan3A_57 = arith.constant 6 : i32
      %not3A_58 = arith.constant true
      %not3A_59 = arith.xori %eq3A_1, %not3A_58 : i1
      %convert_element_type3A_60 = arith.extui %not3A_59 : i1 to i32
      %cond3A_61 = arith.constant 0 : i32
      %cond3A_62 = arith.cmpi ne, %convert_element_type3A_60, %cond3A_61 : i32
      scf.if %cond3A_62 {
        %add3A_140 = arith.constant 576 : i32
        %add3A_141 = arith.addi %mul3A_0, %add3A_140 : i32
        "tpu.region"() ({
          %run_scoped3A = tpu.sem_alloc : memref<!tpu.dma_semaphore, #tpu.memory_space<semaphore_mem>>
          %dma_start3A_142 = arith.constant 0 : i32
          %dma_start3A_143 = arith.constant 0 : i32
          %dma_start3A_144 = tpu.memref_slice %arg12[%dma_start3A_142, %dma_start3A_143] : memref<96x128xf32, #tpu.memory_space<vmem>> -> memref<48x128xf32, #tpu.memory_space<vmem>>
          %dma_start3A_145 = arith.constant 0 : i32
          %dma_start3A_146 = tpu.memref_slice %arg22[%add3A_141, %dma_start3A_145] : memref<10016x128xf32, #tpu.memory_space<vmem_shared>> -> memref<48x128xf32, #tpu.memory_space<vmem_shared>>
          %dma_start3A_147 = arith.constant 0 : i32
          %dma_start3A_148 = tpu.memref_slice %arg22[%add3A_141, %dma_start3A_147] : memref<10016x128xf32, #tpu.memory_space<vmem_shared>> -> memref<48x128xf32, #tpu.memory_space<vmem_shared>>
          %dma_start3A_149 = arith.constant 0 : i32
          %dma_start3A_150 = arith.constant 0 : i32
          %dma_start3A_151 = tpu.memref_slice %arg12[%dma_start3A_149, %dma_start3A_150] : memref<96x128xf32, #tpu.memory_space<vmem>> -> memref<48x128xf32, #tpu.memory_space<vmem>>
          tpu.enqueue_dma source(%dma_start3A_151 : memref<48x128xf32, #tpu.memory_space<vmem>>) target(%dma_start3A_148 : memref<48x128xf32, #tpu.memory_space<vmem_shared>>) target_semaphore(%run_scoped3A : memref<!tpu.dma_semaphore, #tpu.memory_space<semaphore_mem>>)
          %dma_wait3A_152 = arith.constant 0 : i32
          %dma_wait3A_153 = arith.constant 0 : i32
          %dma_wait3A_154 = tpu.memref_slice %arg12[%dma_wait3A_152, %dma_wait3A_153] : memref<96x128xf32, #tpu.memory_space<vmem>> -> memref<48x128xf32, #tpu.memory_space<vmem>>
          %dma_wait3A_155 = arith.constant 0 : i32
          %dma_wait3A_156 = tpu.memref_slice %arg22[%add3A_141, %dma_wait3A_155] : memref<10016x128xf32, #tpu.memory_space<vmem_shared>> -> memref<48x128xf32, #tpu.memory_space<vmem_shared>>
          %dma_wait3A_157 = arith.constant 0 : i32
          %dma_wait3A_158 = tpu.memref_slice %arg22[%add3A_141, %dma_wait3A_157] : memref<10016x128xf32, #tpu.memory_space<vmem_shared>> -> memref<48x128xf32, #tpu.memory_space<vmem_shared>>
          %dma_wait3A_159 = arith.constant 0 : i32
          %dma_wait3A_160 = arith.constant 0 : i32
          %dma_wait3A_161 = tpu.memref_slice %arg12[%dma_wait3A_159, %dma_wait3A_160] : memref<96x128xf32, #tpu.memory_space<vmem>> -> memref<48x128xf32, #tpu.memory_space<vmem>>
          tpu.wait_dma2 semaphore(%run_scoped3A : memref<!tpu.dma_semaphore, #tpu.memory_space<semaphore_mem>>) src(%dma_wait3A_161 : memref<48x128xf32, #tpu.memory_space<vmem>>) dst(%dma_wait3A_158 : memref<48x128xf32, #tpu.memory_space<vmem_shared>>)
          tpu.yield
        }) : () -> ()
      } else {
      }
      %convert_element_type3A_63 = arith.extui %eq3A_1 : i1 to i32
      %cond3A_64 = arith.constant 0 : i32
      %cond3A_65 = arith.cmpi ne, %convert_element_type3A_63, %cond3A_64 : i32
      scf.if %cond3A_65 {
        %add3A_140 = arith.constant 576 : i32
        %add3A_141 = arith.addi %mul3A_0, %add3A_140 : i32
        "tpu.region"() ({
          %run_scoped3A = tpu.sem_alloc : memref<!tpu.dma_semaphore, #tpu.memory_space<semaphore_mem>>
          %dma_start3A_142 = arith.constant 0 : i32
          %dma_start3A_143 = arith.constant 0 : i32
          %dma_start3A_144 = tpu.memref_slice %arg12[%dma_start3A_142, %dma_start3A_143] : memref<96x128xf32, #tpu.memory_space<vmem>> -> memref<80x128xf32, #tpu.memory_space<vmem>>
          %dma_start3A_145 = arith.constant 0 : i32
          %dma_start3A_146 = tpu.memref_slice %arg22[%add3A_141, %dma_start3A_145] : memref<10016x128xf32, #tpu.memory_space<vmem_shared>> -> memref<80x128xf32, #tpu.memory_space<vmem_shared>>
          %dma_start3A_147 = arith.constant 0 : i32
          %dma_start3A_148 = tpu.memref_slice %arg22[%add3A_141, %dma_start3A_147] : memref<10016x128xf32, #tpu.memory_space<vmem_shared>> -> memref<80x128xf32, #tpu.memory_space<vmem_shared>>
          %dma_start3A_149 = arith.constant 0 : i32
          %dma_start3A_150 = arith.constant 0 : i32
          %dma_start3A_151 = tpu.memref_slice %arg12[%dma_start3A_149, %dma_start3A_150] : memref<96x128xf32, #tpu.memory_space<vmem>> -> memref<80x128xf32, #tpu.memory_space<vmem>>
          tpu.enqueue_dma source(%dma_start3A_151 : memref<80x128xf32, #tpu.memory_space<vmem>>) target(%dma_start3A_148 : memref<80x128xf32, #tpu.memory_space<vmem_shared>>) target_semaphore(%run_scoped3A : memref<!tpu.dma_semaphore, #tpu.memory_space<semaphore_mem>>)
          %dma_wait3A_152 = arith.constant 0 : i32
          %dma_wait3A_153 = arith.constant 0 : i32
          %dma_wait3A_154 = tpu.memref_slice %arg12[%dma_wait3A_152, %dma_wait3A_153] : memref<96x128xf32, #tpu.memory_space<vmem>> -> memref<80x128xf32, #tpu.memory_space<vmem>>
          %dma_wait3A_155 = arith.constant 0 : i32
          %dma_wait3A_156 = tpu.memref_slice %arg22[%add3A_141, %dma_wait3A_155] : memref<10016x128xf32, #tpu.memory_space<vmem_shared>> -> memref<80x128xf32, #tpu.memory_space<vmem_shared>>
          %dma_wait3A_157 = arith.constant 0 : i32
          %dma_wait3A_158 = tpu.memref_slice %arg22[%add3A_141, %dma_wait3A_157] : memref<10016x128xf32, #tpu.memory_space<vmem_shared>> -> memref<80x128xf32, #tpu.memory_space<vmem_shared>>
          %dma_wait3A_159 = arith.constant 0 : i32
          %dma_wait3A_160 = arith.constant 0 : i32
          %dma_wait3A_161 = tpu.memref_slice %arg12[%dma_wait3A_159, %dma_wait3A_160] : memref<96x128xf32, #tpu.memory_space<vmem>> -> memref<80x128xf32, #tpu.memory_space<vmem>>
          tpu.wait_dma2 semaphore(%run_scoped3A : memref<!tpu.dma_semaphore, #tpu.memory_space<semaphore_mem>>) src(%dma_wait3A_161 : memref<80x128xf32, #tpu.memory_space<vmem>>) dst(%dma_wait3A_158 : memref<80x128xf32, #tpu.memory_space<vmem_shared>>)
          tpu.yield
        }) : () -> ()
      } else {
      }
      %barrier3A_66 = arith.constant 0 : index
      tpu.barrier barrier_id(%barrier3A_66)
      %scan3A_67 = arith.constant 0 : i32
      %scan3A_68 = arith.constant 0 : i32
      %scan3A_69 = arith.constant 104 : i32
      %scan3A_70 = arith.addi %scan3A_68, %scan3A_69 : i32
      %scan3A_71 = arith.constant 1 : i32
      scf.for %scan3A_140 = %scan3A_68 to %scan3A_70 step %scan3A_71  : i32 {
        %mul3A_141 = arith.constant 2 : i32
        %mul3A_142 = arith.muli %mul3A_141, %scan3A_140 : i32
        %gt3A = arith.constant 0 : i32
        %gt3A_143 = arith.cmpi sgt, %scan3A_140, %gt3A : i32
        %convert_element_type3A_144 = arith.extui %gt3A_143 : i1 to i32
        %cond3A_145 = arith.constant 0 : i32
        %cond3A_146 = arith.cmpi ne, %convert_element_type3A_144, %cond3A_145 : i32
        scf.if %cond3A_146 {
          %dma_wait3A_218 = arith.constant 0 : i32
          %dma_wait3A_219 = arith.constant 0 : i32
          %dma_wait3A_220 = tpu.memref_slice %arg22[%dma_wait3A_218, %dma_wait3A_219] : memref<10016x128xf32, #tpu.memory_space<vmem_shared>> -> memref<10016x128xf32, #tpu.memory_space<vmem_shared>>
          tpu.wait_indirect_dma semaphore(%arg21 : memref<!tpu.dma_semaphore, #tpu.memory_space<semaphore_mem>>) src(%arg11 : memref<96x128xf32, #tpu.memory_space<vmem>>) dst(%dma_wait3A_220 : memref<10016x128xf32, #tpu.memory_space<vmem_shared>>)
          %dma_wait3A_221 = arith.constant 0 : i32
          %dma_wait3A_222 = arith.constant 0 : i32
          %dma_wait3A_223 = tpu.memref_slice %arg22[%dma_wait3A_221, %dma_wait3A_222] : memref<10016x128xf32, #tpu.memory_space<vmem_shared>> -> memref<10016x128xf32, #tpu.memory_space<vmem_shared>>
          tpu.wait_indirect_dma semaphore(%arg21 : memref<!tpu.dma_semaphore, #tpu.memory_space<semaphore_mem>>) src(%arg13 : memref<96x128xf32, #tpu.memory_space<vmem>>) dst(%dma_wait3A_223 : memref<10016x128xf32, #tpu.memory_space<vmem_shared>>)
        } else {
        }
        %add3A_147 = arith.constant 1 : i32
        %add3A_148 = arith.addi %mul3A_142, %add3A_147 : i32
        %mul3A_149 = arith.constant 20000 : i32
        %mul3A_150 = arith.muli %arg1, %mul3A_149 : i32
        %mul3A_151 = arith.constant 96 : i32
        %mul3A_152 = arith.muli %add3A_148, %mul3A_151 : i32
        %add3A_153 = arith.addi %mul3A_150, %mul3A_152 : i32
        %dma_start3A_154 = arith.constant 0 : i32
        %dma_start3A_155 = tpu.memref_slice %arg2[%add3A_153, %dma_start3A_154] : memref<320000x128xf32, #tpu.memory_space<hbm>> -> memref<96x128xf32, #tpu.memory_space<hbm>>
        %dma_start3A_156 = arith.constant 0 : i32
        %dma_start3A_157 = tpu.memref_slice %arg2[%add3A_153, %dma_start3A_156] : memref<320000x128xf32, #tpu.memory_space<hbm>> -> memref<96x128xf32, #tpu.memory_space<hbm>>
        tpu.enqueue_dma source(%dma_start3A_157 : memref<96x128xf32, #tpu.memory_space<hbm>>) target(%arg11 : memref<96x128xf32, #tpu.memory_space<vmem>>) target_semaphore(%arg19 : memref<!tpu.dma_semaphore, #tpu.memory_space<semaphore_mem>>)
        %dma_start3A_158 = tpu.memref_slice %arg4[%add3A_153] : memref<320000xi32, #tpu.memory_space<hbm>> -> memref<96xi32, #tpu.memory_space<hbm>>
        %dma_start3A_159 = tpu.memref_slice %arg4[%add3A_153] : memref<320000xi32, #tpu.memory_space<hbm>> -> memref<96xi32, #tpu.memory_space<hbm>>
        tpu.enqueue_dma source(%dma_start3A_159 : memref<96xi32, #tpu.memory_space<hbm>>) target(%arg15 : memref<96xi32, #tpu.memory_space<vmem>>) target_semaphore(%arg19 : memref<!tpu.dma_semaphore, #tpu.memory_space<semaphore_mem>>)
        %dma_start3A_160 = tpu.memref_slice %arg6[%add3A_153] : memref<320000xi32, #tpu.memory_space<hbm>> -> memref<96xi32, #tpu.memory_space<hbm>>
        %dma_start3A_161 = tpu.memref_slice %arg6[%add3A_153] : memref<320000xi32, #tpu.memory_space<hbm>> -> memref<96xi32, #tpu.memory_space<hbm>>
        tpu.enqueue_dma source(%dma_start3A_161 : memref<96xi32, #tpu.memory_space<hbm>>) target(%arg17 : memref<96xi32, #tpu.memory_space<vmem>>) target_semaphore(%arg19 : memref<!tpu.dma_semaphore, #tpu.memory_space<semaphore_mem>>)
        %mul3A_162 = arith.constant 20000 : i32
        %mul3A_163 = arith.muli %arg1, %mul3A_162 : i32
        %mul3A_164 = arith.constant 96 : i32
        %mul3A_165 = arith.muli %mul3A_142, %mul3A_164 : i32
        %add3A_166 = arith.addi %mul3A_163, %mul3A_165 : i32
        %dma_wait3A_167 = arith.constant 0 : i32
        %dma_wait3A_168 = tpu.memref_slice %arg2[%add3A_166, %dma_wait3A_167] : memref<320000x128xf32, #tpu.memory_space<hbm>> -> memref<96x128xf32, #tpu.memory_space<hbm>>
        %dma_wait3A_169 = arith.constant 0 : i32
        %dma_wait3A_170 = tpu.memref_slice %arg2[%add3A_166, %dma_wait3A_169] : memref<320000x128xf32, #tpu.memory_space<hbm>> -> memref<96x128xf32, #tpu.memory_space<hbm>>
        tpu.wait_dma2 semaphore(%arg18 : memref<!tpu.dma_semaphore, #tpu.memory_space<semaphore_mem>>) src(%dma_wait3A_170 : memref<96x128xf32, #tpu.memory_space<hbm>>) dst(%arg10 : memref<96x128xf32, #tpu.memory_space<vmem>>)
        %dma_wait3A_171 = tpu.memref_slice %arg4[%add3A_166] : memref<320000xi32, #tpu.memory_space<hbm>> -> memref<96xi32, #tpu.memory_space<hbm>>
        %dma_wait3A_172 = tpu.memref_slice %arg4[%add3A_166] : memref<320000xi32, #tpu.memory_space<hbm>> -> memref<96xi32, #tpu.memory_space<hbm>>
        tpu.wait_dma2 semaphore(%arg18 : memref<!tpu.dma_semaphore, #tpu.memory_space<semaphore_mem>>) src(%dma_wait3A_172 : memref<96xi32, #tpu.memory_space<hbm>>) dst(%arg14 : memref<96xi32, #tpu.memory_space<vmem>>)
        %dma_wait3A_173 = tpu.memref_slice %arg6[%add3A_166] : memref<320000xi32, #tpu.memory_space<hbm>> -> memref<96xi32, #tpu.memory_space<hbm>>
        %dma_wait3A_174 = tpu.memref_slice %arg6[%add3A_166] : memref<320000xi32, #tpu.memory_space<hbm>> -> memref<96xi32, #tpu.memory_space<hbm>>
        tpu.wait_dma2 semaphore(%arg18 : memref<!tpu.dma_semaphore, #tpu.memory_space<semaphore_mem>>) src(%dma_wait3A_174 : memref<96xi32, #tpu.memory_space<hbm>>) dst(%arg16 : memref<96xi32, #tpu.memory_space<vmem>>)
        %dma_start3A_175 = arith.constant 0 : i32
        %dma_start3A_176 = arith.constant 0 : i32
        %dma_start3A_177 = tpu.memref_slice %arg22[%dma_start3A_175, %dma_start3A_176] : memref<10016x128xf32, #tpu.memory_space<vmem_shared>> -> memref<10016x128xf32, #tpu.memory_space<vmem_shared>>
        tpu.enqueue_indirect_dma source(%arg10 : memref<96x128xf32, #tpu.memory_space<vmem>>) target(%dma_start3A_177 : memref<10016x128xf32, #tpu.memory_space<vmem_shared>>) offsets(%arg14 : memref<96xi32, #tpu.memory_space<vmem>>) semaphore(%arg20 : memref<!tpu.dma_semaphore, #tpu.memory_space<semaphore_mem>>) {add = true}
        %scan3A_178 = arith.constant 0 : i32
        %scan3A_179 = arith.constant 0 : i32
        %scan3A_180 = arith.constant 96 : i32
        %scan3A_181 = arith.addi %scan3A_179, %scan3A_180 : i32
        %scan3A_182 = arith.constant 1 : i32
        scf.for %scan3A_218 = %scan3A_179 to %scan3A_181 step %scan3A_182  : i32 {
          %get3A = arith.index_cast %scan3A_218 : i32 to index
          %get3A_219 = arith.constant 0 : index
          %get3A_220 = tpu.vector_load %arg10[%get3A, %get3A_219] {strides = array<i32>} : memref<96x128xf32, #tpu.memory_space<vmem>>, vector<1x16xf32>,
          %get3A_221 = vector.shape_cast %get3A_220 : vector<1x16xf32> to vector<16xf32>
          %neg3A = arith.constant 0.000000e+00 : f32
          %neg3A_222 = vector.broadcast %neg3A : f32 to vector<16xf32>
          %neg3A_223 = arith.subf %neg3A_222, %get3A_221 : vector<16xf32>
          %swap3A_224 = arith.index_cast %scan3A_218 : i32 to index
          %swap3A_225 = arith.constant 0 : index
          %swap3A_226 = tpu.vector_load %arg12[%swap3A_224, %swap3A_225] {strides = array<i32>} : memref<96x128xf32, #tpu.memory_space<vmem>>, vector<1x16xf32>,
          %swap3A_227 = vector.shape_cast %swap3A_226 : vector<1x16xf32> to vector<16xf32>
          %swap3A_228 = vector.shape_cast %neg3A_223 : vector<16xf32> to vector<1x16xf32>
          tpu.vector_store %arg12[%swap3A_224, %swap3A_225], %swap3A_228 {strides = array<i32>} : memref<96x128xf32, #tpu.memory_space<vmem>>, vector<1x16xf32>,
          %get3A_229 = arith.index_cast %scan3A_218 : i32 to index
          %get3A_230 = arith.constant 16 : index
          %get3A_231 = tpu.vector_load %arg10[%get3A_229, %get3A_230] {strides = array<i32>} : memref<96x128xf32, #tpu.memory_space<vmem>>, vector<1x16xf32>,
          %get3A_232 = vector.shape_cast %get3A_231 : vector<1x16xf32> to vector<16xf32>
          %neg3A_233 = arith.constant 0.000000e+00 : f32
          %neg3A_234 = vector.broadcast %neg3A_233 : f32 to vector<16xf32>
          %neg3A_235 = arith.subf %neg3A_234, %get3A_232 : vector<16xf32>
          %swap3A_236 = arith.index_cast %scan3A_218 : i32 to index
          %swap3A_237 = arith.constant 16 : index
          %swap3A_238 = tpu.vector_load %arg12[%swap3A_236, %swap3A_237] {strides = array<i32>} : memref<96x128xf32, #tpu.memory_space<vmem>>, vector<1x16xf32>,
          %swap3A_239 = vector.shape_cast %swap3A_238 : vector<1x16xf32> to vector<16xf32>
          %swap3A_240 = vector.shape_cast %neg3A_235 : vector<16xf32> to vector<1x16xf32>
          tpu.vector_store %arg12[%swap3A_236, %swap3A_237], %swap3A_240 {strides = array<i32>} : memref<96x128xf32, #tpu.memory_space<vmem>>, vector<1x16xf32>,
          %get3A_241 = arith.index_cast %scan3A_218 : i32 to index
          %get3A_242 = arith.constant 32 : index
          %get3A_243 = tpu.vector_load %arg10[%get3A_241, %get3A_242] {strides = array<i32>} : memref<96x128xf32, #tpu.memory_space<vmem>>, vector<1x16xf32>,
          %get3A_244 = vector.shape_cast %get3A_243 : vector<1x16xf32> to vector<16xf32>
          %neg3A_245 = arith.constant 0.000000e+00 : f32
          %neg3A_246 = vector.broadcast %neg3A_245 : f32 to vector<16xf32>
          %neg3A_247 = arith.subf %neg3A_246, %get3A_244 : vector<16xf32>
          %swap3A_248 = arith.index_cast %scan3A_218 : i32 to index
          %swap3A_249 = arith.constant 32 : index
          %swap3A_250 = tpu.vector_load %arg12[%swap3A_248, %swap3A_249] {strides = array<i32>} : memref<96x128xf32, #tpu.memory_space<vmem>>, vector<1x16xf32>,
          %swap3A_251 = vector.shape_cast %swap3A_250 : vector<1x16xf32> to vector<16xf32>
          %swap3A_252 = vector.shape_cast %neg3A_247 : vector<16xf32> to vector<1x16xf32>
          tpu.vector_store %arg12[%swap3A_248, %swap3A_249], %swap3A_252 {strides = array<i32>} : memref<96x128xf32, #tpu.memory_space<vmem>>, vector<1x16xf32>,
          %get3A_253 = arith.index_cast %scan3A_218 : i32 to index
          %get3A_254 = arith.constant 48 : index
          %get3A_255 = tpu.vector_load %arg10[%get3A_253, %get3A_254] {strides = array<i32>} : memref<96x128xf32, #tpu.memory_space<vmem>>, vector<1x16xf32>,
          %get3A_256 = vector.shape_cast %get3A_255 : vector<1x16xf32> to vector<16xf32>
          %neg3A_257 = arith.constant 0.000000e+00 : f32
          %neg3A_258 = vector.broadcast %neg3A_257 : f32 to vector<16xf32>
          %neg3A_259 = arith.subf %neg3A_258, %get3A_256 : vector<16xf32>
          %swap3A_260 = arith.index_cast %scan3A_218 : i32 to index
          %swap3A_261 = arith.constant 48 : index
          %swap3A_262 = tpu.vector_load %arg12[%swap3A_260, %swap3A_261] {strides = array<i32>} : memref<96x128xf32, #tpu.memory_space<vmem>>, vector<1x16xf32>,
          %swap3A_263 = vector.shape_cast %swap3A_262 : vector<1x16xf32> to vector<16xf32>
          %swap3A_264 = vector.shape_cast %neg3A_259 : vector<16xf32> to vector<1x16xf32>
          tpu.vector_store %arg12[%swap3A_260, %swap3A_261], %swap3A_264 {strides = array<i32>} : memref<96x128xf32, #tpu.memory_space<vmem>>, vector<1x16xf32>,
          %get3A_265 = arith.index_cast %scan3A_218 : i32 to index
          %get3A_266 = arith.constant 64 : index
          %get3A_267 = tpu.vector_load %arg10[%get3A_265, %get3A_266] {strides = array<i32>} : memref<96x128xf32, #tpu.memory_space<vmem>>, vector<1x16xf32>,
          %get3A_268 = vector.shape_cast %get3A_267 : vector<1x16xf32> to vector<16xf32>
          %neg3A_269 = arith.constant 0.000000e+00 : f32
          %neg3A_270 = vector.broadcast %neg3A_269 : f32 to vector<16xf32>
          %neg3A_271 = arith.subf %neg3A_270, %get3A_268 : vector<16xf32>
          %swap3A_272 = arith.index_cast %scan3A_218 : i32 to index
          %swap3A_273 = arith.constant 64 : index
          %swap3A_274 = tpu.vector_load %arg12[%swap3A_272, %swap3A_273] {strides = array<i32>} : memref<96x128xf32, #tpu.memory_space<vmem>>, vector<1x16xf32>,
          %swap3A_275 = vector.shape_cast %swap3A_274 : vector<1x16xf32> to vector<16xf32>
          %swap3A_276 = vector.shape_cast %neg3A_271 : vector<16xf32> to vector<1x16xf32>
          tpu.vector_store %arg12[%swap3A_272, %swap3A_273], %swap3A_276 {strides = array<i32>} : memref<96x128xf32, #tpu.memory_space<vmem>>, vector<1x16xf32>,
          %get3A_277 = arith.index_cast %scan3A_218 : i32 to index
          %get3A_278 = arith.constant 80 : index
          %get3A_279 = tpu.vector_load %arg10[%get3A_277, %get3A_278] {strides = array<i32>} : memref<96x128xf32, #tpu.memory_space<vmem>>, vector<1x16xf32>,
          %get3A_280 = vector.shape_cast %get3A_279 : vector<1x16xf32> to vector<16xf32>
          %neg3A_281 = arith.constant 0.000000e+00 : f32
          %neg3A_282 = vector.broadcast %neg3A_281 : f32 to vector<16xf32>
          %neg3A_283 = arith.subf %neg3A_282, %get3A_280 : vector<16xf32>
          %swap3A_284 = arith.index_cast %scan3A_218 : i32 to index
          %swap3A_285 = arith.constant 80 : index
          %swap3A_286 = tpu.vector_load %arg12[%swap3A_284, %swap3A_285] {strides = array<i32>} : memref<96x128xf32, #tpu.memory_space<vmem>>, vector<1x16xf32>,
          %swap3A_287 = vector.shape_cast %swap3A_286 : vector<1x16xf32> to vector<16xf32>
          %swap3A_288 = vector.shape_cast %neg3A_283 : vector<16xf32> to vector<1x16xf32>
          tpu.vector_store %arg12[%swap3A_284, %swap3A_285], %swap3A_288 {strides = array<i32>} : memref<96x128xf32, #tpu.memory_space<vmem>>, vector<1x16xf32>,
          %get3A_289 = arith.index_cast %scan3A_218 : i32 to index
          %get3A_290 = arith.constant 96 : index
          %get3A_291 = tpu.vector_load %arg10[%get3A_289, %get3A_290] {strides = array<i32>} : memref<96x128xf32, #tpu.memory_space<vmem>>, vector<1x16xf32>,
          %get3A_292 = vector.shape_cast %get3A_291 : vector<1x16xf32> to vector<16xf32>
          %neg3A_293 = arith.constant 0.000000e+00 : f32
          %neg3A_294 = vector.broadcast %neg3A_293 : f32 to vector<16xf32>
          %neg3A_295 = arith.subf %neg3A_294, %get3A_292 : vector<16xf32>
          %swap3A_296 = arith.index_cast %scan3A_218 : i32 to index
          %swap3A_297 = arith.constant 96 : index
          %swap3A_298 = tpu.vector_load %arg12[%swap3A_296, %swap3A_297] {strides = array<i32>} : memref<96x128xf32, #tpu.memory_space<vmem>>, vector<1x16xf32>,
          %swap3A_299 = vector.shape_cast %swap3A_298 : vector<1x16xf32> to vector<16xf32>
          %swap3A_300 = vector.shape_cast %neg3A_295 : vector<16xf32> to vector<1x16xf32>
          tpu.vector_store %arg12[%swap3A_296, %swap3A_297], %swap3A_300 {strides = array<i32>} : memref<96x128xf32, #tpu.memory_space<vmem>>, vector<1x16xf32>,
          %get3A_301 = arith.index_cast %scan3A_218 : i32 to index
          %get3A_302 = arith.constant 112 : index
          %get3A_303 = tpu.vector_load %arg10[%get3A_301, %get3A_302] {strides = array<i32>} : memref<96x128xf32, #tpu.memory_space<vmem>>, vector<1x16xf32>,
          %get3A_304 = vector.shape_cast %get3A_303 : vector<1x16xf32> to vector<16xf32>
          %neg3A_305 = arith.constant 0.000000e+00 : f32
          %neg3A_306 = vector.broadcast %neg3A_305 : f32 to vector<16xf32>
          %neg3A_307 = arith.subf %neg3A_306, %get3A_304 : vector<16xf32>
          %swap3A_308 = arith.index_cast %scan3A_218 : i32 to index
          %swap3A_309 = arith.constant 112 : index
          %swap3A_310 = tpu.vector_load %arg12[%swap3A_308, %swap3A_309] {strides = array<i32>} : memref<96x128xf32, #tpu.memory_space<vmem>>, vector<1x16xf32>,
          %swap3A_311 = vector.shape_cast %swap3A_310 : vector<1x16xf32> to vector<16xf32>
          %swap3A_312 = vector.shape_cast %neg3A_307 : vector<16xf32> to vector<1x16xf32>
          tpu.vector_store %arg12[%swap3A_308, %swap3A_309], %swap3A_312 {strides = array<i32>} : memref<96x128xf32, #tpu.memory_space<vmem>>, vector<1x16xf32>,
        }
        %scan3A_183 = arith.constant 96 : i32
        %dma_start3A_184 = arith.constant 0 : i32
        %dma_start3A_185 = arith.constant 0 : i32
        %dma_start3A_186 = tpu.memref_slice %arg22[%dma_start3A_184, %dma_start3A_185] : memref<10016x128xf32, #tpu.memory_space<vmem_shared>> -> memref<10016x128xf32, #tpu.memory_space<vmem_shared>>
        tpu.enqueue_indirect_dma source(%arg12 : memref<96x128xf32, #tpu.memory_space<vmem>>) target(%dma_start3A_186 : memref<10016x128xf32, #tpu.memory_space<vmem_shared>>) offsets(%arg16 : memref<96xi32, #tpu.memory_space<vmem>>) semaphore(%arg20 : memref<!tpu.dma_semaphore, #tpu.memory_space<semaphore_mem>>) {add = true}
        %lt3A = arith.constant 103 : i32
        %lt3A_187 = arith.cmpi slt, %scan3A_140, %lt3A : i32
        %convert_element_type3A_188 = arith.extui %lt3A_187 : i1 to i32
        %cond3A_189 = arith.constant 0 : i32
        %cond3A_190 = arith.cmpi ne, %convert_element_type3A_188, %cond3A_189 : i32
        scf.if %cond3A_190 {
          %dma_wait3A_218 = arith.constant 0 : i32
          %dma_wait3A_219 = arith.constant 0 : i32
          %dma_wait3A_220 = tpu.memref_slice %arg22[%dma_wait3A_218, %dma_wait3A_219] : memref<10016x128xf32, #tpu.memory_space<vmem_shared>> -> memref<10016x128xf32, #tpu.memory_space<vmem_shared>>
          tpu.wait_indirect_dma semaphore(%arg20 : memref<!tpu.dma_semaphore, #tpu.memory_space<semaphore_mem>>) src(%arg10 : memref<96x128xf32, #tpu.memory_space<vmem>>) dst(%dma_wait3A_220 : memref<10016x128xf32, #tpu.memory_space<vmem_shared>>)
          %dma_wait3A_221 = arith.constant 0 : i32
          %dma_wait3A_222 = arith.constant 0 : i32
          %dma_wait3A_223 = tpu.memref_slice %arg22[%dma_wait3A_221, %dma_wait3A_222] : memref<10016x128xf32, #tpu.memory_space<vmem_shared>> -> memref<10016x128xf32, #tpu.memory_space<vmem_shared>>
          tpu.wait_indirect_dma semaphore(%arg20 : memref<!tpu.dma_semaphore, #tpu.memory_space<semaphore_mem>>) src(%arg12 : memref<96x128xf32, #tpu.memory_space<vmem>>) dst(%dma_wait3A_223 : memref<10016x128xf32, #tpu.memory_space<vmem_shared>>)
          %add3A_224 = arith.constant 2 : i32
          %add3A_225 = arith.addi %mul3A_142, %add3A_224 : i32
          %mul3A_226 = arith.constant 20000 : i32
          %mul3A_227 = arith.muli %arg1, %mul3A_226 : i32
          %mul3A_228 = arith.constant 96 : i32
          %mul3A_229 = arith.muli %add3A_225, %mul3A_228 : i32
          %add3A_230 = arith.addi %mul3A_227, %mul3A_229 : i32
          %dma_start3A_231 = arith.constant 0 : i32
          %dma_start3A_232 = tpu.memref_slice %arg2[%add3A_230, %dma_start3A_231] : memref<320000x128xf32, #tpu.memory_space<hbm>> -> memref<96x128xf32, #tpu.memory_space<hbm>>
          %dma_start3A_233 = arith.constant 0 : i32
          %dma_start3A_234 = tpu.memref_slice %arg2[%add3A_230, %dma_start3A_233] : memref<320000x128xf32, #tpu.memory_space<hbm>> -> memref<96x128xf32, #tpu.memory_space<hbm>>
          tpu.enqueue_dma source(%dma_start3A_234 : memref<96x128xf32, #tpu.memory_space<hbm>>) target(%arg10 : memref<96x128xf32, #tpu.memory_space<vmem>>) target_semaphore(%arg18 : memref<!tpu.dma_semaphore, #tpu.memory_space<semaphore_mem>>)
          %dma_start3A_235 = tpu.memref_slice %arg4[%add3A_230] : memref<320000xi32, #tpu.memory_space<hbm>> -> memref<96xi32, #tpu.memory_space<hbm>>
          %dma_start3A_236 = tpu.memref_slice %arg4[%add3A_230] : memref<320000xi32, #tpu.memory_space<hbm>> -> memref<96xi32, #tpu.memory_space<hbm>>
          tpu.enqueue_dma source(%dma_start3A_236 : memref<96xi32, #tpu.memory_space<hbm>>) target(%arg14 : memref<96xi32, #tpu.memory_space<vmem>>) target_semaphore(%arg18 : memref<!tpu.dma_semaphore, #tpu.memory_space<semaphore_mem>>)
          %dma_start3A_237 = tpu.memref_slice %arg6[%add3A_230] : memref<320000xi32, #tpu.memory_space<hbm>> -> memref<96xi32, #tpu.memory_space<hbm>>
          %dma_start3A_238 = tpu.memref_slice %arg6[%add3A_230] : memref<320000xi32, #tpu.memory_space<hbm>> -> memref<96xi32, #tpu.memory_space<hbm>>
          tpu.enqueue_dma source(%dma_start3A_238 : memref<96xi32, #tpu.memory_space<hbm>>) target(%arg16 : memref<96xi32, #tpu.memory_space<vmem>>) target_semaphore(%arg18 : memref<!tpu.dma_semaphore, #tpu.memory_space<semaphore_mem>>)
        } else {
        }
        %add3A_191 = arith.constant 1 : i32
        %add3A_192 = arith.addi %mul3A_142, %add3A_191 : i32
        %mul3A_193 = arith.constant 20000 : i32
        %mul3A_194 = arith.muli %arg1, %mul3A_193 : i32
        %mul3A_195 = arith.constant 96 : i32
        %mul3A_196 = arith.muli %add3A_192, %mul3A_195 : i32
        %add3A_197 = arith.addi %mul3A_194, %mul3A_196 : i32
        %dma_wait3A_198 = arith.constant 0 : i32
        %dma_wait3A_199 = tpu.memref_slice %arg2[%add3A_197, %dma_wait3A_198] : memref<320000x128xf32, #tpu.memory_space<hbm>> -> memref<96x128xf32, #tpu.memory_space<hbm>>
        %dma_wait3A_200 = arith.constant 0 : i32
        %dma_wait3A_201 = tpu.memref_slice %arg2[%add3A_197, %dma_wait3A_200] : memref<320000x128xf32, #tpu.memory_space<hbm>> -> memref<96x128xf32, #tpu.memory_space<hbm>>
        tpu.wait_dma2 semaphore(%arg19 : memref<!tpu.dma_semaphore, #tpu.memory_space<semaphore_mem>>) src(%dma_wait3A_201 : memref<96x128xf32, #tpu.memory_space<hbm>>) dst(%arg11 : memref<96x128xf32, #tpu.memory_space<vmem>>)
        %dma_wait3A_202 = tpu.memref_slice %arg4[%add3A_197] : memref<320000xi32, #tpu.memory_space<hbm>> -> memref<96xi32, #tpu.memory_space<hbm>>
        %dma_wait3A_203 = tpu.memref_slice %arg4[%add3A_197] : memref<320000xi32, #tpu.memory_space<hbm>> -> memref<96xi32, #tpu.memory_space<hbm>>
        tpu.wait_dma2 semaphore(%arg19 : memref<!tpu.dma_semaphore, #tpu.memory_space<semaphore_mem>>) src(%dma_wait3A_203 : memref<96xi32, #tpu.memory_space<hbm>>) dst(%arg15 : memref<96xi32, #tpu.memory_space<vmem>>)
        %dma_wait3A_204 = tpu.memref_slice %arg6[%add3A_197] : memref<320000xi32, #tpu.memory_space<hbm>> -> memref<96xi32, #tpu.memory_space<hbm>>
        %dma_wait3A_205 = tpu.memref_slice %arg6[%add3A_197] : memref<320000xi32, #tpu.memory_space<hbm>> -> memref<96xi32, #tpu.memory_space<hbm>>
        tpu.wait_dma2 semaphore(%arg19 : memref<!tpu.dma_semaphore, #tpu.memory_space<semaphore_mem>>) src(%dma_wait3A_205 : memref<96xi32, #tpu.memory_space<hbm>>) dst(%arg17 : memref<96xi32, #tpu.memory_space<vmem>>)
        %dma_start3A_206 = arith.constant 0 : i32
        %dma_start3A_207 = arith.constant 0 : i32
        %dma_start3A_208 = tpu.memref_slice %arg22[%dma_start3A_206, %dma_start3A_207] : memref<10016x128xf32, #tpu.memory_space<vmem_shared>> -> memref<10016x128xf32, #tpu.memory_space<vmem_shared>>
        tpu.enqueue_indirect_dma source(%arg11 : memref<96x128xf32, #tpu.memory_space<vmem>>) target(%dma_start3A_208 : memref<10016x128xf32, #tpu.memory_space<vmem_shared>>) offsets(%arg15 : memref<96xi32, #tpu.memory_space<vmem>>) semaphore(%arg21 : memref<!tpu.dma_semaphore, #tpu.memory_space<semaphore_mem>>) {add = true}
        %scan3A_209 = arith.constant 0 : i32
        %scan3A_210 = arith.constant 0 : i32
        %scan3A_211 = arith.constant 96 : i32
        %scan3A_212 = arith.addi %scan3A_210, %scan3A_211 : i32
        %scan3A_213 = arith.constant 1 : i32
        scf.for %scan3A_218 = %scan3A_210 to %scan3A_212 step %scan3A_213  : i32 {
          %get3A = arith.index_cast %scan3A_218 : i32 to index
          %get3A_219 = arith.constant 0 : index
          %get3A_220 = tpu.vector_load %arg11[%get3A, %get3A_219] {strides = array<i32>} : memref<96x128xf32, #tpu.memory_space<vmem>>, vector<1x16xf32>,
          %get3A_221 = vector.shape_cast %get3A_220 : vector<1x16xf32> to vector<16xf32>
          %neg3A = arith.constant 0.000000e+00 : f32
          %neg3A_222 = vector.broadcast %neg3A : f32 to vector<16xf32>
          %neg3A_223 = arith.subf %neg3A_222, %get3A_221 : vector<16xf32>
          %swap3A_224 = arith.index_cast %scan3A_218 : i32 to index
          %swap3A_225 = arith.constant 0 : index
          %swap3A_226 = tpu.vector_load %arg13[%swap3A_224, %swap3A_225] {strides = array<i32>} : memref<96x128xf32, #tpu.memory_space<vmem>>, vector<1x16xf32>,
          %swap3A_227 = vector.shape_cast %swap3A_226 : vector<1x16xf32> to vector<16xf32>
          %swap3A_228 = vector.shape_cast %neg3A_223 : vector<16xf32> to vector<1x16xf32>
          tpu.vector_store %arg13[%swap3A_224, %swap3A_225], %swap3A_228 {strides = array<i32>} : memref<96x128xf32, #tpu.memory_space<vmem>>, vector<1x16xf32>,
          %get3A_229 = arith.index_cast %scan3A_218 : i32 to index
          %get3A_230 = arith.constant 16 : index
          %get3A_231 = tpu.vector_load %arg11[%get3A_229, %get3A_230] {strides = array<i32>} : memref<96x128xf32, #tpu.memory_space<vmem>>, vector<1x16xf32>,
          %get3A_232 = vector.shape_cast %get3A_231 : vector<1x16xf32> to vector<16xf32>
          %neg3A_233 = arith.constant 0.000000e+00 : f32
          %neg3A_234 = vector.broadcast %neg3A_233 : f32 to vector<16xf32>
          %neg3A_235 = arith.subf %neg3A_234, %get3A_232 : vector<16xf32>
          %swap3A_236 = arith.index_cast %scan3A_218 : i32 to index
          %swap3A_237 = arith.constant 16 : index
          %swap3A_238 = tpu.vector_load %arg13[%swap3A_236, %swap3A_237] {strides = array<i32>} : memref<96x128xf32, #tpu.memory_space<vmem>>, vector<1x16xf32>,
          %swap3A_239 = vector.shape_cast %swap3A_238 : vector<1x16xf32> to vector<16xf32>
          %swap3A_240 = vector.shape_cast %neg3A_235 : vector<16xf32> to vector<1x16xf32>
          tpu.vector_store %arg13[%swap3A_236, %swap3A_237], %swap3A_240 {strides = array<i32>} : memref<96x128xf32, #tpu.memory_space<vmem>>, vector<1x16xf32>,
          %get3A_241 = arith.index_cast %scan3A_218 : i32 to index
          %get3A_242 = arith.constant 32 : index
          %get3A_243 = tpu.vector_load %arg11[%get3A_241, %get3A_242] {strides = array<i32>} : memref<96x128xf32, #tpu.memory_space<vmem>>, vector<1x16xf32>,
          %get3A_244 = vector.shape_cast %get3A_243 : vector<1x16xf32> to vector<16xf32>
          %neg3A_245 = arith.constant 0.000000e+00 : f32
          %neg3A_246 = vector.broadcast %neg3A_245 : f32 to vector<16xf32>
          %neg3A_247 = arith.subf %neg3A_246, %get3A_244 : vector<16xf32>
          %swap3A_248 = arith.index_cast %scan3A_218 : i32 to index
          %swap3A_249 = arith.constant 32 : index
          %swap3A_250 = tpu.vector_load %arg13[%swap3A_248, %swap3A_249] {strides = array<i32>} : memref<96x128xf32, #tpu.memory_space<vmem>>, vector<1x16xf32>,
          %swap3A_251 = vector.shape_cast %swap3A_250 : vector<1x16xf32> to vector<16xf32>
          %swap3A_252 = vector.shape_cast %neg3A_247 : vector<16xf32> to vector<1x16xf32>
          tpu.vector_store %arg13[%swap3A_248, %swap3A_249], %swap3A_252 {strides = array<i32>} : memref<96x128xf32, #tpu.memory_space<vmem>>, vector<1x16xf32>,
          %get3A_253 = arith.index_cast %scan3A_218 : i32 to index
          %get3A_254 = arith.constant 48 : index
          %get3A_255 = tpu.vector_load %arg11[%get3A_253, %get3A_254] {strides = array<i32>} : memref<96x128xf32, #tpu.memory_space<vmem>>, vector<1x16xf32>,
          %get3A_256 = vector.shape_cast %get3A_255 : vector<1x16xf32> to vector<16xf32>
          %neg3A_257 = arith.constant 0.000000e+00 : f32
          %neg3A_258 = vector.broadcast %neg3A_257 : f32 to vector<16xf32>
          %neg3A_259 = arith.subf %neg3A_258, %get3A_256 : vector<16xf32>
          %swap3A_260 = arith.index_cast %scan3A_218 : i32 to index
          %swap3A_261 = arith.constant 48 : index
          %swap3A_262 = tpu.vector_load %arg13[%swap3A_260, %swap3A_261] {strides = array<i32>} : memref<96x128xf32, #tpu.memory_space<vmem>>, vector<1x16xf32>,
          %swap3A_263 = vector.shape_cast %swap3A_262 : vector<1x16xf32> to vector<16xf32>
          %swap3A_264 = vector.shape_cast %neg3A_259 : vector<16xf32> to vector<1x16xf32>
          tpu.vector_store %arg13[%swap3A_260, %swap3A_261], %swap3A_264 {strides = array<i32>} : memref<96x128xf32, #tpu.memory_space<vmem>>, vector<1x16xf32>,
          %get3A_265 = arith.index_cast %scan3A_218 : i32 to index
          %get3A_266 = arith.constant 64 : index
          %get3A_267 = tpu.vector_load %arg11[%get3A_265, %get3A_266] {strides = array<i32>} : memref<96x128xf32, #tpu.memory_space<vmem>>, vector<1x16xf32>,
          %get3A_268 = vector.shape_cast %get3A_267 : vector<1x16xf32> to vector<16xf32>
          %neg3A_269 = arith.constant 0.000000e+00 : f32
          %neg3A_270 = vector.broadcast %neg3A_269 : f32 to vector<16xf32>
          %neg3A_271 = arith.subf %neg3A_270, %get3A_268 : vector<16xf32>
          %swap3A_272 = arith.index_cast %scan3A_218 : i32 to index
          %swap3A_273 = arith.constant 64 : index
          %swap3A_274 = tpu.vector_load %arg13[%swap3A_272, %swap3A_273] {strides = array<i32>} : memref<96x128xf32, #tpu.memory_space<vmem>>, vector<1x16xf32>,
          %swap3A_275 = vector.shape_cast %swap3A_274 : vector<1x16xf32> to vector<16xf32>
          %swap3A_276 = vector.shape_cast %neg3A_271 : vector<16xf32> to vector<1x16xf32>
          tpu.vector_store %arg13[%swap3A_272, %swap3A_273], %swap3A_276 {strides = array<i32>} : memref<96x128xf32, #tpu.memory_space<vmem>>, vector<1x16xf32>,
          %get3A_277 = arith.index_cast %scan3A_218 : i32 to index
          %get3A_278 = arith.constant 80 : index
          %get3A_279 = tpu.vector_load %arg11[%get3A_277, %get3A_278] {strides = array<i32>} : memref<96x128xf32, #tpu.memory_space<vmem>>, vector<1x16xf32>,
          %get3A_280 = vector.shape_cast %get3A_279 : vector<1x16xf32> to vector<16xf32>
          %neg3A_281 = arith.constant 0.000000e+00 : f32
          %neg3A_282 = vector.broadcast %neg3A_281 : f32 to vector<16xf32>
          %neg3A_283 = arith.subf %neg3A_282, %get3A_280 : vector<16xf32>
          %swap3A_284 = arith.index_cast %scan3A_218 : i32 to index
          %swap3A_285 = arith.constant 80 : index
          %swap3A_286 = tpu.vector_load %arg13[%swap3A_284, %swap3A_285] {strides = array<i32>} : memref<96x128xf32, #tpu.memory_space<vmem>>, vector<1x16xf32>,
          %swap3A_287 = vector.shape_cast %swap3A_286 : vector<1x16xf32> to vector<16xf32>
          %swap3A_288 = vector.shape_cast %neg3A_283 : vector<16xf32> to vector<1x16xf32>
          tpu.vector_store %arg13[%swap3A_284, %swap3A_285], %swap3A_288 {strides = array<i32>} : memref<96x128xf32, #tpu.memory_space<vmem>>, vector<1x16xf32>,
          %get3A_289 = arith.index_cast %scan3A_218 : i32 to index
          %get3A_290 = arith.constant 96 : index
          %get3A_291 = tpu.vector_load %arg11[%get3A_289, %get3A_290] {strides = array<i32>} : memref<96x128xf32, #tpu.memory_space<vmem>>, vector<1x16xf32>,
          %get3A_292 = vector.shape_cast %get3A_291 : vector<1x16xf32> to vector<16xf32>
          %neg3A_293 = arith.constant 0.000000e+00 : f32
          %neg3A_294 = vector.broadcast %neg3A_293 : f32 to vector<16xf32>
          %neg3A_295 = arith.subf %neg3A_294, %get3A_292 : vector<16xf32>
          %swap3A_296 = arith.index_cast %scan3A_218 : i32 to index
          %swap3A_297 = arith.constant 96 : index
          %swap3A_298 = tpu.vector_load %arg13[%swap3A_296, %swap3A_297] {strides = array<i32>} : memref<96x128xf32, #tpu.memory_space<vmem>>, vector<1x16xf32>,
          %swap3A_299 = vector.shape_cast %swap3A_298 : vector<1x16xf32> to vector<16xf32>
          %swap3A_300 = vector.shape_cast %neg3A_295 : vector<16xf32> to vector<1x16xf32>
          tpu.vector_store %arg13[%swap3A_296, %swap3A_297], %swap3A_300 {strides = array<i32>} : memref<96x128xf32, #tpu.memory_space<vmem>>, vector<1x16xf32>,
          %get3A_301 = arith.index_cast %scan3A_218 : i32 to index
          %get3A_302 = arith.constant 112 : index
          %get3A_303 = tpu.vector_load %arg11[%get3A_301, %get3A_302] {strides = array<i32>} : memref<96x128xf32, #tpu.memory_space<vmem>>, vector<1x16xf32>,
          %get3A_304 = vector.shape_cast %get3A_303 : vector<1x16xf32> to vector<16xf32>
          %neg3A_305 = arith.constant 0.000000e+00 : f32
          %neg3A_306 = vector.broadcast %neg3A_305 : f32 to vector<16xf32>
          %neg3A_307 = arith.subf %neg3A_306, %get3A_304 : vector<16xf32>
          %swap3A_308 = arith.index_cast %scan3A_218 : i32 to index
          %swap3A_309 = arith.constant 112 : index
          %swap3A_310 = tpu.vector_load %arg13[%swap3A_308, %swap3A_309] {strides = array<i32>} : memref<96x128xf32, #tpu.memory_space<vmem>>, vector<1x16xf32>,
          %swap3A_311 = vector.shape_cast %swap3A_310 : vector<1x16xf32> to vector<16xf32>
          %swap3A_312 = vector.shape_cast %neg3A_307 : vector<16xf32> to vector<1x16xf32>
          tpu.vector_store %arg13[%swap3A_308, %swap3A_309], %swap3A_312 {strides = array<i32>} : memref<96x128xf32, #tpu.memory_space<vmem>>, vector<1x16xf32>,
        }
        %scan3A_214 = arith.constant 96 : i32
        %dma_start3A_215 = arith.constant 0 : i32
        %dma_start3A_216 = arith.constant 0 : i32
        %dma_start3A_217 = tpu.memref_slice %arg22[%dma_start3A_215, %dma_start3A_216] : memref<10016x128xf32, #tpu.memory_space<vmem_shared>> -> memref<10016x128xf32, #tpu.memory_space<vmem_shared>>
        tpu.enqueue_indirect_dma source(%arg13 : memref<96x128xf32, #tpu.memory_space<vmem>>) target(%dma_start3A_217 : memref<10016x128xf32, #tpu.memory_space<vmem_shared>>) offsets(%arg17 : memref<96xi32, #tpu.memory_space<vmem>>) semaphore(%arg21 : memref<!tpu.dma_semaphore, #tpu.memory_space<semaphore_mem>>) {add = true}
      }
      %scan3A_72 = arith.constant 104 : i32
      %dma_wait3A = arith.constant 0 : i32
      %dma_wait3A_73 = arith.constant 0 : i32
      %dma_wait3A_74 = tpu.memref_slice %arg22[%dma_wait3A, %dma_wait3A_73] : memref<10016x128xf32, #tpu.memory_space<vmem_shared>> -> memref<10016x128xf32, #tpu.memory_space<vmem_shared>>
      tpu.wait_indirect_dma semaphore(%arg20 : memref<!tpu.dma_semaphore, #tpu.memory_space<semaphore_mem>>) src(%arg10 : memref<96x128xf32, #tpu.memory_space<vmem>>) dst(%dma_wait3A_74 : memref<10016x128xf32, #tpu.memory_space<vmem_shared>>)
      %dma_wait3A_75 = arith.constant 0 : i32
      %dma_wait3A_76 = arith.constant 0 : i32
      %dma_wait3A_77 = tpu.memref_slice %arg22[%dma_wait3A_75, %dma_wait3A_76] : memref<10016x128xf32, #tpu.memory_space<vmem_shared>> -> memref<10016x128xf32, #tpu.memory_space<vmem_shared>>
      tpu.wait_indirect_dma semaphore(%arg20 : memref<!tpu.dma_semaphore, #tpu.memory_space<semaphore_mem>>) src(%arg12 : memref<96x128xf32, #tpu.memory_space<vmem>>) dst(%dma_wait3A_77 : memref<10016x128xf32, #tpu.memory_space<vmem_shared>>)
      %mul3A_78 = arith.constant 20000 : i32
      %mul3A_79 = arith.muli %arg1, %mul3A_78 : i32
      %add3A_80 = arith.constant 19968 : i32
      %add3A_81 = arith.addi %mul3A_79, %add3A_80 : i32
      "tpu.region"() ({
        %run_scoped3A = tpu.sem_alloc : memref<!tpu.dma_semaphore, #tpu.memory_space<semaphore_mem>>
        %dma_start3A_140 = arith.constant 0 : i32
        %dma_start3A_141 = arith.constant 0 : i32
        %dma_start3A_142 = tpu.memref_slice %arg10[%dma_start3A_140, %dma_start3A_141] : memref<96x128xf32, #tpu.memory_space<vmem>> -> memref<32x128xf32, #tpu.memory_space<vmem>>
        %dma_start3A_143 = arith.constant 0 : i32
        %dma_start3A_144 = tpu.memref_slice %arg2[%add3A_81, %dma_start3A_143] : memref<320000x128xf32, #tpu.memory_space<hbm>> -> memref<32x128xf32, #tpu.memory_space<hbm>>
        %dma_start3A_145 = arith.constant 0 : i32
        %dma_start3A_146 = arith.constant 0 : i32
        %dma_start3A_147 = tpu.memref_slice %arg10[%dma_start3A_145, %dma_start3A_146] : memref<96x128xf32, #tpu.memory_space<vmem>> -> memref<32x128xf32, #tpu.memory_space<vmem>>
        %dma_start3A_148 = arith.constant 0 : i32
        %dma_start3A_149 = tpu.memref_slice %arg2[%add3A_81, %dma_start3A_148] : memref<320000x128xf32, #tpu.memory_space<hbm>> -> memref<32x128xf32, #tpu.memory_space<hbm>>
        tpu.enqueue_dma source(%dma_start3A_149 : memref<32x128xf32, #tpu.memory_space<hbm>>) target(%dma_start3A_147 : memref<32x128xf32, #tpu.memory_space<vmem>>) target_semaphore(%run_scoped3A : memref<!tpu.dma_semaphore, #tpu.memory_space<semaphore_mem>>)
        %dma_wait3A_150 = arith.constant 0 : i32
        %dma_wait3A_151 = arith.constant 0 : i32
        %dma_wait3A_152 = tpu.memref_slice %arg10[%dma_wait3A_150, %dma_wait3A_151] : memref<96x128xf32, #tpu.memory_space<vmem>> -> memref<32x128xf32, #tpu.memory_space<vmem>>
        %dma_wait3A_153 = arith.constant 0 : i32
        %dma_wait3A_154 = tpu.memref_slice %arg2[%add3A_81, %dma_wait3A_153] : memref<320000x128xf32, #tpu.memory_space<hbm>> -> memref<32x128xf32, #tpu.memory_space<hbm>>
        %dma_wait3A_155 = arith.constant 0 : i32
        %dma_wait3A_156 = arith.constant 0 : i32
        %dma_wait3A_157 = tpu.memref_slice %arg10[%dma_wait3A_155, %dma_wait3A_156] : memref<96x128xf32, #tpu.memory_space<vmem>> -> memref<32x128xf32, #tpu.memory_space<vmem>>
        %dma_wait3A_158 = arith.constant 0 : i32
        %dma_wait3A_159 = tpu.memref_slice %arg2[%add3A_81, %dma_wait3A_158] : memref<320000x128xf32, #tpu.memory_space<hbm>> -> memref<32x128xf32, #tpu.memory_space<hbm>>
        tpu.wait_dma2 semaphore(%run_scoped3A : memref<!tpu.dma_semaphore, #tpu.memory_space<semaphore_mem>>) src(%dma_wait3A_159 : memref<32x128xf32, #tpu.memory_space<hbm>>) dst(%dma_wait3A_157 : memref<32x128xf32, #tpu.memory_space<vmem>>)
        tpu.yield
      }) : () -> ()
      "tpu.region"() ({
        %run_scoped3A = tpu.sem_alloc : memref<!tpu.dma_semaphore, #tpu.memory_space<semaphore_mem>>
        %dma_start3A_140 = arith.constant 0 : i32
        %dma_start3A_141 = tpu.memref_slice %arg14[%dma_start3A_140] : memref<96xi32, #tpu.memory_space<vmem>> -> memref<32xi32, #tpu.memory_space<vmem>>
        %dma_start3A_142 = tpu.memref_slice %arg4[%add3A_81] : memref<320000xi32, #tpu.memory_space<hbm>> -> memref<32xi32, #tpu.memory_space<hbm>>
        %dma_start3A_143 = arith.constant 0 : i32
        %dma_start3A_144 = tpu.memref_slice %arg14[%dma_start3A_143] : memref<96xi32, #tpu.memory_space<vmem>> -> memref<32xi32, #tpu.memory_space<vmem>>
        %dma_start3A_145 = tpu.memref_slice %arg4[%add3A_81] : memref<320000xi32, #tpu.memory_space<hbm>> -> memref<32xi32, #tpu.memory_space<hbm>>
        tpu.enqueue_dma source(%dma_start3A_145 : memref<32xi32, #tpu.memory_space<hbm>>) target(%dma_start3A_144 : memref<32xi32, #tpu.memory_space<vmem>>) target_semaphore(%run_scoped3A : memref<!tpu.dma_semaphore, #tpu.memory_space<semaphore_mem>>)
        %dma_wait3A_146 = arith.constant 0 : i32
        %dma_wait3A_147 = tpu.memref_slice %arg14[%dma_wait3A_146] : memref<96xi32, #tpu.memory_space<vmem>> -> memref<32xi32, #tpu.memory_space<vmem>>
        %dma_wait3A_148 = tpu.memref_slice %arg4[%add3A_81] : memref<320000xi32, #tpu.memory_space<hbm>> -> memref<32xi32, #tpu.memory_space<hbm>>
        %dma_wait3A_149 = arith.constant 0 : i32
        %dma_wait3A_150 = tpu.memref_slice %arg14[%dma_wait3A_149] : memref<96xi32, #tpu.memory_space<vmem>> -> memref<32xi32, #tpu.memory_space<vmem>>
        %dma_wait3A_151 = tpu.memref_slice %arg4[%add3A_81] : memref<320000xi32, #tpu.memory_space<hbm>> -> memref<32xi32, #tpu.memory_space<hbm>>
        tpu.wait_dma2 semaphore(%run_scoped3A : memref<!tpu.dma_semaphore, #tpu.memory_space<semaphore_mem>>) src(%dma_wait3A_151 : memref<32xi32, #tpu.memory_space<hbm>>) dst(%dma_wait3A_150 : memref<32xi32, #tpu.memory_space<vmem>>)
        tpu.yield
      }) : () -> ()
      "tpu.region"() ({
        %run_scoped3A = tpu.sem_alloc : memref<!tpu.dma_semaphore, #tpu.memory_space<semaphore_mem>>
        %dma_start3A_140 = arith.constant 0 : i32
        %dma_start3A_141 = tpu.memref_slice %arg16[%dma_start3A_140] : memref<96xi32, #tpu.memory_space<vmem>> -> memref<32xi32, #tpu.memory_space<vmem>>
        %dma_start3A_142 = tpu.memref_slice %arg6[%add3A_81] : memref<320000xi32, #tpu.memory_space<hbm>> -> memref<32xi32, #tpu.memory_space<hbm>>
        %dma_start3A_143 = arith.constant 0 : i32
        %dma_start3A_144 = tpu.memref_slice %arg16[%dma_start3A_143] : memref<96xi32, #tpu.memory_space<vmem>> -> memref<32xi32, #tpu.memory_space<vmem>>
        %dma_start3A_145 = tpu.memref_slice %arg6[%add3A_81] : memref<320000xi32, #tpu.memory_space<hbm>> -> memref<32xi32, #tpu.memory_space<hbm>>
        tpu.enqueue_dma source(%dma_start3A_145 : memref<32xi32, #tpu.memory_space<hbm>>) target(%dma_start3A_144 : memref<32xi32, #tpu.memory_space<vmem>>) target_semaphore(%run_scoped3A : memref<!tpu.dma_semaphore, #tpu.memory_space<semaphore_mem>>)
        %dma_wait3A_146 = arith.constant 0 : i32
        %dma_wait3A_147 = tpu.memref_slice %arg16[%dma_wait3A_146] : memref<96xi32, #tpu.memory_space<vmem>> -> memref<32xi32, #tpu.memory_space<vmem>>
        %dma_wait3A_148 = tpu.memref_slice %arg6[%add3A_81] : memref<320000xi32, #tpu.memory_space<hbm>> -> memref<32xi32, #tpu.memory_space<hbm>>
        %dma_wait3A_149 = arith.constant 0 : i32
        %dma_wait3A_150 = tpu.memref_slice %arg16[%dma_wait3A_149] : memref<96xi32, #tpu.memory_space<vmem>> -> memref<32xi32, #tpu.memory_space<vmem>>
        %dma_wait3A_151 = tpu.memref_slice %arg6[%add3A_81] : memref<320000xi32, #tpu.memory_space<hbm>> -> memref<32xi32, #tpu.memory_space<hbm>>
        tpu.wait_dma2 semaphore(%run_scoped3A : memref<!tpu.dma_semaphore, #tpu.memory_space<semaphore_mem>>) src(%dma_wait3A_151 : memref<32xi32, #tpu.memory_space<hbm>>) dst(%dma_wait3A_150 : memref<32xi32, #tpu.memory_space<vmem>>)
        tpu.yield
      }) : () -> ()
      %iota3A = tpu.iota {dimensions = array<i32: 0>} : vector<16xi32>
      %add3A_82 = arith.constant 10000 : i32
      %add3A_83 = vector.broadcast %add3A_82 : i32 to vector<16xi32>
      %add3A_84 = arith.addi %iota3A, %add3A_83 : vector<16xi32>
      %swap3A = arith.constant 32 : index
      %swap3A_85 = tpu.vector_load %arg14[%swap3A] {strides = array<i32>} : memref<96xi32, #tpu.memory_space<vmem>>, vector<16xi32>,
      %swap3A_86 = vector.shape_cast %swap3A_85 : vector<16xi32> to vector<16xi32>
      %swap3A_87 = vector.shape_cast %add3A_84 : vector<16xi32> to vector<16xi32>
      tpu.vector_store %arg14[%swap3A], %swap3A_87 {strides = array<i32>} : memref<96xi32, #tpu.memory_space<vmem>>, vector<16xi32>,
      %swap3A_88 = arith.constant 32 : index
      %swap3A_89 = tpu.vector_load %arg16[%swap3A_88] {strides = array<i32>} : memref<96xi32, #tpu.memory_space<vmem>>, vector<16xi32>,
      %swap3A_90 = vector.shape_cast %swap3A_89 : vector<16xi32> to vector<16xi32>
      %swap3A_91 = vector.shape_cast %add3A_84 : vector<16xi32> to vector<16xi32>
      tpu.vector_store %arg16[%swap3A_88], %swap3A_91 {strides = array<i32>} : memref<96xi32, #tpu.memory_space<vmem>>, vector<16xi32>,
      %swap3A_92 = arith.constant 48 : index
      %swap3A_93 = tpu.vector_load %arg14[%swap3A_92] {strides = array<i32>} : memref<96xi32, #tpu.memory_space<vmem>>, vector<16xi32>,
      %swap3A_94 = vector.shape_cast %swap3A_93 : vector<16xi32> to vector<16xi32>
      %swap3A_95 = vector.shape_cast %add3A_84 : vector<16xi32> to vector<16xi32>
      tpu.vector_store %arg14[%swap3A_92], %swap3A_95 {strides = array<i32>} : memref<96xi32, #tpu.memory_space<vmem>>, vector<16xi32>,
      %swap3A_96 = arith.constant 48 : index
      %swap3A_97 = tpu.vector_load %arg16[%swap3A_96] {strides = array<i32>} : memref<96xi32, #tpu.memory_space<vmem>>, vector<16xi32>,
      %swap3A_98 = vector.shape_cast %swap3A_97 : vector<16xi32> to vector<16xi32>
      %swap3A_99 = vector.shape_cast %add3A_84 : vector<16xi32> to vector<16xi32>
      tpu.vector_store %arg16[%swap3A_96], %swap3A_99 {strides = array<i32>} : memref<96xi32, #tpu.memory_space<vmem>>, vector<16xi32>,
      %swap3A_100 = arith.constant 64 : index
      %swap3A_101 = tpu.vector_load %arg14[%swap3A_100] {strides = array<i32>} : memref<96xi32, #tpu.memory_space<vmem>>, vector<16xi32>,
      %swap3A_102 = vector.shape_cast %swap3A_101 : vector<16xi32> to vector<16xi32>
      %swap3A_103 = vector.shape_cast %add3A_84 : vector<16xi32> to vector<16xi32>
      tpu.vector_store %arg14[%swap3A_100], %swap3A_103 {strides = array<i32>} : memref<96xi32, #tpu.memory_space<vmem>>, vector<16xi32>,
      %swap3A_104 = arith.constant 64 : index
      %swap3A_105 = tpu.vector_load %arg16[%swap3A_104] {strides = array<i32>} : memref<96xi32, #tpu.memory_space<vmem>>, vector<16xi32>,
      %swap3A_106 = vector.shape_cast %swap3A_105 : vector<16xi32> to vector<16xi32>
      %swap3A_107 = vector.shape_cast %add3A_84 : vector<16xi32> to vector<16xi32>
      tpu.vector_store %arg16[%swap3A_104], %swap3A_107 {strides = array<i32>} : memref<96xi32, #tpu.memory_space<vmem>>, vector<16xi32>,
      %swap3A_108 = arith.constant 80 : index
      %swap3A_109 = tpu.vector_load %arg14[%swap3A_108] {strides = array<i32>} : memref<96xi32, #tpu.memory_space<vmem>>, vector<16xi32>,
      %swap3A_110 = vector.shape_cast %swap3A_109 : vector<16xi32> to vector<16xi32>
      %swap3A_111 = vector.shape_cast %add3A_84 : vector<16xi32> to vector<16xi32>
      tpu.vector_store %arg14[%swap3A_108], %swap3A_111 {strides = array<i32>} : memref<96xi32, #tpu.memory_space<vmem>>, vector<16xi32>,
      %swap3A_112 = arith.constant 80 : index
      %swap3A_113 = tpu.vector_load %arg16[%swap3A_112] {strides = array<i32>} : memref<96xi32, #tpu.memory_space<vmem>>, vector<16xi32>,
      %swap3A_114 = vector.shape_cast %swap3A_113 : vector<16xi32> to vector<16xi32>
      %swap3A_115 = vector.shape_cast %add3A_84 : vector<16xi32> to vector<16xi32>
      tpu.vector_store %arg16[%swap3A_112], %swap3A_115 {strides = array<i32>} : memref<96xi32, #tpu.memory_space<vmem>>, vector<16xi32>,
      %dma_start3A_116 = arith.constant 0 : i32
      %dma_start3A_117 = arith.constant 0 : i32
      %dma_start3A_118 = tpu.memref_slice %arg22[%dma_start3A_116, %dma_start3A_117] : memref<10016x128xf32, #tpu.memory_space<vmem_shared>> -> memref<10016x128xf32, #tpu.memory_space<vmem_shared>>
      tpu.enqueue_indirect_dma source(%arg10 : memref<96x128xf32, #tpu.memory_space<vmem>>) target(%dma_start3A_118 : memref<10016x128xf32, #tpu.memory_space<vmem_shared>>) offsets(%arg14 : memref<96xi32, #tpu.memory_space<vmem>>) semaphore(%arg20 : memref<!tpu.dma_semaphore, #tpu.memory_space<semaphore_mem>>) {add = true}
      %scan3A_119 = arith.constant 0 : i32
      %scan3A_120 = arith.constant 0 : i32
      %scan3A_121 = arith.constant 32 : i32
      %scan3A_122 = arith.addi %scan3A_120, %scan3A_121 : i32
      %scan3A_123 = arith.constant 1 : i32
      scf.for %scan3A_140 = %scan3A_120 to %scan3A_122 step %scan3A_123  : i32 {
        %get3A = arith.index_cast %scan3A_140 : i32 to index
        %get3A_141 = arith.constant 0 : index
        %get3A_142 = tpu.vector_load %arg10[%get3A, %get3A_141] {strides = array<i32>} : memref<96x128xf32, #tpu.memory_space<vmem>>, vector<1x16xf32>,
        %get3A_143 = vector.shape_cast %get3A_142 : vector<1x16xf32> to vector<16xf32>
        %neg3A = arith.constant 0.000000e+00 : f32
        %neg3A_144 = vector.broadcast %neg3A : f32 to vector<16xf32>
        %neg3A_145 = arith.subf %neg3A_144, %get3A_143 : vector<16xf32>
        %swap3A_146 = arith.index_cast %scan3A_140 : i32 to index
        %swap3A_147 = arith.constant 0 : index
        %swap3A_148 = tpu.vector_load %arg12[%swap3A_146, %swap3A_147] {strides = array<i32>} : memref<96x128xf32, #tpu.memory_space<vmem>>, vector<1x16xf32>,
        %swap3A_149 = vector.shape_cast %swap3A_148 : vector<1x16xf32> to vector<16xf32>
        %swap3A_150 = vector.shape_cast %neg3A_145 : vector<16xf32> to vector<1x16xf32>
        tpu.vector_store %arg12[%swap3A_146, %swap3A_147], %swap3A_150 {strides = array<i32>} : memref<96x128xf32, #tpu.memory_space<vmem>>, vector<1x16xf32>,
        %get3A_151 = arith.index_cast %scan3A_140 : i32 to index
        %get3A_152 = arith.constant 16 : index
        %get3A_153 = tpu.vector_load %arg10[%get3A_151, %get3A_152] {strides = array<i32>} : memref<96x128xf32, #tpu.memory_space<vmem>>, vector<1x16xf32>,
        %get3A_154 = vector.shape_cast %get3A_153 : vector<1x16xf32> to vector<16xf32>
        %neg3A_155 = arith.constant 0.000000e+00 : f32
        %neg3A_156 = vector.broadcast %neg3A_155 : f32 to vector<16xf32>
        %neg3A_157 = arith.subf %neg3A_156, %get3A_154 : vector<16xf32>
        %swap3A_158 = arith.index_cast %scan3A_140 : i32 to index
        %swap3A_159 = arith.constant 16 : index
        %swap3A_160 = tpu.vector_load %arg12[%swap3A_158, %swap3A_159] {strides = array<i32>} : memref<96x128xf32, #tpu.memory_space<vmem>>, vector<1x16xf32>,
        %swap3A_161 = vector.shape_cast %swap3A_160 : vector<1x16xf32> to vector<16xf32>
        %swap3A_162 = vector.shape_cast %neg3A_157 : vector<16xf32> to vector<1x16xf32>
        tpu.vector_store %arg12[%swap3A_158, %swap3A_159], %swap3A_162 {strides = array<i32>} : memref<96x128xf32, #tpu.memory_space<vmem>>, vector<1x16xf32>,
        %get3A_163 = arith.index_cast %scan3A_140 : i32 to index
        %get3A_164 = arith.constant 32 : index
        %get3A_165 = tpu.vector_load %arg10[%get3A_163, %get3A_164] {strides = array<i32>} : memref<96x128xf32, #tpu.memory_space<vmem>>, vector<1x16xf32>,
        %get3A_166 = vector.shape_cast %get3A_165 : vector<1x16xf32> to vector<16xf32>
        %neg3A_167 = arith.constant 0.000000e+00 : f32
        %neg3A_168 = vector.broadcast %neg3A_167 : f32 to vector<16xf32>
        %neg3A_169 = arith.subf %neg3A_168, %get3A_166 : vector<16xf32>
        %swap3A_170 = arith.index_cast %scan3A_140 : i32 to index
        %swap3A_171 = arith.constant 32 : index
        %swap3A_172 = tpu.vector_load %arg12[%swap3A_170, %swap3A_171] {strides = array<i32>} : memref<96x128xf32, #tpu.memory_space<vmem>>, vector<1x16xf32>,
        %swap3A_173 = vector.shape_cast %swap3A_172 : vector<1x16xf32> to vector<16xf32>
        %swap3A_174 = vector.shape_cast %neg3A_169 : vector<16xf32> to vector<1x16xf32>
        tpu.vector_store %arg12[%swap3A_170, %swap3A_171], %swap3A_174 {strides = array<i32>} : memref<96x128xf32, #tpu.memory_space<vmem>>, vector<1x16xf32>,
        %get3A_175 = arith.index_cast %scan3A_140 : i32 to index
        %get3A_176 = arith.constant 48 : index
        %get3A_177 = tpu.vector_load %arg10[%get3A_175, %get3A_176] {strides = array<i32>} : memref<96x128xf32, #tpu.memory_space<vmem>>, vector<1x16xf32>,
        %get3A_178 = vector.shape_cast %get3A_177 : vector<1x16xf32> to vector<16xf32>
        %neg3A_179 = arith.constant 0.000000e+00 : f32
        %neg3A_180 = vector.broadcast %neg3A_179 : f32 to vector<16xf32>
        %neg3A_181 = arith.subf %neg3A_180, %get3A_178 : vector<16xf32>
        %swap3A_182 = arith.index_cast %scan3A_140 : i32 to index
        %swap3A_183 = arith.constant 48 : index
        %swap3A_184 = tpu.vector_load %arg12[%swap3A_182, %swap3A_183] {strides = array<i32>} : memref<96x128xf32, #tpu.memory_space<vmem>>, vector<1x16xf32>,
        %swap3A_185 = vector.shape_cast %swap3A_184 : vector<1x16xf32> to vector<16xf32>
        %swap3A_186 = vector.shape_cast %neg3A_181 : vector<16xf32> to vector<1x16xf32>
        tpu.vector_store %arg12[%swap3A_182, %swap3A_183], %swap3A_186 {strides = array<i32>} : memref<96x128xf32, #tpu.memory_space<vmem>>, vector<1x16xf32>,
        %get3A_187 = arith.index_cast %scan3A_140 : i32 to index
        %get3A_188 = arith.constant 64 : index
        %get3A_189 = tpu.vector_load %arg10[%get3A_187, %get3A_188] {strides = array<i32>} : memref<96x128xf32, #tpu.memory_space<vmem>>, vector<1x16xf32>,
        %get3A_190 = vector.shape_cast %get3A_189 : vector<1x16xf32> to vector<16xf32>
        %neg3A_191 = arith.constant 0.000000e+00 : f32
        %neg3A_192 = vector.broadcast %neg3A_191 : f32 to vector<16xf32>
        %neg3A_193 = arith.subf %neg3A_192, %get3A_190 : vector<16xf32>
        %swap3A_194 = arith.index_cast %scan3A_140 : i32 to index
        %swap3A_195 = arith.constant 64 : index
        %swap3A_196 = tpu.vector_load %arg12[%swap3A_194, %swap3A_195] {strides = array<i32>} : memref<96x128xf32, #tpu.memory_space<vmem>>, vector<1x16xf32>,
        %swap3A_197 = vector.shape_cast %swap3A_196 : vector<1x16xf32> to vector<16xf32>
        %swap3A_198 = vector.shape_cast %neg3A_193 : vector<16xf32> to vector<1x16xf32>
        tpu.vector_store %arg12[%swap3A_194, %swap3A_195], %swap3A_198 {strides = array<i32>} : memref<96x128xf32, #tpu.memory_space<vmem>>, vector<1x16xf32>,
        %get3A_199 = arith.index_cast %scan3A_140 : i32 to index
        %get3A_200 = arith.constant 80 : index
        %get3A_201 = tpu.vector_load %arg10[%get3A_199, %get3A_200] {strides = array<i32>} : memref<96x128xf32, #tpu.memory_space<vmem>>, vector<1x16xf32>,
        %get3A_202 = vector.shape_cast %get3A_201 : vector<1x16xf32> to vector<16xf32>
        %neg3A_203 = arith.constant 0.000000e+00 : f32
        %neg3A_204 = vector.broadcast %neg3A_203 : f32 to vector<16xf32>
        %neg3A_205 = arith.subf %neg3A_204, %get3A_202 : vector<16xf32>
        %swap3A_206 = arith.index_cast %scan3A_140 : i32 to index
        %swap3A_207 = arith.constant 80 : index
        %swap3A_208 = tpu.vector_load %arg12[%swap3A_206, %swap3A_207] {strides = array<i32>} : memref<96x128xf32, #tpu.memory_space<vmem>>, vector<1x16xf32>,
        %swap3A_209 = vector.shape_cast %swap3A_208 : vector<1x16xf32> to vector<16xf32>
        %swap3A_210 = vector.shape_cast %neg3A_205 : vector<16xf32> to vector<1x16xf32>
        tpu.vector_store %arg12[%swap3A_206, %swap3A_207], %swap3A_210 {strides = array<i32>} : memref<96x128xf32, #tpu.memory_space<vmem>>, vector<1x16xf32>,
        %get3A_211 = arith.index_cast %scan3A_140 : i32 to index
        %get3A_212 = arith.constant 96 : index
        %get3A_213 = tpu.vector_load %arg10[%get3A_211, %get3A_212] {strides = array<i32>} : memref<96x128xf32, #tpu.memory_space<vmem>>, vector<1x16xf32>,
        %get3A_214 = vector.shape_cast %get3A_213 : vector<1x16xf32> to vector<16xf32>
        %neg3A_215 = arith.constant 0.000000e+00 : f32
        %neg3A_216 = vector.broadcast %neg3A_215 : f32 to vector<16xf32>
        %neg3A_217 = arith.subf %neg3A_216, %get3A_214 : vector<16xf32>
        %swap3A_218 = arith.index_cast %scan3A_140 : i32 to index
        %swap3A_219 = arith.constant 96 : index
        %swap3A_220 = tpu.vector_load %arg12[%swap3A_218, %swap3A_219] {strides = array<i32>} : memref<96x128xf32, #tpu.memory_space<vmem>>, vector<1x16xf32>,
        %swap3A_221 = vector.shape_cast %swap3A_220 : vector<1x16xf32> to vector<16xf32>
        %swap3A_222 = vector.shape_cast %neg3A_217 : vector<16xf32> to vector<1x16xf32>
        tpu.vector_store %arg12[%swap3A_218, %swap3A_219], %swap3A_222 {strides = array<i32>} : memref<96x128xf32, #tpu.memory_space<vmem>>, vector<1x16xf32>,
        %get3A_223 = arith.index_cast %scan3A_140 : i32 to index
        %get3A_224 = arith.constant 112 : index
        %get3A_225 = tpu.vector_load %arg10[%get3A_223, %get3A_224] {strides = array<i32>} : memref<96x128xf32, #tpu.memory_space<vmem>>, vector<1x16xf32>,
        %get3A_226 = vector.shape_cast %get3A_225 : vector<1x16xf32> to vector<16xf32>
        %neg3A_227 = arith.constant 0.000000e+00 : f32
        %neg3A_228 = vector.broadcast %neg3A_227 : f32 to vector<16xf32>
        %neg3A_229 = arith.subf %neg3A_228, %get3A_226 : vector<16xf32>
        %swap3A_230 = arith.index_cast %scan3A_140 : i32 to index
        %swap3A_231 = arith.constant 112 : index
        %swap3A_232 = tpu.vector_load %arg12[%swap3A_230, %swap3A_231] {strides = array<i32>} : memref<96x128xf32, #tpu.memory_space<vmem>>, vector<1x16xf32>,
        %swap3A_233 = vector.shape_cast %swap3A_232 : vector<1x16xf32> to vector<16xf32>
        %swap3A_234 = vector.shape_cast %neg3A_229 : vector<16xf32> to vector<1x16xf32>
        tpu.vector_store %arg12[%swap3A_230, %swap3A_231], %swap3A_234 {strides = array<i32>} : memref<96x128xf32, #tpu.memory_space<vmem>>, vector<1x16xf32>,
      }
      %scan3A_124 = arith.constant 32 : i32
      %dma_start3A_125 = arith.constant 0 : i32
      %dma_start3A_126 = arith.constant 0 : i32
      %dma_start3A_127 = tpu.memref_slice %arg22[%dma_start3A_125, %dma_start3A_126] : memref<10016x128xf32, #tpu.memory_space<vmem_shared>> -> memref<10016x128xf32, #tpu.memory_space<vmem_shared>>
      tpu.enqueue_indirect_dma source(%arg12 : memref<96x128xf32, #tpu.memory_space<vmem>>) target(%dma_start3A_127 : memref<10016x128xf32, #tpu.memory_space<vmem_shared>>) offsets(%arg16 : memref<96xi32, #tpu.memory_space<vmem>>) semaphore(%arg20 : memref<!tpu.dma_semaphore, #tpu.memory_space<semaphore_mem>>) {add = true}
      %dma_wait3A_128 = arith.constant 0 : i32
      %dma_wait3A_129 = arith.constant 0 : i32
      %dma_wait3A_130 = tpu.memref_slice %arg22[%dma_wait3A_128, %dma_wait3A_129] : memref<10016x128xf32, #tpu.memory_space<vmem_shared>> -> memref<10016x128xf32, #tpu.memory_space<vmem_shared>>
      tpu.wait_indirect_dma semaphore(%arg21 : memref<!tpu.dma_semaphore, #tpu.memory_space<semaphore_mem>>) src(%arg11 : memref<96x128xf32, #tpu.memory_space<vmem>>) dst(%dma_wait3A_130 : memref<10016x128xf32, #tpu.memory_space<vmem_shared>>)
      %dma_wait3A_131 = arith.constant 0 : i32
      %dma_wait3A_132 = arith.constant 0 : i32
      %dma_wait3A_133 = tpu.memref_slice %arg22[%dma_wait3A_131, %dma_wait3A_132] : memref<10016x128xf32, #tpu.memory_space<vmem_shared>> -> memref<10016x128xf32, #tpu.memory_space<vmem_shared>>
      tpu.wait_indirect_dma semaphore(%arg21 : memref<!tpu.dma_semaphore, #tpu.memory_space<semaphore_mem>>) src(%arg13 : memref<96x128xf32, #tpu.memory_space<vmem>>) dst(%dma_wait3A_133 : memref<10016x128xf32, #tpu.memory_space<vmem_shared>>)
      %dma_wait3A_134 = arith.constant 0 : i32
      %dma_wait3A_135 = arith.constant 0 : i32
      %dma_wait3A_136 = tpu.memref_slice %arg22[%dma_wait3A_134, %dma_wait3A_135] : memref<10016x128xf32, #tpu.memory_space<vmem_shared>> -> memref<10016x128xf32, #tpu.memory_space<vmem_shared>>
      tpu.wait_indirect_dma semaphore(%arg20 : memref<!tpu.dma_semaphore, #tpu.memory_space<semaphore_mem>>) src(%arg10 : memref<96x128xf32, #tpu.memory_space<vmem>>) dst(%dma_wait3A_136 : memref<10016x128xf32, #tpu.memory_space<vmem_shared>>)
      %dma_wait3A_137 = arith.constant 0 : i32
      %dma_wait3A_138 = arith.constant 0 : i32
      %dma_wait3A_139 = tpu.memref_slice %arg22[%dma_wait3A_137, %dma_wait3A_138] : memref<10016x128xf32, #tpu.memory_space<vmem_shared>> -> memref<10016x128xf32, #tpu.memory_space<vmem_shared>>
      tpu.wait_indirect_dma semaphore(%arg20 : memref<!tpu.dma_semaphore, #tpu.memory_space<semaphore_mem>>) src(%arg12 : memref<96x128xf32, #tpu.memory_space<vmem>>) dst(%dma_wait3A_139 : memref<10016x128xf32, #tpu.memory_space<vmem_shared>>)
    } else {
    }
    %eq3A_5 = arith.constant 1 : i32
    %eq3A_6 = arith.cmpi eq, %arg0, %eq3A_5 : i32
    %convert_element_type3A_7 = arith.extui %eq3A_6 : i1 to i32
    %cond3A_8 = arith.constant 0 : i32
    %cond3A_9 = arith.cmpi ne, %convert_element_type3A_7, %cond3A_8 : i32
    scf.if %cond3A_9 {
      %mul3A_36 = arith.constant 20000 : i32
      %mul3A_37 = arith.muli %arg1, %mul3A_36 : i32
      %add3A = arith.constant 0 : i32
      %add3A_38 = arith.addi %mul3A_37, %add3A : i32
      %dma_start3A = arith.constant 0 : i32
      %dma_start3A_39 = tpu.memref_slice %arg3[%add3A_38, %dma_start3A] : memref<320000x128xf32, #tpu.memory_space<hbm>> -> memref<96x128xf32, #tpu.memory_space<hbm>>
      %dma_start3A_40 = arith.constant 0 : i32
      %dma_start3A_41 = tpu.memref_slice %arg3[%add3A_38, %dma_start3A_40] : memref<320000x128xf32, #tpu.memory_space<hbm>> -> memref<96x128xf32, #tpu.memory_space<hbm>>
      tpu.enqueue_dma source(%dma_start3A_41 : memref<96x128xf32, #tpu.memory_space<hbm>>) target(%arg10 : memref<96x128xf32, #tpu.memory_space<vmem>>) target_semaphore(%arg18 : memref<!tpu.dma_semaphore, #tpu.memory_space<semaphore_mem>>)
      %dma_start3A_42 = tpu.memref_slice %arg5[%add3A_38] : memref<320000xi32, #tpu.memory_space<hbm>> -> memref<96xi32, #tpu.memory_space<hbm>>
      %dma_start3A_43 = tpu.memref_slice %arg5[%add3A_38] : memref<320000xi32, #tpu.memory_space<hbm>> -> memref<96xi32, #tpu.memory_space<hbm>>
      tpu.enqueue_dma source(%dma_start3A_43 : memref<96xi32, #tpu.memory_space<hbm>>) target(%arg14 : memref<96xi32, #tpu.memory_space<vmem>>) target_semaphore(%arg18 : memref<!tpu.dma_semaphore, #tpu.memory_space<semaphore_mem>>)
      %dma_start3A_44 = tpu.memref_slice %arg7[%add3A_38] : memref<320000xi32, #tpu.memory_space<hbm>> -> memref<96xi32, #tpu.memory_space<hbm>>
      %dma_start3A_45 = tpu.memref_slice %arg7[%add3A_38] : memref<320000xi32, #tpu.memory_space<hbm>> -> memref<96xi32, #tpu.memory_space<hbm>>
      tpu.enqueue_dma source(%dma_start3A_45 : memref<96xi32, #tpu.memory_space<hbm>>) target(%arg16 : memref<96xi32, #tpu.memory_space<vmem>>) target_semaphore(%arg18 : memref<!tpu.dma_semaphore, #tpu.memory_space<semaphore_mem>>)
      %broadcast_in_dim3A = arith.constant 0.000000e+00 : f32
      %broadcast_in_dim3A_46 = vector.broadcast %broadcast_in_dim3A : f32 to vector<16xf32>
      %scan3A = arith.constant 0 : i32
      %scan3A_47 = arith.constant 0 : i32
      %scan3A_48 = arith.constant 96 : i32
      %scan3A_49 = arith.addi %scan3A_47, %scan3A_48 : i32
      %scan3A_50 = arith.constant 1 : i32
      scf.for %scan3A_140 = %scan3A_47 to %scan3A_49 step %scan3A_50  : i32 {
        %swap3A_141 = arith.index_cast %scan3A_140 : i32 to index
        %swap3A_142 = arith.constant 0 : index
        %swap3A_143 = tpu.vector_load %arg12[%swap3A_141, %swap3A_142] {strides = array<i32>} : memref<96x128xf32, #tpu.memory_space<vmem>>, vector<1x16xf32>,
        %swap3A_144 = vector.shape_cast %swap3A_143 : vector<1x16xf32> to vector<16xf32>
        %swap3A_145 = vector.shape_cast %broadcast_in_dim3A_46 : vector<16xf32> to vector<1x16xf32>
        tpu.vector_store %arg12[%swap3A_141, %swap3A_142], %swap3A_145 {strides = array<i32>} : memref<96x128xf32, #tpu.memory_space<vmem>>, vector<1x16xf32>,
        %swap3A_146 = arith.index_cast %scan3A_140 : i32 to index
        %swap3A_147 = arith.constant 16 : index
        %swap3A_148 = tpu.vector_load %arg12[%swap3A_146, %swap3A_147] {strides = array<i32>} : memref<96x128xf32, #tpu.memory_space<vmem>>, vector<1x16xf32>,
        %swap3A_149 = vector.shape_cast %swap3A_148 : vector<1x16xf32> to vector<16xf32>
        %swap3A_150 = vector.shape_cast %broadcast_in_dim3A_46 : vector<16xf32> to vector<1x16xf32>
        tpu.vector_store %arg12[%swap3A_146, %swap3A_147], %swap3A_150 {strides = array<i32>} : memref<96x128xf32, #tpu.memory_space<vmem>>, vector<1x16xf32>,
        %swap3A_151 = arith.index_cast %scan3A_140 : i32 to index
        %swap3A_152 = arith.constant 32 : index
        %swap3A_153 = tpu.vector_load %arg12[%swap3A_151, %swap3A_152] {strides = array<i32>} : memref<96x128xf32, #tpu.memory_space<vmem>>, vector<1x16xf32>,
        %swap3A_154 = vector.shape_cast %swap3A_153 : vector<1x16xf32> to vector<16xf32>
        %swap3A_155 = vector.shape_cast %broadcast_in_dim3A_46 : vector<16xf32> to vector<1x16xf32>
        tpu.vector_store %arg12[%swap3A_151, %swap3A_152], %swap3A_155 {strides = array<i32>} : memref<96x128xf32, #tpu.memory_space<vmem>>, vector<1x16xf32>,
        %swap3A_156 = arith.index_cast %scan3A_140 : i32 to index
        %swap3A_157 = arith.constant 48 : index
        %swap3A_158 = tpu.vector_load %arg12[%swap3A_156, %swap3A_157] {strides = array<i32>} : memref<96x128xf32, #tpu.memory_space<vmem>>, vector<1x16xf32>,
        %swap3A_159 = vector.shape_cast %swap3A_158 : vector<1x16xf32> to vector<16xf32>
        %swap3A_160 = vector.shape_cast %broadcast_in_dim3A_46 : vector<16xf32> to vector<1x16xf32>
        tpu.vector_store %arg12[%swap3A_156, %swap3A_157], %swap3A_160 {strides = array<i32>} : memref<96x128xf32, #tpu.memory_space<vmem>>, vector<1x16xf32>,
        %swap3A_161 = arith.index_cast %scan3A_140 : i32 to index
        %swap3A_162 = arith.constant 64 : index
        %swap3A_163 = tpu.vector_load %arg12[%swap3A_161, %swap3A_162] {strides = array<i32>} : memref<96x128xf32, #tpu.memory_space<vmem>>, vector<1x16xf32>,
        %swap3A_164 = vector.shape_cast %swap3A_163 : vector<1x16xf32> to vector<16xf32>
        %swap3A_165 = vector.shape_cast %broadcast_in_dim3A_46 : vector<16xf32> to vector<1x16xf32>
        tpu.vector_store %arg12[%swap3A_161, %swap3A_162], %swap3A_165 {strides = array<i32>} : memref<96x128xf32, #tpu.memory_space<vmem>>, vector<1x16xf32>,
        %swap3A_166 = arith.index_cast %scan3A_140 : i32 to index
        %swap3A_167 = arith.constant 80 : index
        %swap3A_168 = tpu.vector_load %arg12[%swap3A_166, %swap3A_167] {strides = array<i32>} : memref<96x128xf32, #tpu.memory_space<vmem>>, vector<1x16xf32>,
        %swap3A_169 = vector.shape_cast %swap3A_168 : vector<1x16xf32> to vector<16xf32>
        %swap3A_170 = vector.shape_cast %broadcast_in_dim3A_46 : vector<16xf32> to vector<1x16xf32>
        tpu.vector_store %arg12[%swap3A_166, %swap3A_167], %swap3A_170 {strides = array<i32>} : memref<96x128xf32, #tpu.memory_space<vmem>>, vector<1x16xf32>,
        %swap3A_171 = arith.index_cast %scan3A_140 : i32 to index
        %swap3A_172 = arith.constant 96 : index
        %swap3A_173 = tpu.vector_load %arg12[%swap3A_171, %swap3A_172] {strides = array<i32>} : memref<96x128xf32, #tpu.memory_space<vmem>>, vector<1x16xf32>,
        %swap3A_174 = vector.shape_cast %swap3A_173 : vector<1x16xf32> to vector<16xf32>
        %swap3A_175 = vector.shape_cast %broadcast_in_dim3A_46 : vector<16xf32> to vector<1x16xf32>
        tpu.vector_store %arg12[%swap3A_171, %swap3A_172], %swap3A_175 {strides = array<i32>} : memref<96x128xf32, #tpu.memory_space<vmem>>, vector<1x16xf32>,
        %swap3A_176 = arith.index_cast %scan3A_140 : i32 to index
        %swap3A_177 = arith.constant 112 : index
        %swap3A_178 = tpu.vector_load %arg12[%swap3A_176, %swap3A_177] {strides = array<i32>} : memref<96x128xf32, #tpu.memory_space<vmem>>, vector<1x16xf32>,
        %swap3A_179 = vector.shape_cast %swap3A_178 : vector<1x16xf32> to vector<16xf32>
        %swap3A_180 = vector.shape_cast %broadcast_in_dim3A_46 : vector<16xf32> to vector<1x16xf32>
        tpu.vector_store %arg12[%swap3A_176, %swap3A_177], %swap3A_180 {strides = array<i32>} : memref<96x128xf32, #tpu.memory_space<vmem>>, vector<1x16xf32>,
      }
      %scan3A_51 = arith.constant 96 : i32
      %scan3A_52 = arith.constant 0 : i32
      %scan3A_53 = arith.constant 0 : i32
      %scan3A_54 = arith.constant 6 : i32
      %scan3A_55 = arith.addi %scan3A_53, %scan3A_54 : i32
      %scan3A_56 = arith.constant 1 : i32
      scf.for %scan3A_140 = %scan3A_53 to %scan3A_55 step %scan3A_56  : i32 {
        %mul3A_141 = arith.constant 96 : i32
        %mul3A_142 = arith.muli %scan3A_140, %mul3A_141 : i32
        %add3A_143 = arith.addi %mul3A_0, %mul3A_142 : i32
        "tpu.region"() ({
          %run_scoped3A = tpu.sem_alloc : memref<!tpu.dma_semaphore, #tpu.memory_space<semaphore_mem>>
          %dma_start3A_144 = arith.constant 0 : i32
          %dma_start3A_145 = tpu.memref_slice %arg22[%add3A_143, %dma_start3A_144] : memref<10016x128xf32, #tpu.memory_space<vmem_shared>> -> memref<96x128xf32, #tpu.memory_space<vmem_shared>>
          %dma_start3A_146 = arith.constant 0 : i32
          %dma_start3A_147 = tpu.memref_slice %arg22[%add3A_143, %dma_start3A_146] : memref<10016x128xf32, #tpu.memory_space<vmem_shared>> -> memref<96x128xf32, #tpu.memory_space<vmem_shared>>
          tpu.enqueue_dma source(%arg12 : memref<96x128xf32, #tpu.memory_space<vmem>>) target(%dma_start3A_147 : memref<96x128xf32, #tpu.memory_space<vmem_shared>>) target_semaphore(%run_scoped3A : memref<!tpu.dma_semaphore, #tpu.memory_space<semaphore_mem>>)
          %dma_wait3A_148 = arith.constant 0 : i32
          %dma_wait3A_149 = tpu.memref_slice %arg22[%add3A_143, %dma_wait3A_148] : memref<10016x128xf32, #tpu.memory_space<vmem_shared>> -> memref<96x128xf32, #tpu.memory_space<vmem_shared>>
          %dma_wait3A_150 = arith.constant 0 : i32
          %dma_wait3A_151 = tpu.memref_slice %arg22[%add3A_143, %dma_wait3A_150] : memref<10016x128xf32, #tpu.memory_space<vmem_shared>> -> memref<96x128xf32, #tpu.memory_space<vmem_shared>>
          tpu.wait_dma2 semaphore(%run_scoped3A : memref<!tpu.dma_semaphore, #tpu.memory_space<semaphore_mem>>) src(%arg12 : memref<96x128xf32, #tpu.memory_space<vmem>>) dst(%dma_wait3A_151 : memref<96x128xf32, #tpu.memory_space<vmem_shared>>)
          tpu.yield
        }) : () -> ()
      }
      %scan3A_57 = arith.constant 6 : i32
      %not3A_58 = arith.constant true
      %not3A_59 = arith.xori %eq3A_1, %not3A_58 : i1
      %convert_element_type3A_60 = arith.extui %not3A_59 : i1 to i32
      %cond3A_61 = arith.constant 0 : i32
      %cond3A_62 = arith.cmpi ne, %convert_element_type3A_60, %cond3A_61 : i32
      scf.if %cond3A_62 {
        %add3A_140 = arith.constant 576 : i32
        %add3A_141 = arith.addi %mul3A_0, %add3A_140 : i32
        "tpu.region"() ({
          %run_scoped3A = tpu.sem_alloc : memref<!tpu.dma_semaphore, #tpu.memory_space<semaphore_mem>>
          %dma_start3A_142 = arith.constant 0 : i32
          %dma_start3A_143 = arith.constant 0 : i32
          %dma_start3A_144 = tpu.memref_slice %arg12[%dma_start3A_142, %dma_start3A_143] : memref<96x128xf32, #tpu.memory_space<vmem>> -> memref<48x128xf32, #tpu.memory_space<vmem>>
          %dma_start3A_145 = arith.constant 0 : i32
          %dma_start3A_146 = tpu.memref_slice %arg22[%add3A_141, %dma_start3A_145] : memref<10016x128xf32, #tpu.memory_space<vmem_shared>> -> memref<48x128xf32, #tpu.memory_space<vmem_shared>>
          %dma_start3A_147 = arith.constant 0 : i32
          %dma_start3A_148 = tpu.memref_slice %arg22[%add3A_141, %dma_start3A_147] : memref<10016x128xf32, #tpu.memory_space<vmem_shared>> -> memref<48x128xf32, #tpu.memory_space<vmem_shared>>
          %dma_start3A_149 = arith.constant 0 : i32
          %dma_start3A_150 = arith.constant 0 : i32
          %dma_start3A_151 = tpu.memref_slice %arg12[%dma_start3A_149, %dma_start3A_150] : memref<96x128xf32, #tpu.memory_space<vmem>> -> memref<48x128xf32, #tpu.memory_space<vmem>>
          tpu.enqueue_dma source(%dma_start3A_151 : memref<48x128xf32, #tpu.memory_space<vmem>>) target(%dma_start3A_148 : memref<48x128xf32, #tpu.memory_space<vmem_shared>>) target_semaphore(%run_scoped3A : memref<!tpu.dma_semaphore, #tpu.memory_space<semaphore_mem>>)
          %dma_wait3A_152 = arith.constant 0 : i32
          %dma_wait3A_153 = arith.constant 0 : i32
          %dma_wait3A_154 = tpu.memref_slice %arg12[%dma_wait3A_152, %dma_wait3A_153] : memref<96x128xf32, #tpu.memory_space<vmem>> -> memref<48x128xf32, #tpu.memory_space<vmem>>
          %dma_wait3A_155 = arith.constant 0 : i32
          %dma_wait3A_156 = tpu.memref_slice %arg22[%add3A_141, %dma_wait3A_155] : memref<10016x128xf32, #tpu.memory_space<vmem_shared>> -> memref<48x128xf32, #tpu.memory_space<vmem_shared>>
          %dma_wait3A_157 = arith.constant 0 : i32
          %dma_wait3A_158 = tpu.memref_slice %arg22[%add3A_141, %dma_wait3A_157] : memref<10016x128xf32, #tpu.memory_space<vmem_shared>> -> memref<48x128xf32, #tpu.memory_space<vmem_shared>>
          %dma_wait3A_159 = arith.constant 0 : i32
          %dma_wait3A_160 = arith.constant 0 : i32
          %dma_wait3A_161 = tpu.memref_slice %arg12[%dma_wait3A_159, %dma_wait3A_160] : memref<96x128xf32, #tpu.memory_space<vmem>> -> memref<48x128xf32, #tpu.memory_space<vmem>>
          tpu.wait_dma2 semaphore(%run_scoped3A : memref<!tpu.dma_semaphore, #tpu.memory_space<semaphore_mem>>) src(%dma_wait3A_161 : memref<48x128xf32, #tpu.memory_space<vmem>>) dst(%dma_wait3A_158 : memref<48x128xf32, #tpu.memory_space<vmem_shared>>)
          tpu.yield
        }) : () -> ()
      } else {
      }
      %convert_element_type3A_63 = arith.extui %eq3A_1 : i1 to i32
      %cond3A_64 = arith.constant 0 : i32
      %cond3A_65 = arith.cmpi ne, %convert_element_type3A_63, %cond3A_64 : i32
      scf.if %cond3A_65 {
        %add3A_140 = arith.constant 576 : i32
        %add3A_141 = arith.addi %mul3A_0, %add3A_140 : i32
        "tpu.region"() ({
          %run_scoped3A = tpu.sem_alloc : memref<!tpu.dma_semaphore, #tpu.memory_space<semaphore_mem>>
          %dma_start3A_142 = arith.constant 0 : i32
          %dma_start3A_143 = arith.constant 0 : i32
          %dma_start3A_144 = tpu.memref_slice %arg12[%dma_start3A_142, %dma_start3A_143] : memref<96x128xf32, #tpu.memory_space<vmem>> -> memref<80x128xf32, #tpu.memory_space<vmem>>
          %dma_start3A_145 = arith.constant 0 : i32
          %dma_start3A_146 = tpu.memref_slice %arg22[%add3A_141, %dma_start3A_145] : memref<10016x128xf32, #tpu.memory_space<vmem_shared>> -> memref<80x128xf32, #tpu.memory_space<vmem_shared>>
          %dma_start3A_147 = arith.constant 0 : i32
          %dma_start3A_148 = tpu.memref_slice %arg22[%add3A_141, %dma_start3A_147] : memref<10016x128xf32, #tpu.memory_space<vmem_shared>> -> memref<80x128xf32, #tpu.memory_space<vmem_shared>>
          %dma_start3A_149 = arith.constant 0 : i32
          %dma_start3A_150 = arith.constant 0 : i32
          %dma_start3A_151 = tpu.memref_slice %arg12[%dma_start3A_149, %dma_start3A_150] : memref<96x128xf32, #tpu.memory_space<vmem>> -> memref<80x128xf32, #tpu.memory_space<vmem>>
          tpu.enqueue_dma source(%dma_start3A_151 : memref<80x128xf32, #tpu.memory_space<vmem>>) target(%dma_start3A_148 : memref<80x128xf32, #tpu.memory_space<vmem_shared>>) target_semaphore(%run_scoped3A : memref<!tpu.dma_semaphore, #tpu.memory_space<semaphore_mem>>)
          %dma_wait3A_152 = arith.constant 0 : i32
          %dma_wait3A_153 = arith.constant 0 : i32
          %dma_wait3A_154 = tpu.memref_slice %arg12[%dma_wait3A_152, %dma_wait3A_153] : memref<96x128xf32, #tpu.memory_space<vmem>> -> memref<80x128xf32, #tpu.memory_space<vmem>>
          %dma_wait3A_155 = arith.constant 0 : i32
          %dma_wait3A_156 = tpu.memref_slice %arg22[%add3A_141, %dma_wait3A_155] : memref<10016x128xf32, #tpu.memory_space<vmem_shared>> -> memref<80x128xf32, #tpu.memory_space<vmem_shared>>
          %dma_wait3A_157 = arith.constant 0 : i32
          %dma_wait3A_158 = tpu.memref_slice %arg22[%add3A_141, %dma_wait3A_157] : memref<10016x128xf32, #tpu.memory_space<vmem_shared>> -> memref<80x128xf32, #tpu.memory_space<vmem_shared>>
          %dma_wait3A_159 = arith.constant 0 : i32
          %dma_wait3A_160 = arith.constant 0 : i32
          %dma_wait3A_161 = tpu.memref_slice %arg12[%dma_wait3A_159, %dma_wait3A_160] : memref<96x128xf32, #tpu.memory_space<vmem>> -> memref<80x128xf32, #tpu.memory_space<vmem>>
          tpu.wait_dma2 semaphore(%run_scoped3A : memref<!tpu.dma_semaphore, #tpu.memory_space<semaphore_mem>>) src(%dma_wait3A_161 : memref<80x128xf32, #tpu.memory_space<vmem>>) dst(%dma_wait3A_158 : memref<80x128xf32, #tpu.memory_space<vmem_shared>>)
          tpu.yield
        }) : () -> ()
      } else {
      }
      %barrier3A_66 = arith.constant 0 : index
      tpu.barrier barrier_id(%barrier3A_66)
      %scan3A_67 = arith.constant 0 : i32
      %scan3A_68 = arith.constant 0 : i32
      %scan3A_69 = arith.constant 104 : i32
      %scan3A_70 = arith.addi %scan3A_68, %scan3A_69 : i32
      %scan3A_71 = arith.constant 1 : i32
      scf.for %scan3A_140 = %scan3A_68 to %scan3A_70 step %scan3A_71  : i32 {
        %mul3A_141 = arith.constant 2 : i32
        %mul3A_142 = arith.muli %mul3A_141, %scan3A_140 : i32
        %gt3A = arith.constant 0 : i32
        %gt3A_143 = arith.cmpi sgt, %scan3A_140, %gt3A : i32
        %convert_element_type3A_144 = arith.extui %gt3A_143 : i1 to i32
        %cond3A_145 = arith.constant 0 : i32
        %cond3A_146 = arith.cmpi ne, %convert_element_type3A_144, %cond3A_145 : i32
        scf.if %cond3A_146 {
          %dma_wait3A_218 = arith.constant 0 : i32
          %dma_wait3A_219 = arith.constant 0 : i32
          %dma_wait3A_220 = tpu.memref_slice %arg22[%dma_wait3A_218, %dma_wait3A_219] : memref<10016x128xf32, #tpu.memory_space<vmem_shared>> -> memref<10016x128xf32, #tpu.memory_space<vmem_shared>>
          tpu.wait_indirect_dma semaphore(%arg21 : memref<!tpu.dma_semaphore, #tpu.memory_space<semaphore_mem>>) src(%arg11 : memref<96x128xf32, #tpu.memory_space<vmem>>) dst(%dma_wait3A_220 : memref<10016x128xf32, #tpu.memory_space<vmem_shared>>)
          %dma_wait3A_221 = arith.constant 0 : i32
          %dma_wait3A_222 = arith.constant 0 : i32
          %dma_wait3A_223 = tpu.memref_slice %arg22[%dma_wait3A_221, %dma_wait3A_222] : memref<10016x128xf32, #tpu.memory_space<vmem_shared>> -> memref<10016x128xf32, #tpu.memory_space<vmem_shared>>
          tpu.wait_indirect_dma semaphore(%arg21 : memref<!tpu.dma_semaphore, #tpu.memory_space<semaphore_mem>>) src(%arg13 : memref<96x128xf32, #tpu.memory_space<vmem>>) dst(%dma_wait3A_223 : memref<10016x128xf32, #tpu.memory_space<vmem_shared>>)
        } else {
        }
        %add3A_147 = arith.constant 1 : i32
        %add3A_148 = arith.addi %mul3A_142, %add3A_147 : i32
        %mul3A_149 = arith.constant 20000 : i32
        %mul3A_150 = arith.muli %arg1, %mul3A_149 : i32
        %mul3A_151 = arith.constant 96 : i32
        %mul3A_152 = arith.muli %add3A_148, %mul3A_151 : i32
        %add3A_153 = arith.addi %mul3A_150, %mul3A_152 : i32
        %dma_start3A_154 = arith.constant 0 : i32
        %dma_start3A_155 = tpu.memref_slice %arg3[%add3A_153, %dma_start3A_154] : memref<320000x128xf32, #tpu.memory_space<hbm>> -> memref<96x128xf32, #tpu.memory_space<hbm>>
        %dma_start3A_156 = arith.constant 0 : i32
        %dma_start3A_157 = tpu.memref_slice %arg3[%add3A_153, %dma_start3A_156] : memref<320000x128xf32, #tpu.memory_space<hbm>> -> memref<96x128xf32, #tpu.memory_space<hbm>>
        tpu.enqueue_dma source(%dma_start3A_157 : memref<96x128xf32, #tpu.memory_space<hbm>>) target(%arg11 : memref<96x128xf32, #tpu.memory_space<vmem>>) target_semaphore(%arg19 : memref<!tpu.dma_semaphore, #tpu.memory_space<semaphore_mem>>)
        %dma_start3A_158 = tpu.memref_slice %arg5[%add3A_153] : memref<320000xi32, #tpu.memory_space<hbm>> -> memref<96xi32, #tpu.memory_space<hbm>>
        %dma_start3A_159 = tpu.memref_slice %arg5[%add3A_153] : memref<320000xi32, #tpu.memory_space<hbm>> -> memref<96xi32, #tpu.memory_space<hbm>>
        tpu.enqueue_dma source(%dma_start3A_159 : memref<96xi32, #tpu.memory_space<hbm>>) target(%arg15 : memref<96xi32, #tpu.memory_space<vmem>>) target_semaphore(%arg19 : memref<!tpu.dma_semaphore, #tpu.memory_space<semaphore_mem>>)
        %dma_start3A_160 = tpu.memref_slice %arg7[%add3A_153] : memref<320000xi32, #tpu.memory_space<hbm>> -> memref<96xi32, #tpu.memory_space<hbm>>
        %dma_start3A_161 = tpu.memref_slice %arg7[%add3A_153] : memref<320000xi32, #tpu.memory_space<hbm>> -> memref<96xi32, #tpu.memory_space<hbm>>
        tpu.enqueue_dma source(%dma_start3A_161 : memref<96xi32, #tpu.memory_space<hbm>>) target(%arg17 : memref<96xi32, #tpu.memory_space<vmem>>) target_semaphore(%arg19 : memref<!tpu.dma_semaphore, #tpu.memory_space<semaphore_mem>>)
        %mul3A_162 = arith.constant 20000 : i32
        %mul3A_163 = arith.muli %arg1, %mul3A_162 : i32
        %mul3A_164 = arith.constant 96 : i32
        %mul3A_165 = arith.muli %mul3A_142, %mul3A_164 : i32
        %add3A_166 = arith.addi %mul3A_163, %mul3A_165 : i32
        %dma_wait3A_167 = arith.constant 0 : i32
        %dma_wait3A_168 = tpu.memref_slice %arg3[%add3A_166, %dma_wait3A_167] : memref<320000x128xf32, #tpu.memory_space<hbm>> -> memref<96x128xf32, #tpu.memory_space<hbm>>
        %dma_wait3A_169 = arith.constant 0 : i32
        %dma_wait3A_170 = tpu.memref_slice %arg3[%add3A_166, %dma_wait3A_169] : memref<320000x128xf32, #tpu.memory_space<hbm>> -> memref<96x128xf32, #tpu.memory_space<hbm>>
        tpu.wait_dma2 semaphore(%arg18 : memref<!tpu.dma_semaphore, #tpu.memory_space<semaphore_mem>>) src(%dma_wait3A_170 : memref<96x128xf32, #tpu.memory_space<hbm>>) dst(%arg10 : memref<96x128xf32, #tpu.memory_space<vmem>>)
        %dma_wait3A_171 = tpu.memref_slice %arg5[%add3A_166] : memref<320000xi32, #tpu.memory_space<hbm>> -> memref<96xi32, #tpu.memory_space<hbm>>
        %dma_wait3A_172 = tpu.memref_slice %arg5[%add3A_166] : memref<320000xi32, #tpu.memory_space<hbm>> -> memref<96xi32, #tpu.memory_space<hbm>>
        tpu.wait_dma2 semaphore(%arg18 : memref<!tpu.dma_semaphore, #tpu.memory_space<semaphore_mem>>) src(%dma_wait3A_172 : memref<96xi32, #tpu.memory_space<hbm>>) dst(%arg14 : memref<96xi32, #tpu.memory_space<vmem>>)
        %dma_wait3A_173 = tpu.memref_slice %arg7[%add3A_166] : memref<320000xi32, #tpu.memory_space<hbm>> -> memref<96xi32, #tpu.memory_space<hbm>>
        %dma_wait3A_174 = tpu.memref_slice %arg7[%add3A_166] : memref<320000xi32, #tpu.memory_space<hbm>> -> memref<96xi32, #tpu.memory_space<hbm>>
        tpu.wait_dma2 semaphore(%arg18 : memref<!tpu.dma_semaphore, #tpu.memory_space<semaphore_mem>>) src(%dma_wait3A_174 : memref<96xi32, #tpu.memory_space<hbm>>) dst(%arg16 : memref<96xi32, #tpu.memory_space<vmem>>)
        %dma_start3A_175 = arith.constant 0 : i32
        %dma_start3A_176 = arith.constant 0 : i32
        %dma_start3A_177 = tpu.memref_slice %arg22[%dma_start3A_175, %dma_start3A_176] : memref<10016x128xf32, #tpu.memory_space<vmem_shared>> -> memref<10016x128xf32, #tpu.memory_space<vmem_shared>>
        tpu.enqueue_indirect_dma source(%arg10 : memref<96x128xf32, #tpu.memory_space<vmem>>) target(%dma_start3A_177 : memref<10016x128xf32, #tpu.memory_space<vmem_shared>>) offsets(%arg14 : memref<96xi32, #tpu.memory_space<vmem>>) semaphore(%arg20 : memref<!tpu.dma_semaphore, #tpu.memory_space<semaphore_mem>>) {add = true}
        %scan3A_178 = arith.constant 0 : i32
        %scan3A_179 = arith.constant 0 : i32
        %scan3A_180 = arith.constant 96 : i32
        %scan3A_181 = arith.addi %scan3A_179, %scan3A_180 : i32
        %scan3A_182 = arith.constant 1 : i32
        scf.for %scan3A_218 = %scan3A_179 to %scan3A_181 step %scan3A_182  : i32 {
          %get3A = arith.index_cast %scan3A_218 : i32 to index
          %get3A_219 = arith.constant 0 : index
          %get3A_220 = tpu.vector_load %arg10[%get3A, %get3A_219] {strides = array<i32>} : memref<96x128xf32, #tpu.memory_space<vmem>>, vector<1x16xf32>,
          %get3A_221 = vector.shape_cast %get3A_220 : vector<1x16xf32> to vector<16xf32>
          %neg3A = arith.constant 0.000000e+00 : f32
          %neg3A_222 = vector.broadcast %neg3A : f32 to vector<16xf32>
          %neg3A_223 = arith.subf %neg3A_222, %get3A_221 : vector<16xf32>
          %swap3A_224 = arith.index_cast %scan3A_218 : i32 to index
          %swap3A_225 = arith.constant 0 : index
          %swap3A_226 = tpu.vector_load %arg12[%swap3A_224, %swap3A_225] {strides = array<i32>} : memref<96x128xf32, #tpu.memory_space<vmem>>, vector<1x16xf32>,
          %swap3A_227 = vector.shape_cast %swap3A_226 : vector<1x16xf32> to vector<16xf32>
          %swap3A_228 = vector.shape_cast %neg3A_223 : vector<16xf32> to vector<1x16xf32>
          tpu.vector_store %arg12[%swap3A_224, %swap3A_225], %swap3A_228 {strides = array<i32>} : memref<96x128xf32, #tpu.memory_space<vmem>>, vector<1x16xf32>,
          %get3A_229 = arith.index_cast %scan3A_218 : i32 to index
          %get3A_230 = arith.constant 16 : index
          %get3A_231 = tpu.vector_load %arg10[%get3A_229, %get3A_230] {strides = array<i32>} : memref<96x128xf32, #tpu.memory_space<vmem>>, vector<1x16xf32>,
          %get3A_232 = vector.shape_cast %get3A_231 : vector<1x16xf32> to vector<16xf32>
          %neg3A_233 = arith.constant 0.000000e+00 : f32
          %neg3A_234 = vector.broadcast %neg3A_233 : f32 to vector<16xf32>
          %neg3A_235 = arith.subf %neg3A_234, %get3A_232 : vector<16xf32>
          %swap3A_236 = arith.index_cast %scan3A_218 : i32 to index
          %swap3A_237 = arith.constant 16 : index
          %swap3A_238 = tpu.vector_load %arg12[%swap3A_236, %swap3A_237] {strides = array<i32>} : memref<96x128xf32, #tpu.memory_space<vmem>>, vector<1x16xf32>,
          %swap3A_239 = vector.shape_cast %swap3A_238 : vector<1x16xf32> to vector<16xf32>
          %swap3A_240 = vector.shape_cast %neg3A_235 : vector<16xf32> to vector<1x16xf32>
          tpu.vector_store %arg12[%swap3A_236, %swap3A_237], %swap3A_240 {strides = array<i32>} : memref<96x128xf32, #tpu.memory_space<vmem>>, vector<1x16xf32>,
          %get3A_241 = arith.index_cast %scan3A_218 : i32 to index
          %get3A_242 = arith.constant 32 : index
          %get3A_243 = tpu.vector_load %arg10[%get3A_241, %get3A_242] {strides = array<i32>} : memref<96x128xf32, #tpu.memory_space<vmem>>, vector<1x16xf32>,
          %get3A_244 = vector.shape_cast %get3A_243 : vector<1x16xf32> to vector<16xf32>
          %neg3A_245 = arith.constant 0.000000e+00 : f32
          %neg3A_246 = vector.broadcast %neg3A_245 : f32 to vector<16xf32>
          %neg3A_247 = arith.subf %neg3A_246, %get3A_244 : vector<16xf32>
          %swap3A_248 = arith.index_cast %scan3A_218 : i32 to index
          %swap3A_249 = arith.constant 32 : index
          %swap3A_250 = tpu.vector_load %arg12[%swap3A_248, %swap3A_249] {strides = array<i32>} : memref<96x128xf32, #tpu.memory_space<vmem>>, vector<1x16xf32>,
          %swap3A_251 = vector.shape_cast %swap3A_250 : vector<1x16xf32> to vector<16xf32>
          %swap3A_252 = vector.shape_cast %neg3A_247 : vector<16xf32> to vector<1x16xf32>
          tpu.vector_store %arg12[%swap3A_248, %swap3A_249], %swap3A_252 {strides = array<i32>} : memref<96x128xf32, #tpu.memory_space<vmem>>, vector<1x16xf32>,
          %get3A_253 = arith.index_cast %scan3A_218 : i32 to index
          %get3A_254 = arith.constant 48 : index
          %get3A_255 = tpu.vector_load %arg10[%get3A_253, %get3A_254] {strides = array<i32>} : memref<96x128xf32, #tpu.memory_space<vmem>>, vector<1x16xf32>,
          %get3A_256 = vector.shape_cast %get3A_255 : vector<1x16xf32> to vector<16xf32>
          %neg3A_257 = arith.constant 0.000000e+00 : f32
          %neg3A_258 = vector.broadcast %neg3A_257 : f32 to vector<16xf32>
          %neg3A_259 = arith.subf %neg3A_258, %get3A_256 : vector<16xf32>
          %swap3A_260 = arith.index_cast %scan3A_218 : i32 to index
          %swap3A_261 = arith.constant 48 : index
          %swap3A_262 = tpu.vector_load %arg12[%swap3A_260, %swap3A_261] {strides = array<i32>} : memref<96x128xf32, #tpu.memory_space<vmem>>, vector<1x16xf32>,
          %swap3A_263 = vector.shape_cast %swap3A_262 : vector<1x16xf32> to vector<16xf32>
          %swap3A_264 = vector.shape_cast %neg3A_259 : vector<16xf32> to vector<1x16xf32>
          tpu.vector_store %arg12[%swap3A_260, %swap3A_261], %swap3A_264 {strides = array<i32>} : memref<96x128xf32, #tpu.memory_space<vmem>>, vector<1x16xf32>,
          %get3A_265 = arith.index_cast %scan3A_218 : i32 to index
          %get3A_266 = arith.constant 64 : index
          %get3A_267 = tpu.vector_load %arg10[%get3A_265, %get3A_266] {strides = array<i32>} : memref<96x128xf32, #tpu.memory_space<vmem>>, vector<1x16xf32>,
          %get3A_268 = vector.shape_cast %get3A_267 : vector<1x16xf32> to vector<16xf32>
          %neg3A_269 = arith.constant 0.000000e+00 : f32
          %neg3A_270 = vector.broadcast %neg3A_269 : f32 to vector<16xf32>
          %neg3A_271 = arith.subf %neg3A_270, %get3A_268 : vector<16xf32>
          %swap3A_272 = arith.index_cast %scan3A_218 : i32 to index
          %swap3A_273 = arith.constant 64 : index
          %swap3A_274 = tpu.vector_load %arg12[%swap3A_272, %swap3A_273] {strides = array<i32>} : memref<96x128xf32, #tpu.memory_space<vmem>>, vector<1x16xf32>,
          %swap3A_275 = vector.shape_cast %swap3A_274 : vector<1x16xf32> to vector<16xf32>
          %swap3A_276 = vector.shape_cast %neg3A_271 : vector<16xf32> to vector<1x16xf32>
          tpu.vector_store %arg12[%swap3A_272, %swap3A_273], %swap3A_276 {strides = array<i32>} : memref<96x128xf32, #tpu.memory_space<vmem>>, vector<1x16xf32>,
          %get3A_277 = arith.index_cast %scan3A_218 : i32 to index
          %get3A_278 = arith.constant 80 : index
          %get3A_279 = tpu.vector_load %arg10[%get3A_277, %get3A_278] {strides = array<i32>} : memref<96x128xf32, #tpu.memory_space<vmem>>, vector<1x16xf32>,
          %get3A_280 = vector.shape_cast %get3A_279 : vector<1x16xf32> to vector<16xf32>
          %neg3A_281 = arith.constant 0.000000e+00 : f32
          %neg3A_282 = vector.broadcast %neg3A_281 : f32 to vector<16xf32>
          %neg3A_283 = arith.subf %neg3A_282, %get3A_280 : vector<16xf32>
          %swap3A_284 = arith.index_cast %scan3A_218 : i32 to index
          %swap3A_285 = arith.constant 80 : index
          %swap3A_286 = tpu.vector_load %arg12[%swap3A_284, %swap3A_285] {strides = array<i32>} : memref<96x128xf32, #tpu.memory_space<vmem>>, vector<1x16xf32>,
          %swap3A_287 = vector.shape_cast %swap3A_286 : vector<1x16xf32> to vector<16xf32>
          %swap3A_288 = vector.shape_cast %neg3A_283 : vector<16xf32> to vector<1x16xf32>
          tpu.vector_store %arg12[%swap3A_284, %swap3A_285], %swap3A_288 {strides = array<i32>} : memref<96x128xf32, #tpu.memory_space<vmem>>, vector<1x16xf32>,
          %get3A_289 = arith.index_cast %scan3A_218 : i32 to index
          %get3A_290 = arith.constant 96 : index
          %get3A_291 = tpu.vector_load %arg10[%get3A_289, %get3A_290] {strides = array<i32>} : memref<96x128xf32, #tpu.memory_space<vmem>>, vector<1x16xf32>,
          %get3A_292 = vector.shape_cast %get3A_291 : vector<1x16xf32> to vector<16xf32>
          %neg3A_293 = arith.constant 0.000000e+00 : f32
          %neg3A_294 = vector.broadcast %neg3A_293 : f32 to vector<16xf32>
          %neg3A_295 = arith.subf %neg3A_294, %get3A_292 : vector<16xf32>
          %swap3A_296 = arith.index_cast %scan3A_218 : i32 to index
          %swap3A_297 = arith.constant 96 : index
          %swap3A_298 = tpu.vector_load %arg12[%swap3A_296, %swap3A_297] {strides = array<i32>} : memref<96x128xf32, #tpu.memory_space<vmem>>, vector<1x16xf32>,
          %swap3A_299 = vector.shape_cast %swap3A_298 : vector<1x16xf32> to vector<16xf32>
          %swap3A_300 = vector.shape_cast %neg3A_295 : vector<16xf32> to vector<1x16xf32>
          tpu.vector_store %arg12[%swap3A_296, %swap3A_297], %swap3A_300 {strides = array<i32>} : memref<96x128xf32, #tpu.memory_space<vmem>>, vector<1x16xf32>,
          %get3A_301 = arith.index_cast %scan3A_218 : i32 to index
          %get3A_302 = arith.constant 112 : index
          %get3A_303 = tpu.vector_load %arg10[%get3A_301, %get3A_302] {strides = array<i32>} : memref<96x128xf32, #tpu.memory_space<vmem>>, vector<1x16xf32>,
          %get3A_304 = vector.shape_cast %get3A_303 : vector<1x16xf32> to vector<16xf32>
          %neg3A_305 = arith.constant 0.000000e+00 : f32
          %neg3A_306 = vector.broadcast %neg3A_305 : f32 to vector<16xf32>
          %neg3A_307 = arith.subf %neg3A_306, %get3A_304 : vector<16xf32>
          %swap3A_308 = arith.index_cast %scan3A_218 : i32 to index
          %swap3A_309 = arith.constant 112 : index
          %swap3A_310 = tpu.vector_load %arg12[%swap3A_308, %swap3A_309] {strides = array<i32>} : memref<96x128xf32, #tpu.memory_space<vmem>>, vector<1x16xf32>,
          %swap3A_311 = vector.shape_cast %swap3A_310 : vector<1x16xf32> to vector<16xf32>
          %swap3A_312 = vector.shape_cast %neg3A_307 : vector<16xf32> to vector<1x16xf32>
          tpu.vector_store %arg12[%swap3A_308, %swap3A_309], %swap3A_312 {strides = array<i32>} : memref<96x128xf32, #tpu.memory_space<vmem>>, vector<1x16xf32>,
        }
        %scan3A_183 = arith.constant 96 : i32
        %dma_start3A_184 = arith.constant 0 : i32
        %dma_start3A_185 = arith.constant 0 : i32
        %dma_start3A_186 = tpu.memref_slice %arg22[%dma_start3A_184, %dma_start3A_185] : memref<10016x128xf32, #tpu.memory_space<vmem_shared>> -> memref<10016x128xf32, #tpu.memory_space<vmem_shared>>
        tpu.enqueue_indirect_dma source(%arg12 : memref<96x128xf32, #tpu.memory_space<vmem>>) target(%dma_start3A_186 : memref<10016x128xf32, #tpu.memory_space<vmem_shared>>) offsets(%arg16 : memref<96xi32, #tpu.memory_space<vmem>>) semaphore(%arg20 : memref<!tpu.dma_semaphore, #tpu.memory_space<semaphore_mem>>) {add = true}
        %lt3A = arith.constant 103 : i32
        %lt3A_187 = arith.cmpi slt, %scan3A_140, %lt3A : i32
        %convert_element_type3A_188 = arith.extui %lt3A_187 : i1 to i32
        %cond3A_189 = arith.constant 0 : i32
        %cond3A_190 = arith.cmpi ne, %convert_element_type3A_188, %cond3A_189 : i32
        scf.if %cond3A_190 {
          %dma_wait3A_218 = arith.constant 0 : i32
          %dma_wait3A_219 = arith.constant 0 : i32
          %dma_wait3A_220 = tpu.memref_slice %arg22[%dma_wait3A_218, %dma_wait3A_219] : memref<10016x128xf32, #tpu.memory_space<vmem_shared>> -> memref<10016x128xf32, #tpu.memory_space<vmem_shared>>
          tpu.wait_indirect_dma semaphore(%arg20 : memref<!tpu.dma_semaphore, #tpu.memory_space<semaphore_mem>>) src(%arg10 : memref<96x128xf32, #tpu.memory_space<vmem>>) dst(%dma_wait3A_220 : memref<10016x128xf32, #tpu.memory_space<vmem_shared>>)
          %dma_wait3A_221 = arith.constant 0 : i32
          %dma_wait3A_222 = arith.constant 0 : i32
          %dma_wait3A_223 = tpu.memref_slice %arg22[%dma_wait3A_221, %dma_wait3A_222] : memref<10016x128xf32, #tpu.memory_space<vmem_shared>> -> memref<10016x128xf32, #tpu.memory_space<vmem_shared>>
          tpu.wait_indirect_dma semaphore(%arg20 : memref<!tpu.dma_semaphore, #tpu.memory_space<semaphore_mem>>) src(%arg12 : memref<96x128xf32, #tpu.memory_space<vmem>>) dst(%dma_wait3A_223 : memref<10016x128xf32, #tpu.memory_space<vmem_shared>>)
          %add3A_224 = arith.constant 2 : i32
          %add3A_225 = arith.addi %mul3A_142, %add3A_224 : i32
          %mul3A_226 = arith.constant 20000 : i32
          %mul3A_227 = arith.muli %arg1, %mul3A_226 : i32
          %mul3A_228 = arith.constant 96 : i32
          %mul3A_229 = arith.muli %add3A_225, %mul3A_228 : i32
          %add3A_230 = arith.addi %mul3A_227, %mul3A_229 : i32
          %dma_start3A_231 = arith.constant 0 : i32
          %dma_start3A_232 = tpu.memref_slice %arg3[%add3A_230, %dma_start3A_231] : memref<320000x128xf32, #tpu.memory_space<hbm>> -> memref<96x128xf32, #tpu.memory_space<hbm>>
          %dma_start3A_233 = arith.constant 0 : i32
          %dma_start3A_234 = tpu.memref_slice %arg3[%add3A_230, %dma_start3A_233] : memref<320000x128xf32, #tpu.memory_space<hbm>> -> memref<96x128xf32, #tpu.memory_space<hbm>>
          tpu.enqueue_dma source(%dma_start3A_234 : memref<96x128xf32, #tpu.memory_space<hbm>>) target(%arg10 : memref<96x128xf32, #tpu.memory_space<vmem>>) target_semaphore(%arg18 : memref<!tpu.dma_semaphore, #tpu.memory_space<semaphore_mem>>)
          %dma_start3A_235 = tpu.memref_slice %arg5[%add3A_230] : memref<320000xi32, #tpu.memory_space<hbm>> -> memref<96xi32, #tpu.memory_space<hbm>>
          %dma_start3A_236 = tpu.memref_slice %arg5[%add3A_230] : memref<320000xi32, #tpu.memory_space<hbm>> -> memref<96xi32, #tpu.memory_space<hbm>>
          tpu.enqueue_dma source(%dma_start3A_236 : memref<96xi32, #tpu.memory_space<hbm>>) target(%arg14 : memref<96xi32, #tpu.memory_space<vmem>>) target_semaphore(%arg18 : memref<!tpu.dma_semaphore, #tpu.memory_space<semaphore_mem>>)
          %dma_start3A_237 = tpu.memref_slice %arg7[%add3A_230] : memref<320000xi32, #tpu.memory_space<hbm>> -> memref<96xi32, #tpu.memory_space<hbm>>
          %dma_start3A_238 = tpu.memref_slice %arg7[%add3A_230] : memref<320000xi32, #tpu.memory_space<hbm>> -> memref<96xi32, #tpu.memory_space<hbm>>
          tpu.enqueue_dma source(%dma_start3A_238 : memref<96xi32, #tpu.memory_space<hbm>>) target(%arg16 : memref<96xi32, #tpu.memory_space<vmem>>) target_semaphore(%arg18 : memref<!tpu.dma_semaphore, #tpu.memory_space<semaphore_mem>>)
        } else {
        }
        %add3A_191 = arith.constant 1 : i32
        %add3A_192 = arith.addi %mul3A_142, %add3A_191 : i32
        %mul3A_193 = arith.constant 20000 : i32
        %mul3A_194 = arith.muli %arg1, %mul3A_193 : i32
        %mul3A_195 = arith.constant 96 : i32
        %mul3A_196 = arith.muli %add3A_192, %mul3A_195 : i32
        %add3A_197 = arith.addi %mul3A_194, %mul3A_196 : i32
        %dma_wait3A_198 = arith.constant 0 : i32
        %dma_wait3A_199 = tpu.memref_slice %arg3[%add3A_197, %dma_wait3A_198] : memref<320000x128xf32, #tpu.memory_space<hbm>> -> memref<96x128xf32, #tpu.memory_space<hbm>>
        %dma_wait3A_200 = arith.constant 0 : i32
        %dma_wait3A_201 = tpu.memref_slice %arg3[%add3A_197, %dma_wait3A_200] : memref<320000x128xf32, #tpu.memory_space<hbm>> -> memref<96x128xf32, #tpu.memory_space<hbm>>
        tpu.wait_dma2 semaphore(%arg19 : memref<!tpu.dma_semaphore, #tpu.memory_space<semaphore_mem>>) src(%dma_wait3A_201 : memref<96x128xf32, #tpu.memory_space<hbm>>) dst(%arg11 : memref<96x128xf32, #tpu.memory_space<vmem>>)
        %dma_wait3A_202 = tpu.memref_slice %arg5[%add3A_197] : memref<320000xi32, #tpu.memory_space<hbm>> -> memref<96xi32, #tpu.memory_space<hbm>>
        %dma_wait3A_203 = tpu.memref_slice %arg5[%add3A_197] : memref<320000xi32, #tpu.memory_space<hbm>> -> memref<96xi32, #tpu.memory_space<hbm>>
        tpu.wait_dma2 semaphore(%arg19 : memref<!tpu.dma_semaphore, #tpu.memory_space<semaphore_mem>>) src(%dma_wait3A_203 : memref<96xi32, #tpu.memory_space<hbm>>) dst(%arg15 : memref<96xi32, #tpu.memory_space<vmem>>)
        %dma_wait3A_204 = tpu.memref_slice %arg7[%add3A_197] : memref<320000xi32, #tpu.memory_space<hbm>> -> memref<96xi32, #tpu.memory_space<hbm>>
        %dma_wait3A_205 = tpu.memref_slice %arg7[%add3A_197] : memref<320000xi32, #tpu.memory_space<hbm>> -> memref<96xi32, #tpu.memory_space<hbm>>
        tpu.wait_dma2 semaphore(%arg19 : memref<!tpu.dma_semaphore, #tpu.memory_space<semaphore_mem>>) src(%dma_wait3A_205 : memref<96xi32, #tpu.memory_space<hbm>>) dst(%arg17 : memref<96xi32, #tpu.memory_space<vmem>>)
        %dma_start3A_206 = arith.constant 0 : i32
        %dma_start3A_207 = arith.constant 0 : i32
        %dma_start3A_208 = tpu.memref_slice %arg22[%dma_start3A_206, %dma_start3A_207] : memref<10016x128xf32, #tpu.memory_space<vmem_shared>> -> memref<10016x128xf32, #tpu.memory_space<vmem_shared>>
        tpu.enqueue_indirect_dma source(%arg11 : memref<96x128xf32, #tpu.memory_space<vmem>>) target(%dma_start3A_208 : memref<10016x128xf32, #tpu.memory_space<vmem_shared>>) offsets(%arg15 : memref<96xi32, #tpu.memory_space<vmem>>) semaphore(%arg21 : memref<!tpu.dma_semaphore, #tpu.memory_space<semaphore_mem>>) {add = true}
        %scan3A_209 = arith.constant 0 : i32
        %scan3A_210 = arith.constant 0 : i32
        %scan3A_211 = arith.constant 96 : i32
        %scan3A_212 = arith.addi %scan3A_210, %scan3A_211 : i32
        %scan3A_213 = arith.constant 1 : i32
        scf.for %scan3A_218 = %scan3A_210 to %scan3A_212 step %scan3A_213  : i32 {
          %get3A = arith.index_cast %scan3A_218 : i32 to index
          %get3A_219 = arith.constant 0 : index
          %get3A_220 = tpu.vector_load %arg11[%get3A, %get3A_219] {strides = array<i32>} : memref<96x128xf32, #tpu.memory_space<vmem>>, vector<1x16xf32>,
          %get3A_221 = vector.shape_cast %get3A_220 : vector<1x16xf32> to vector<16xf32>
          %neg3A = arith.constant 0.000000e+00 : f32
          %neg3A_222 = vector.broadcast %neg3A : f32 to vector<16xf32>
          %neg3A_223 = arith.subf %neg3A_222, %get3A_221 : vector<16xf32>
          %swap3A_224 = arith.index_cast %scan3A_218 : i32 to index
          %swap3A_225 = arith.constant 0 : index
          %swap3A_226 = tpu.vector_load %arg13[%swap3A_224, %swap3A_225] {strides = array<i32>} : memref<96x128xf32, #tpu.memory_space<vmem>>, vector<1x16xf32>,
          %swap3A_227 = vector.shape_cast %swap3A_226 : vector<1x16xf32> to vector<16xf32>
          %swap3A_228 = vector.shape_cast %neg3A_223 : vector<16xf32> to vector<1x16xf32>
          tpu.vector_store %arg13[%swap3A_224, %swap3A_225], %swap3A_228 {strides = array<i32>} : memref<96x128xf32, #tpu.memory_space<vmem>>, vector<1x16xf32>,
          %get3A_229 = arith.index_cast %scan3A_218 : i32 to index
          %get3A_230 = arith.constant 16 : index
          %get3A_231 = tpu.vector_load %arg11[%get3A_229, %get3A_230] {strides = array<i32>} : memref<96x128xf32, #tpu.memory_space<vmem>>, vector<1x16xf32>,
          %get3A_232 = vector.shape_cast %get3A_231 : vector<1x16xf32> to vector<16xf32>
          %neg3A_233 = arith.constant 0.000000e+00 : f32
          %neg3A_234 = vector.broadcast %neg3A_233 : f32 to vector<16xf32>
          %neg3A_235 = arith.subf %neg3A_234, %get3A_232 : vector<16xf32>
          %swap3A_236 = arith.index_cast %scan3A_218 : i32 to index
          %swap3A_237 = arith.constant 16 : index
          %swap3A_238 = tpu.vector_load %arg13[%swap3A_236, %swap3A_237] {strides = array<i32>} : memref<96x128xf32, #tpu.memory_space<vmem>>, vector<1x16xf32>,
          %swap3A_239 = vector.shape_cast %swap3A_238 : vector<1x16xf32> to vector<16xf32>
          %swap3A_240 = vector.shape_cast %neg3A_235 : vector<16xf32> to vector<1x16xf32>
          tpu.vector_store %arg13[%swap3A_236, %swap3A_237], %swap3A_240 {strides = array<i32>} : memref<96x128xf32, #tpu.memory_space<vmem>>, vector<1x16xf32>,
          %get3A_241 = arith.index_cast %scan3A_218 : i32 to index
          %get3A_242 = arith.constant 32 : index
          %get3A_243 = tpu.vector_load %arg11[%get3A_241, %get3A_242] {strides = array<i32>} : memref<96x128xf32, #tpu.memory_space<vmem>>, vector<1x16xf32>,
          %get3A_244 = vector.shape_cast %get3A_243 : vector<1x16xf32> to vector<16xf32>
          %neg3A_245 = arith.constant 0.000000e+00 : f32
          %neg3A_246 = vector.broadcast %neg3A_245 : f32 to vector<16xf32>
          %neg3A_247 = arith.subf %neg3A_246, %get3A_244 : vector<16xf32>
          %swap3A_248 = arith.index_cast %scan3A_218 : i32 to index
          %swap3A_249 = arith.constant 32 : index
          %swap3A_250 = tpu.vector_load %arg13[%swap3A_248, %swap3A_249] {strides = array<i32>} : memref<96x128xf32, #tpu.memory_space<vmem>>, vector<1x16xf32>,
          %swap3A_251 = vector.shape_cast %swap3A_250 : vector<1x16xf32> to vector<16xf32>
          %swap3A_252 = vector.shape_cast %neg3A_247 : vector<16xf32> to vector<1x16xf32>
          tpu.vector_store %arg13[%swap3A_248, %swap3A_249], %swap3A_252 {strides = array<i32>} : memref<96x128xf32, #tpu.memory_space<vmem>>, vector<1x16xf32>,
          %get3A_253 = arith.index_cast %scan3A_218 : i32 to index
          %get3A_254 = arith.constant 48 : index
          %get3A_255 = tpu.vector_load %arg11[%get3A_253, %get3A_254] {strides = array<i32>} : memref<96x128xf32, #tpu.memory_space<vmem>>, vector<1x16xf32>,
          %get3A_256 = vector.shape_cast %get3A_255 : vector<1x16xf32> to vector<16xf32>
          %neg3A_257 = arith.constant 0.000000e+00 : f32
          %neg3A_258 = vector.broadcast %neg3A_257 : f32 to vector<16xf32>
          %neg3A_259 = arith.subf %neg3A_258, %get3A_256 : vector<16xf32>
          %swap3A_260 = arith.index_cast %scan3A_218 : i32 to index
          %swap3A_261 = arith.constant 48 : index
          %swap3A_262 = tpu.vector_load %arg13[%swap3A_260, %swap3A_261] {strides = array<i32>} : memref<96x128xf32, #tpu.memory_space<vmem>>, vector<1x16xf32>,
          %swap3A_263 = vector.shape_cast %swap3A_262 : vector<1x16xf32> to vector<16xf32>
          %swap3A_264 = vector.shape_cast %neg3A_259 : vector<16xf32> to vector<1x16xf32>
          tpu.vector_store %arg13[%swap3A_260, %swap3A_261], %swap3A_264 {strides = array<i32>} : memref<96x128xf32, #tpu.memory_space<vmem>>, vector<1x16xf32>,
          %get3A_265 = arith.index_cast %scan3A_218 : i32 to index
          %get3A_266 = arith.constant 64 : index
          %get3A_267 = tpu.vector_load %arg11[%get3A_265, %get3A_266] {strides = array<i32>} : memref<96x128xf32, #tpu.memory_space<vmem>>, vector<1x16xf32>,
          %get3A_268 = vector.shape_cast %get3A_267 : vector<1x16xf32> to vector<16xf32>
          %neg3A_269 = arith.constant 0.000000e+00 : f32
          %neg3A_270 = vector.broadcast %neg3A_269 : f32 to vector<16xf32>
          %neg3A_271 = arith.subf %neg3A_270, %get3A_268 : vector<16xf32>
          %swap3A_272 = arith.index_cast %scan3A_218 : i32 to index
          %swap3A_273 = arith.constant 64 : index
          %swap3A_274 = tpu.vector_load %arg13[%swap3A_272, %swap3A_273] {strides = array<i32>} : memref<96x128xf32, #tpu.memory_space<vmem>>, vector<1x16xf32>,
          %swap3A_275 = vector.shape_cast %swap3A_274 : vector<1x16xf32> to vector<16xf32>
          %swap3A_276 = vector.shape_cast %neg3A_271 : vector<16xf32> to vector<1x16xf32>
          tpu.vector_store %arg13[%swap3A_272, %swap3A_273], %swap3A_276 {strides = array<i32>} : memref<96x128xf32, #tpu.memory_space<vmem>>, vector<1x16xf32>,
          %get3A_277 = arith.index_cast %scan3A_218 : i32 to index
          %get3A_278 = arith.constant 80 : index
          %get3A_279 = tpu.vector_load %arg11[%get3A_277, %get3A_278] {strides = array<i32>} : memref<96x128xf32, #tpu.memory_space<vmem>>, vector<1x16xf32>,
          %get3A_280 = vector.shape_cast %get3A_279 : vector<1x16xf32> to vector<16xf32>
          %neg3A_281 = arith.constant 0.000000e+00 : f32
          %neg3A_282 = vector.broadcast %neg3A_281 : f32 to vector<16xf32>
          %neg3A_283 = arith.subf %neg3A_282, %get3A_280 : vector<16xf32>
          %swap3A_284 = arith.index_cast %scan3A_218 : i32 to index
          %swap3A_285 = arith.constant 80 : index
          %swap3A_286 = tpu.vector_load %arg13[%swap3A_284, %swap3A_285] {strides = array<i32>} : memref<96x128xf32, #tpu.memory_space<vmem>>, vector<1x16xf32>,
          %swap3A_287 = vector.shape_cast %swap3A_286 : vector<1x16xf32> to vector<16xf32>
          %swap3A_288 = vector.shape_cast %neg3A_283 : vector<16xf32> to vector<1x16xf32>
          tpu.vector_store %arg13[%swap3A_284, %swap3A_285], %swap3A_288 {strides = array<i32>} : memref<96x128xf32, #tpu.memory_space<vmem>>, vector<1x16xf32>,
          %get3A_289 = arith.index_cast %scan3A_218 : i32 to index
          %get3A_290 = arith.constant 96 : index
          %get3A_291 = tpu.vector_load %arg11[%get3A_289, %get3A_290] {strides = array<i32>} : memref<96x128xf32, #tpu.memory_space<vmem>>, vector<1x16xf32>,
          %get3A_292 = vector.shape_cast %get3A_291 : vector<1x16xf32> to vector<16xf32>
          %neg3A_293 = arith.constant 0.000000e+00 : f32
          %neg3A_294 = vector.broadcast %neg3A_293 : f32 to vector<16xf32>
          %neg3A_295 = arith.subf %neg3A_294, %get3A_292 : vector<16xf32>
          %swap3A_296 = arith.index_cast %scan3A_218 : i32 to index
          %swap3A_297 = arith.constant 96 : index
          %swap3A_298 = tpu.vector_load %arg13[%swap3A_296, %swap3A_297] {strides = array<i32>} : memref<96x128xf32, #tpu.memory_space<vmem>>, vector<1x16xf32>,
          %swap3A_299 = vector.shape_cast %swap3A_298 : vector<1x16xf32> to vector<16xf32>
          %swap3A_300 = vector.shape_cast %neg3A_295 : vector<16xf32> to vector<1x16xf32>
          tpu.vector_store %arg13[%swap3A_296, %swap3A_297], %swap3A_300 {strides = array<i32>} : memref<96x128xf32, #tpu.memory_space<vmem>>, vector<1x16xf32>,
          %get3A_301 = arith.index_cast %scan3A_218 : i32 to index
          %get3A_302 = arith.constant 112 : index
          %get3A_303 = tpu.vector_load %arg11[%get3A_301, %get3A_302] {strides = array<i32>} : memref<96x128xf32, #tpu.memory_space<vmem>>, vector<1x16xf32>,
          %get3A_304 = vector.shape_cast %get3A_303 : vector<1x16xf32> to vector<16xf32>
          %neg3A_305 = arith.constant 0.000000e+00 : f32
          %neg3A_306 = vector.broadcast %neg3A_305 : f32 to vector<16xf32>
          %neg3A_307 = arith.subf %neg3A_306, %get3A_304 : vector<16xf32>
          %swap3A_308 = arith.index_cast %scan3A_218 : i32 to index
          %swap3A_309 = arith.constant 112 : index
          %swap3A_310 = tpu.vector_load %arg13[%swap3A_308, %swap3A_309] {strides = array<i32>} : memref<96x128xf32, #tpu.memory_space<vmem>>, vector<1x16xf32>,
          %swap3A_311 = vector.shape_cast %swap3A_310 : vector<1x16xf32> to vector<16xf32>
          %swap3A_312 = vector.shape_cast %neg3A_307 : vector<16xf32> to vector<1x16xf32>
          tpu.vector_store %arg13[%swap3A_308, %swap3A_309], %swap3A_312 {strides = array<i32>} : memref<96x128xf32, #tpu.memory_space<vmem>>, vector<1x16xf32>,
        }
        %scan3A_214 = arith.constant 96 : i32
        %dma_start3A_215 = arith.constant 0 : i32
        %dma_start3A_216 = arith.constant 0 : i32
        %dma_start3A_217 = tpu.memref_slice %arg22[%dma_start3A_215, %dma_start3A_216] : memref<10016x128xf32, #tpu.memory_space<vmem_shared>> -> memref<10016x128xf32, #tpu.memory_space<vmem_shared>>
        tpu.enqueue_indirect_dma source(%arg13 : memref<96x128xf32, #tpu.memory_space<vmem>>) target(%dma_start3A_217 : memref<10016x128xf32, #tpu.memory_space<vmem_shared>>) offsets(%arg17 : memref<96xi32, #tpu.memory_space<vmem>>) semaphore(%arg21 : memref<!tpu.dma_semaphore, #tpu.memory_space<semaphore_mem>>) {add = true}
      }
      %scan3A_72 = arith.constant 104 : i32
      %dma_wait3A = arith.constant 0 : i32
      %dma_wait3A_73 = arith.constant 0 : i32
      %dma_wait3A_74 = tpu.memref_slice %arg22[%dma_wait3A, %dma_wait3A_73] : memref<10016x128xf32, #tpu.memory_space<vmem_shared>> -> memref<10016x128xf32, #tpu.memory_space<vmem_shared>>
      tpu.wait_indirect_dma semaphore(%arg20 : memref<!tpu.dma_semaphore, #tpu.memory_space<semaphore_mem>>) src(%arg10 : memref<96x128xf32, #tpu.memory_space<vmem>>) dst(%dma_wait3A_74 : memref<10016x128xf32, #tpu.memory_space<vmem_shared>>)
      %dma_wait3A_75 = arith.constant 0 : i32
      %dma_wait3A_76 = arith.constant 0 : i32
      %dma_wait3A_77 = tpu.memref_slice %arg22[%dma_wait3A_75, %dma_wait3A_76] : memref<10016x128xf32, #tpu.memory_space<vmem_shared>> -> memref<10016x128xf32, #tpu.memory_space<vmem_shared>>
      tpu.wait_indirect_dma semaphore(%arg20 : memref<!tpu.dma_semaphore, #tpu.memory_space<semaphore_mem>>) src(%arg12 : memref<96x128xf32, #tpu.memory_space<vmem>>) dst(%dma_wait3A_77 : memref<10016x128xf32, #tpu.memory_space<vmem_shared>>)
      %mul3A_78 = arith.constant 20000 : i32
      %mul3A_79 = arith.muli %arg1, %mul3A_78 : i32
      %add3A_80 = arith.constant 19968 : i32
      %add3A_81 = arith.addi %mul3A_79, %add3A_80 : i32
      "tpu.region"() ({
        %run_scoped3A = tpu.sem_alloc : memref<!tpu.dma_semaphore, #tpu.memory_space<semaphore_mem>>
        %dma_start3A_140 = arith.constant 0 : i32
        %dma_start3A_141 = arith.constant 0 : i32
        %dma_start3A_142 = tpu.memref_slice %arg10[%dma_start3A_140, %dma_start3A_141] : memref<96x128xf32, #tpu.memory_space<vmem>> -> memref<32x128xf32, #tpu.memory_space<vmem>>
        %dma_start3A_143 = arith.constant 0 : i32
        %dma_start3A_144 = tpu.memref_slice %arg3[%add3A_81, %dma_start3A_143] : memref<320000x128xf32, #tpu.memory_space<hbm>> -> memref<32x128xf32, #tpu.memory_space<hbm>>
        %dma_start3A_145 = arith.constant 0 : i32
        %dma_start3A_146 = arith.constant 0 : i32
        %dma_start3A_147 = tpu.memref_slice %arg10[%dma_start3A_145, %dma_start3A_146] : memref<96x128xf32, #tpu.memory_space<vmem>> -> memref<32x128xf32, #tpu.memory_space<vmem>>
        %dma_start3A_148 = arith.constant 0 : i32
        %dma_start3A_149 = tpu.memref_slice %arg3[%add3A_81, %dma_start3A_148] : memref<320000x128xf32, #tpu.memory_space<hbm>> -> memref<32x128xf32, #tpu.memory_space<hbm>>
        tpu.enqueue_dma source(%dma_start3A_149 : memref<32x128xf32, #tpu.memory_space<hbm>>) target(%dma_start3A_147 : memref<32x128xf32, #tpu.memory_space<vmem>>) target_semaphore(%run_scoped3A : memref<!tpu.dma_semaphore, #tpu.memory_space<semaphore_mem>>)
        %dma_wait3A_150 = arith.constant 0 : i32
        %dma_wait3A_151 = arith.constant 0 : i32
        %dma_wait3A_152 = tpu.memref_slice %arg10[%dma_wait3A_150, %dma_wait3A_151] : memref<96x128xf32, #tpu.memory_space<vmem>> -> memref<32x128xf32, #tpu.memory_space<vmem>>
        %dma_wait3A_153 = arith.constant 0 : i32
        %dma_wait3A_154 = tpu.memref_slice %arg3[%add3A_81, %dma_wait3A_153] : memref<320000x128xf32, #tpu.memory_space<hbm>> -> memref<32x128xf32, #tpu.memory_space<hbm>>
        %dma_wait3A_155 = arith.constant 0 : i32
        %dma_wait3A_156 = arith.constant 0 : i32
        %dma_wait3A_157 = tpu.memref_slice %arg10[%dma_wait3A_155, %dma_wait3A_156] : memref<96x128xf32, #tpu.memory_space<vmem>> -> memref<32x128xf32, #tpu.memory_space<vmem>>
        %dma_wait3A_158 = arith.constant 0 : i32
        %dma_wait3A_159 = tpu.memref_slice %arg3[%add3A_81, %dma_wait3A_158] : memref<320000x128xf32, #tpu.memory_space<hbm>> -> memref<32x128xf32, #tpu.memory_space<hbm>>
        tpu.wait_dma2 semaphore(%run_scoped3A : memref<!tpu.dma_semaphore, #tpu.memory_space<semaphore_mem>>) src(%dma_wait3A_159 : memref<32x128xf32, #tpu.memory_space<hbm>>) dst(%dma_wait3A_157 : memref<32x128xf32, #tpu.memory_space<vmem>>)
        tpu.yield
      }) : () -> ()
      "tpu.region"() ({
        %run_scoped3A = tpu.sem_alloc : memref<!tpu.dma_semaphore, #tpu.memory_space<semaphore_mem>>
        %dma_start3A_140 = arith.constant 0 : i32
        %dma_start3A_141 = tpu.memref_slice %arg14[%dma_start3A_140] : memref<96xi32, #tpu.memory_space<vmem>> -> memref<32xi32, #tpu.memory_space<vmem>>
        %dma_start3A_142 = tpu.memref_slice %arg5[%add3A_81] : memref<320000xi32, #tpu.memory_space<hbm>> -> memref<32xi32, #tpu.memory_space<hbm>>
        %dma_start3A_143 = arith.constant 0 : i32
        %dma_start3A_144 = tpu.memref_slice %arg14[%dma_start3A_143] : memref<96xi32, #tpu.memory_space<vmem>> -> memref<32xi32, #tpu.memory_space<vmem>>
        %dma_start3A_145 = tpu.memref_slice %arg5[%add3A_81] : memref<320000xi32, #tpu.memory_space<hbm>> -> memref<32xi32, #tpu.memory_space<hbm>>
        tpu.enqueue_dma source(%dma_start3A_145 : memref<32xi32, #tpu.memory_space<hbm>>) target(%dma_start3A_144 : memref<32xi32, #tpu.memory_space<vmem>>) target_semaphore(%run_scoped3A : memref<!tpu.dma_semaphore, #tpu.memory_space<semaphore_mem>>)
        %dma_wait3A_146 = arith.constant 0 : i32
        %dma_wait3A_147 = tpu.memref_slice %arg14[%dma_wait3A_146] : memref<96xi32, #tpu.memory_space<vmem>> -> memref<32xi32, #tpu.memory_space<vmem>>
        %dma_wait3A_148 = tpu.memref_slice %arg5[%add3A_81] : memref<320000xi32, #tpu.memory_space<hbm>> -> memref<32xi32, #tpu.memory_space<hbm>>
        %dma_wait3A_149 = arith.constant 0 : i32
        %dma_wait3A_150 = tpu.memref_slice %arg14[%dma_wait3A_149] : memref<96xi32, #tpu.memory_space<vmem>> -> memref<32xi32, #tpu.memory_space<vmem>>
        %dma_wait3A_151 = tpu.memref_slice %arg5[%add3A_81] : memref<320000xi32, #tpu.memory_space<hbm>> -> memref<32xi32, #tpu.memory_space<hbm>>
        tpu.wait_dma2 semaphore(%run_scoped3A : memref<!tpu.dma_semaphore, #tpu.memory_space<semaphore_mem>>) src(%dma_wait3A_151 : memref<32xi32, #tpu.memory_space<hbm>>) dst(%dma_wait3A_150 : memref<32xi32, #tpu.memory_space<vmem>>)
        tpu.yield
      }) : () -> ()
      "tpu.region"() ({
        %run_scoped3A = tpu.sem_alloc : memref<!tpu.dma_semaphore, #tpu.memory_space<semaphore_mem>>
        %dma_start3A_140 = arith.constant 0 : i32
        %dma_start3A_141 = tpu.memref_slice %arg16[%dma_start3A_140] : memref<96xi32, #tpu.memory_space<vmem>> -> memref<32xi32, #tpu.memory_space<vmem>>
        %dma_start3A_142 = tpu.memref_slice %arg7[%add3A_81] : memref<320000xi32, #tpu.memory_space<hbm>> -> memref<32xi32, #tpu.memory_space<hbm>>
        %dma_start3A_143 = arith.constant 0 : i32
        %dma_start3A_144 = tpu.memref_slice %arg16[%dma_start3A_143] : memref<96xi32, #tpu.memory_space<vmem>> -> memref<32xi32, #tpu.memory_space<vmem>>
        %dma_start3A_145 = tpu.memref_slice %arg7[%add3A_81] : memref<320000xi32, #tpu.memory_space<hbm>> -> memref<32xi32, #tpu.memory_space<hbm>>
        tpu.enqueue_dma source(%dma_start3A_145 : memref<32xi32, #tpu.memory_space<hbm>>) target(%dma_start3A_144 : memref<32xi32, #tpu.memory_space<vmem>>) target_semaphore(%run_scoped3A : memref<!tpu.dma_semaphore, #tpu.memory_space<semaphore_mem>>)
        %dma_wait3A_146 = arith.constant 0 : i32
        %dma_wait3A_147 = tpu.memref_slice %arg16[%dma_wait3A_146] : memref<96xi32, #tpu.memory_space<vmem>> -> memref<32xi32, #tpu.memory_space<vmem>>
        %dma_wait3A_148 = tpu.memref_slice %arg7[%add3A_81] : memref<320000xi32, #tpu.memory_space<hbm>> -> memref<32xi32, #tpu.memory_space<hbm>>
        %dma_wait3A_149 = arith.constant 0 : i32
        %dma_wait3A_150 = tpu.memref_slice %arg16[%dma_wait3A_149] : memref<96xi32, #tpu.memory_space<vmem>> -> memref<32xi32, #tpu.memory_space<vmem>>
        %dma_wait3A_151 = tpu.memref_slice %arg7[%add3A_81] : memref<320000xi32, #tpu.memory_space<hbm>> -> memref<32xi32, #tpu.memory_space<hbm>>
        tpu.wait_dma2 semaphore(%run_scoped3A : memref<!tpu.dma_semaphore, #tpu.memory_space<semaphore_mem>>) src(%dma_wait3A_151 : memref<32xi32, #tpu.memory_space<hbm>>) dst(%dma_wait3A_150 : memref<32xi32, #tpu.memory_space<vmem>>)
        tpu.yield
      }) : () -> ()
      %iota3A = tpu.iota {dimensions = array<i32: 0>} : vector<16xi32>
      %add3A_82 = arith.constant 10000 : i32
      %add3A_83 = vector.broadcast %add3A_82 : i32 to vector<16xi32>
      %add3A_84 = arith.addi %iota3A, %add3A_83 : vector<16xi32>
      %swap3A = arith.constant 32 : index
      %swap3A_85 = tpu.vector_load %arg14[%swap3A] {strides = array<i32>} : memref<96xi32, #tpu.memory_space<vmem>>, vector<16xi32>,
      %swap3A_86 = vector.shape_cast %swap3A_85 : vector<16xi32> to vector<16xi32>
      %swap3A_87 = vector.shape_cast %add3A_84 : vector<16xi32> to vector<16xi32>
      tpu.vector_store %arg14[%swap3A], %swap3A_87 {strides = array<i32>} : memref<96xi32, #tpu.memory_space<vmem>>, vector<16xi32>,
      %swap3A_88 = arith.constant 32 : index
      %swap3A_89 = tpu.vector_load %arg16[%swap3A_88] {strides = array<i32>} : memref<96xi32, #tpu.memory_space<vmem>>, vector<16xi32>,
      %swap3A_90 = vector.shape_cast %swap3A_89 : vector<16xi32> to vector<16xi32>
      %swap3A_91 = vector.shape_cast %add3A_84 : vector<16xi32> to vector<16xi32>
      tpu.vector_store %arg16[%swap3A_88], %swap3A_91 {strides = array<i32>} : memref<96xi32, #tpu.memory_space<vmem>>, vector<16xi32>,
      %swap3A_92 = arith.constant 48 : index
      %swap3A_93 = tpu.vector_load %arg14[%swap3A_92] {strides = array<i32>} : memref<96xi32, #tpu.memory_space<vmem>>, vector<16xi32>,
      %swap3A_94 = vector.shape_cast %swap3A_93 : vector<16xi32> to vector<16xi32>
      %swap3A_95 = vector.shape_cast %add3A_84 : vector<16xi32> to vector<16xi32>
      tpu.vector_store %arg14[%swap3A_92], %swap3A_95 {strides = array<i32>} : memref<96xi32, #tpu.memory_space<vmem>>, vector<16xi32>,
      %swap3A_96 = arith.constant 48 : index
      %swap3A_97 = tpu.vector_load %arg16[%swap3A_96] {strides = array<i32>} : memref<96xi32, #tpu.memory_space<vmem>>, vector<16xi32>,
      %swap3A_98 = vector.shape_cast %swap3A_97 : vector<16xi32> to vector<16xi32>
      %swap3A_99 = vector.shape_cast %add3A_84 : vector<16xi32> to vector<16xi32>
      tpu.vector_store %arg16[%swap3A_96], %swap3A_99 {strides = array<i32>} : memref<96xi32, #tpu.memory_space<vmem>>, vector<16xi32>,
      %swap3A_100 = arith.constant 64 : index
      %swap3A_101 = tpu.vector_load %arg14[%swap3A_100] {strides = array<i32>} : memref<96xi32, #tpu.memory_space<vmem>>, vector<16xi32>,
      %swap3A_102 = vector.shape_cast %swap3A_101 : vector<16xi32> to vector<16xi32>
      %swap3A_103 = vector.shape_cast %add3A_84 : vector<16xi32> to vector<16xi32>
      tpu.vector_store %arg14[%swap3A_100], %swap3A_103 {strides = array<i32>} : memref<96xi32, #tpu.memory_space<vmem>>, vector<16xi32>,
      %swap3A_104 = arith.constant 64 : index
      %swap3A_105 = tpu.vector_load %arg16[%swap3A_104] {strides = array<i32>} : memref<96xi32, #tpu.memory_space<vmem>>, vector<16xi32>,
      %swap3A_106 = vector.shape_cast %swap3A_105 : vector<16xi32> to vector<16xi32>
      %swap3A_107 = vector.shape_cast %add3A_84 : vector<16xi32> to vector<16xi32>
      tpu.vector_store %arg16[%swap3A_104], %swap3A_107 {strides = array<i32>} : memref<96xi32, #tpu.memory_space<vmem>>, vector<16xi32>,
      %swap3A_108 = arith.constant 80 : index
      %swap3A_109 = tpu.vector_load %arg14[%swap3A_108] {strides = array<i32>} : memref<96xi32, #tpu.memory_space<vmem>>, vector<16xi32>,
      %swap3A_110 = vector.shape_cast %swap3A_109 : vector<16xi32> to vector<16xi32>
      %swap3A_111 = vector.shape_cast %add3A_84 : vector<16xi32> to vector<16xi32>
      tpu.vector_store %arg14[%swap3A_108], %swap3A_111 {strides = array<i32>} : memref<96xi32, #tpu.memory_space<vmem>>, vector<16xi32>,
      %swap3A_112 = arith.constant 80 : index
      %swap3A_113 = tpu.vector_load %arg16[%swap3A_112] {strides = array<i32>} : memref<96xi32, #tpu.memory_space<vmem>>, vector<16xi32>,
      %swap3A_114 = vector.shape_cast %swap3A_113 : vector<16xi32> to vector<16xi32>
      %swap3A_115 = vector.shape_cast %add3A_84 : vector<16xi32> to vector<16xi32>
      tpu.vector_store %arg16[%swap3A_112], %swap3A_115 {strides = array<i32>} : memref<96xi32, #tpu.memory_space<vmem>>, vector<16xi32>,
      %dma_start3A_116 = arith.constant 0 : i32
      %dma_start3A_117 = arith.constant 0 : i32
      %dma_start3A_118 = tpu.memref_slice %arg22[%dma_start3A_116, %dma_start3A_117] : memref<10016x128xf32, #tpu.memory_space<vmem_shared>> -> memref<10016x128xf32, #tpu.memory_space<vmem_shared>>
      tpu.enqueue_indirect_dma source(%arg10 : memref<96x128xf32, #tpu.memory_space<vmem>>) target(%dma_start3A_118 : memref<10016x128xf32, #tpu.memory_space<vmem_shared>>) offsets(%arg14 : memref<96xi32, #tpu.memory_space<vmem>>) semaphore(%arg20 : memref<!tpu.dma_semaphore, #tpu.memory_space<semaphore_mem>>) {add = true}
      %scan3A_119 = arith.constant 0 : i32
      %scan3A_120 = arith.constant 0 : i32
      %scan3A_121 = arith.constant 32 : i32
      %scan3A_122 = arith.addi %scan3A_120, %scan3A_121 : i32
      %scan3A_123 = arith.constant 1 : i32
      scf.for %scan3A_140 = %scan3A_120 to %scan3A_122 step %scan3A_123  : i32 {
        %get3A = arith.index_cast %scan3A_140 : i32 to index
        %get3A_141 = arith.constant 0 : index
        %get3A_142 = tpu.vector_load %arg10[%get3A, %get3A_141] {strides = array<i32>} : memref<96x128xf32, #tpu.memory_space<vmem>>, vector<1x16xf32>,
        %get3A_143 = vector.shape_cast %get3A_142 : vector<1x16xf32> to vector<16xf32>
        %neg3A = arith.constant 0.000000e+00 : f32
        %neg3A_144 = vector.broadcast %neg3A : f32 to vector<16xf32>
        %neg3A_145 = arith.subf %neg3A_144, %get3A_143 : vector<16xf32>
        %swap3A_146 = arith.index_cast %scan3A_140 : i32 to index
        %swap3A_147 = arith.constant 0 : index
        %swap3A_148 = tpu.vector_load %arg12[%swap3A_146, %swap3A_147] {strides = array<i32>} : memref<96x128xf32, #tpu.memory_space<vmem>>, vector<1x16xf32>,
        %swap3A_149 = vector.shape_cast %swap3A_148 : vector<1x16xf32> to vector<16xf32>
        %swap3A_150 = vector.shape_cast %neg3A_145 : vector<16xf32> to vector<1x16xf32>
        tpu.vector_store %arg12[%swap3A_146, %swap3A_147], %swap3A_150 {strides = array<i32>} : memref<96x128xf32, #tpu.memory_space<vmem>>, vector<1x16xf32>,
        %get3A_151 = arith.index_cast %scan3A_140 : i32 to index
        %get3A_152 = arith.constant 16 : index
        %get3A_153 = tpu.vector_load %arg10[%get3A_151, %get3A_152] {strides = array<i32>} : memref<96x128xf32, #tpu.memory_space<vmem>>, vector<1x16xf32>,
        %get3A_154 = vector.shape_cast %get3A_153 : vector<1x16xf32> to vector<16xf32>
        %neg3A_155 = arith.constant 0.000000e+00 : f32
        %neg3A_156 = vector.broadcast %neg3A_155 : f32 to vector<16xf32>
        %neg3A_157 = arith.subf %neg3A_156, %get3A_154 : vector<16xf32>
        %swap3A_158 = arith.index_cast %scan3A_140 : i32 to index
        %swap3A_159 = arith.constant 16 : index
        %swap3A_160 = tpu.vector_load %arg12[%swap3A_158, %swap3A_159] {strides = array<i32>} : memref<96x128xf32, #tpu.memory_space<vmem>>, vector<1x16xf32>,
        %swap3A_161 = vector.shape_cast %swap3A_160 : vector<1x16xf32> to vector<16xf32>
        %swap3A_162 = vector.shape_cast %neg3A_157 : vector<16xf32> to vector<1x16xf32>
        tpu.vector_store %arg12[%swap3A_158, %swap3A_159], %swap3A_162 {strides = array<i32>} : memref<96x128xf32, #tpu.memory_space<vmem>>, vector<1x16xf32>,
        %get3A_163 = arith.index_cast %scan3A_140 : i32 to index
        %get3A_164 = arith.constant 32 : index
        %get3A_165 = tpu.vector_load %arg10[%get3A_163, %get3A_164] {strides = array<i32>} : memref<96x128xf32, #tpu.memory_space<vmem>>, vector<1x16xf32>,
        %get3A_166 = vector.shape_cast %get3A_165 : vector<1x16xf32> to vector<16xf32>
        %neg3A_167 = arith.constant 0.000000e+00 : f32
        %neg3A_168 = vector.broadcast %neg3A_167 : f32 to vector<16xf32>
        %neg3A_169 = arith.subf %neg3A_168, %get3A_166 : vector<16xf32>
        %swap3A_170 = arith.index_cast %scan3A_140 : i32 to index
        %swap3A_171 = arith.constant 32 : index
        %swap3A_172 = tpu.vector_load %arg12[%swap3A_170, %swap3A_171] {strides = array<i32>} : memref<96x128xf32, #tpu.memory_space<vmem>>, vector<1x16xf32>,
        %swap3A_173 = vector.shape_cast %swap3A_172 : vector<1x16xf32> to vector<16xf32>
        %swap3A_174 = vector.shape_cast %neg3A_169 : vector<16xf32> to vector<1x16xf32>
        tpu.vector_store %arg12[%swap3A_170, %swap3A_171], %swap3A_174 {strides = array<i32>} : memref<96x128xf32, #tpu.memory_space<vmem>>, vector<1x16xf32>,
        %get3A_175 = arith.index_cast %scan3A_140 : i32 to index
        %get3A_176 = arith.constant 48 : index
        %get3A_177 = tpu.vector_load %arg10[%get3A_175, %get3A_176] {strides = array<i32>} : memref<96x128xf32, #tpu.memory_space<vmem>>, vector<1x16xf32>,
        %get3A_178 = vector.shape_cast %get3A_177 : vector<1x16xf32> to vector<16xf32>
        %neg3A_179 = arith.constant 0.000000e+00 : f32
        %neg3A_180 = vector.broadcast %neg3A_179 : f32 to vector<16xf32>
        %neg3A_181 = arith.subf %neg3A_180, %get3A_178 : vector<16xf32>
        %swap3A_182 = arith.index_cast %scan3A_140 : i32 to index
        %swap3A_183 = arith.constant 48 : index
        %swap3A_184 = tpu.vector_load %arg12[%swap3A_182, %swap3A_183] {strides = array<i32>} : memref<96x128xf32, #tpu.memory_space<vmem>>, vector<1x16xf32>,
        %swap3A_185 = vector.shape_cast %swap3A_184 : vector<1x16xf32> to vector<16xf32>
        %swap3A_186 = vector.shape_cast %neg3A_181 : vector<16xf32> to vector<1x16xf32>
        tpu.vector_store %arg12[%swap3A_182, %swap3A_183], %swap3A_186 {strides = array<i32>} : memref<96x128xf32, #tpu.memory_space<vmem>>, vector<1x16xf32>,
        %get3A_187 = arith.index_cast %scan3A_140 : i32 to index
        %get3A_188 = arith.constant 64 : index
        %get3A_189 = tpu.vector_load %arg10[%get3A_187, %get3A_188] {strides = array<i32>} : memref<96x128xf32, #tpu.memory_space<vmem>>, vector<1x16xf32>,
        %get3A_190 = vector.shape_cast %get3A_189 : vector<1x16xf32> to vector<16xf32>
        %neg3A_191 = arith.constant 0.000000e+00 : f32
        %neg3A_192 = vector.broadcast %neg3A_191 : f32 to vector<16xf32>
        %neg3A_193 = arith.subf %neg3A_192, %get3A_190 : vector<16xf32>
        %swap3A_194 = arith.index_cast %scan3A_140 : i32 to index
        %swap3A_195 = arith.constant 64 : index
        %swap3A_196 = tpu.vector_load %arg12[%swap3A_194, %swap3A_195] {strides = array<i32>} : memref<96x128xf32, #tpu.memory_space<vmem>>, vector<1x16xf32>,
        %swap3A_197 = vector.shape_cast %swap3A_196 : vector<1x16xf32> to vector<16xf32>
        %swap3A_198 = vector.shape_cast %neg3A_193 : vector<16xf32> to vector<1x16xf32>
        tpu.vector_store %arg12[%swap3A_194, %swap3A_195], %swap3A_198 {strides = array<i32>} : memref<96x128xf32, #tpu.memory_space<vmem>>, vector<1x16xf32>,
        %get3A_199 = arith.index_cast %scan3A_140 : i32 to index
        %get3A_200 = arith.constant 80 : index
        %get3A_201 = tpu.vector_load %arg10[%get3A_199, %get3A_200] {strides = array<i32>} : memref<96x128xf32, #tpu.memory_space<vmem>>, vector<1x16xf32>,
        %get3A_202 = vector.shape_cast %get3A_201 : vector<1x16xf32> to vector<16xf32>
        %neg3A_203 = arith.constant 0.000000e+00 : f32
        %neg3A_204 = vector.broadcast %neg3A_203 : f32 to vector<16xf32>
        %neg3A_205 = arith.subf %neg3A_204, %get3A_202 : vector<16xf32>
        %swap3A_206 = arith.index_cast %scan3A_140 : i32 to index
        %swap3A_207 = arith.constant 80 : index
        %swap3A_208 = tpu.vector_load %arg12[%swap3A_206, %swap3A_207] {strides = array<i32>} : memref<96x128xf32, #tpu.memory_space<vmem>>, vector<1x16xf32>,
        %swap3A_209 = vector.shape_cast %swap3A_208 : vector<1x16xf32> to vector<16xf32>
        %swap3A_210 = vector.shape_cast %neg3A_205 : vector<16xf32> to vector<1x16xf32>
        tpu.vector_store %arg12[%swap3A_206, %swap3A_207], %swap3A_210 {strides = array<i32>} : memref<96x128xf32, #tpu.memory_space<vmem>>, vector<1x16xf32>,
        %get3A_211 = arith.index_cast %scan3A_140 : i32 to index
        %get3A_212 = arith.constant 96 : index
        %get3A_213 = tpu.vector_load %arg10[%get3A_211, %get3A_212] {strides = array<i32>} : memref<96x128xf32, #tpu.memory_space<vmem>>, vector<1x16xf32>,
        %get3A_214 = vector.shape_cast %get3A_213 : vector<1x16xf32> to vector<16xf32>
        %neg3A_215 = arith.constant 0.000000e+00 : f32
        %neg3A_216 = vector.broadcast %neg3A_215 : f32 to vector<16xf32>
        %neg3A_217 = arith.subf %neg3A_216, %get3A_214 : vector<16xf32>
        %swap3A_218 = arith.index_cast %scan3A_140 : i32 to index
        %swap3A_219 = arith.constant 96 : index
        %swap3A_220 = tpu.vector_load %arg12[%swap3A_218, %swap3A_219] {strides = array<i32>} : memref<96x128xf32, #tpu.memory_space<vmem>>, vector<1x16xf32>,
        %swap3A_221 = vector.shape_cast %swap3A_220 : vector<1x16xf32> to vector<16xf32>
        %swap3A_222 = vector.shape_cast %neg3A_217 : vector<16xf32> to vector<1x16xf32>
        tpu.vector_store %arg12[%swap3A_218, %swap3A_219], %swap3A_222 {strides = array<i32>} : memref<96x128xf32, #tpu.memory_space<vmem>>, vector<1x16xf32>,
        %get3A_223 = arith.index_cast %scan3A_140 : i32 to index
        %get3A_224 = arith.constant 112 : index
        %get3A_225 = tpu.vector_load %arg10[%get3A_223, %get3A_224] {strides = array<i32>} : memref<96x128xf32, #tpu.memory_space<vmem>>, vector<1x16xf32>,
        %get3A_226 = vector.shape_cast %get3A_225 : vector<1x16xf32> to vector<16xf32>
        %neg3A_227 = arith.constant 0.000000e+00 : f32
        %neg3A_228 = vector.broadcast %neg3A_227 : f32 to vector<16xf32>
        %neg3A_229 = arith.subf %neg3A_228, %get3A_226 : vector<16xf32>
        %swap3A_230 = arith.index_cast %scan3A_140 : i32 to index
        %swap3A_231 = arith.constant 112 : index
        %swap3A_232 = tpu.vector_load %arg12[%swap3A_230, %swap3A_231] {strides = array<i32>} : memref<96x128xf32, #tpu.memory_space<vmem>>, vector<1x16xf32>,
        %swap3A_233 = vector.shape_cast %swap3A_232 : vector<1x16xf32> to vector<16xf32>
        %swap3A_234 = vector.shape_cast %neg3A_229 : vector<16xf32> to vector<1x16xf32>
        tpu.vector_store %arg12[%swap3A_230, %swap3A_231], %swap3A_234 {strides = array<i32>} : memref<96x128xf32, #tpu.memory_space<vmem>>, vector<1x16xf32>,
      }
      %scan3A_124 = arith.constant 32 : i32
      %dma_start3A_125 = arith.constant 0 : i32
      %dma_start3A_126 = arith.constant 0 : i32
      %dma_start3A_127 = tpu.memref_slice %arg22[%dma_start3A_125, %dma_start3A_126] : memref<10016x128xf32, #tpu.memory_space<vmem_shared>> -> memref<10016x128xf32, #tpu.memory_space<vmem_shared>>
      tpu.enqueue_indirect_dma source(%arg12 : memref<96x128xf32, #tpu.memory_space<vmem>>) target(%dma_start3A_127 : memref<10016x128xf32, #tpu.memory_space<vmem_shared>>) offsets(%arg16 : memref<96xi32, #tpu.memory_space<vmem>>) semaphore(%arg20 : memref<!tpu.dma_semaphore, #tpu.memory_space<semaphore_mem>>) {add = true}
      %dma_wait3A_128 = arith.constant 0 : i32
      %dma_wait3A_129 = arith.constant 0 : i32
      %dma_wait3A_130 = tpu.memref_slice %arg22[%dma_wait3A_128, %dma_wait3A_129] : memref<10016x128xf32, #tpu.memory_space<vmem_shared>> -> memref<10016x128xf32, #tpu.memory_space<vmem_shared>>
      tpu.wait_indirect_dma semaphore(%arg21 : memref<!tpu.dma_semaphore, #tpu.memory_space<semaphore_mem>>) src(%arg11 : memref<96x128xf32, #tpu.memory_space<vmem>>) dst(%dma_wait3A_130 : memref<10016x128xf32, #tpu.memory_space<vmem_shared>>)
      %dma_wait3A_131 = arith.constant 0 : i32
      %dma_wait3A_132 = arith.constant 0 : i32
      %dma_wait3A_133 = tpu.memref_slice %arg22[%dma_wait3A_131, %dma_wait3A_132] : memref<10016x128xf32, #tpu.memory_space<vmem_shared>> -> memref<10016x128xf32, #tpu.memory_space<vmem_shared>>
      tpu.wait_indirect_dma semaphore(%arg21 : memref<!tpu.dma_semaphore, #tpu.memory_space<semaphore_mem>>) src(%arg13 : memref<96x128xf32, #tpu.memory_space<vmem>>) dst(%dma_wait3A_133 : memref<10016x128xf32, #tpu.memory_space<vmem_shared>>)
      %dma_wait3A_134 = arith.constant 0 : i32
      %dma_wait3A_135 = arith.constant 0 : i32
      %dma_wait3A_136 = tpu.memref_slice %arg22[%dma_wait3A_134, %dma_wait3A_135] : memref<10016x128xf32, #tpu.memory_space<vmem_shared>> -> memref<10016x128xf32, #tpu.memory_space<vmem_shared>>
      tpu.wait_indirect_dma semaphore(%arg20 : memref<!tpu.dma_semaphore, #tpu.memory_space<semaphore_mem>>) src(%arg10 : memref<96x128xf32, #tpu.memory_space<vmem>>) dst(%dma_wait3A_136 : memref<10016x128xf32, #tpu.memory_space<vmem_shared>>)
      %dma_wait3A_137 = arith.constant 0 : i32
      %dma_wait3A_138 = arith.constant 0 : i32
      %dma_wait3A_139 = tpu.memref_slice %arg22[%dma_wait3A_137, %dma_wait3A_138] : memref<10016x128xf32, #tpu.memory_space<vmem_shared>> -> memref<10016x128xf32, #tpu.memory_space<vmem_shared>>
      tpu.wait_indirect_dma semaphore(%arg20 : memref<!tpu.dma_semaphore, #tpu.memory_space<semaphore_mem>>) src(%arg12 : memref<96x128xf32, #tpu.memory_space<vmem>>) dst(%dma_wait3A_139 : memref<10016x128xf32, #tpu.memory_space<vmem_shared>>)
    } else {
    }
    %barrier3A = arith.constant 0 : index
    tpu.barrier barrier_id(%barrier3A)
    %eq3A_10 = arith.constant 0 : i32
    %eq3A_11 = arith.cmpi eq, %arg0, %eq3A_10 : i32
    %not3A = arith.constant true
    %not3A_12 = arith.xori %eq3A_1, %not3A : i1
    %and3A = arith.andi %eq3A_11, %not3A_12 : i1
    %convert_element_type3A_13 = arith.extui %and3A : i1 to i32
    %cond3A_14 = arith.constant 0 : i32
    %cond3A_15 = arith.cmpi ne, %convert_element_type3A_13, %cond3A_14 : i32
    scf.if %cond3A_15 {
      "tpu.region"() ({
        %run_scoped3A = tpu.sem_alloc : memref<!tpu.dma_semaphore, #tpu.memory_space<semaphore_mem>>
        %dma_start3A = arith.constant 0 : i32
        %dma_start3A_36 = tpu.memref_slice %arg8[%mul3A_0, %dma_start3A] : memref<10000x128xf32, #tpu.memory_space<hbm>> -> memref<624x128xf32, #tpu.memory_space<hbm>>
        %dma_start3A_37 = arith.constant 0 : i32
        %dma_start3A_38 = tpu.memref_slice %arg22[%mul3A_0, %dma_start3A_37] : memref<10016x128xf32, #tpu.memory_space<vmem_shared>> -> memref<624x128xf32, #tpu.memory_space<vmem_shared>>
        tpu.enqueue_dma source(%dma_start3A_38 : memref<624x128xf32, #tpu.memory_space<vmem_shared>>) target(%dma_start3A_36 : memref<624x128xf32, #tpu.memory_space<hbm>>) target_semaphore(%run_scoped3A : memref<!tpu.dma_semaphore, #tpu.memory_space<semaphore_mem>>)
        %dma_wait3A = arith.constant 0 : i32
        %dma_wait3A_39 = tpu.memref_slice %arg8[%mul3A_0, %dma_wait3A] : memref<10000x128xf32, #tpu.memory_space<hbm>> -> memref<624x128xf32, #tpu.memory_space<hbm>>
        %dma_wait3A_40 = arith.constant 0 : i32
        %dma_wait3A_41 = tpu.memref_slice %arg22[%mul3A_0, %dma_wait3A_40] : memref<10016x128xf32, #tpu.memory_space<vmem_shared>> -> memref<624x128xf32, #tpu.memory_space<vmem_shared>>
        tpu.wait_dma2 semaphore(%run_scoped3A : memref<!tpu.dma_semaphore, #tpu.memory_space<semaphore_mem>>) src(%dma_wait3A_41 : memref<624x128xf32, #tpu.memory_space<vmem_shared>>) dst(%dma_wait3A_39 : memref<624x128xf32, #tpu.memory_space<hbm>>)
        tpu.yield
      }) : () -> ()
    } else {
    }
    %eq3A_16 = arith.constant 0 : i32
    %eq3A_17 = arith.cmpi eq, %arg0, %eq3A_16 : i32
    %and3A_18 = arith.andi %eq3A_17, %eq3A_1 : i1
    %convert_element_type3A_19 = arith.extui %and3A_18 : i1 to i32
    %cond3A_20 = arith.constant 0 : i32
    %cond3A_21 = arith.cmpi ne, %convert_element_type3A_19, %cond3A_20 : i32
    scf.if %cond3A_21 {
      "tpu.region"() ({
        %run_scoped3A = tpu.sem_alloc : memref<!tpu.dma_semaphore, #tpu.memory_space<semaphore_mem>>
        %dma_start3A = arith.constant 0 : i32
        %dma_start3A_36 = tpu.memref_slice %arg8[%mul3A_0, %dma_start3A] : memref<10000x128xf32, #tpu.memory_space<hbm>> -> memref<640x128xf32, #tpu.memory_space<hbm>>
        %dma_start3A_37 = arith.constant 0 : i32
        %dma_start3A_38 = tpu.memref_slice %arg22[%mul3A_0, %dma_start3A_37] : memref<10016x128xf32, #tpu.memory_space<vmem_shared>> -> memref<640x128xf32, #tpu.memory_space<vmem_shared>>
        tpu.enqueue_dma source(%dma_start3A_38 : memref<640x128xf32, #tpu.memory_space<vmem_shared>>) target(%dma_start3A_36 : memref<640x128xf32, #tpu.memory_space<hbm>>) target_semaphore(%run_scoped3A : memref<!tpu.dma_semaphore, #tpu.memory_space<semaphore_mem>>)
        %dma_wait3A = arith.constant 0 : i32
        %dma_wait3A_39 = tpu.memref_slice %arg8[%mul3A_0, %dma_wait3A] : memref<10000x128xf32, #tpu.memory_space<hbm>> -> memref<640x128xf32, #tpu.memory_space<hbm>>
        %dma_wait3A_40 = arith.constant 0 : i32
        %dma_wait3A_41 = tpu.memref_slice %arg22[%mul3A_0, %dma_wait3A_40] : memref<10016x128xf32, #tpu.memory_space<vmem_shared>> -> memref<640x128xf32, #tpu.memory_space<vmem_shared>>
        tpu.wait_dma2 semaphore(%run_scoped3A : memref<!tpu.dma_semaphore, #tpu.memory_space<semaphore_mem>>) src(%dma_wait3A_41 : memref<640x128xf32, #tpu.memory_space<vmem_shared>>) dst(%dma_wait3A_39 : memref<640x128xf32, #tpu.memory_space<hbm>>)
        tpu.yield
      }) : () -> ()
    } else {
    }
    %eq3A_22 = arith.constant 1 : i32
    %eq3A_23 = arith.cmpi eq, %arg0, %eq3A_22 : i32
    %not3A_24 = arith.constant true
    %not3A_25 = arith.xori %eq3A_1, %not3A_24 : i1
    %and3A_26 = arith.andi %eq3A_23, %not3A_25 : i1
    %convert_element_type3A_27 = arith.extui %and3A_26 : i1 to i32
    %cond3A_28 = arith.constant 0 : i32
    %cond3A_29 = arith.cmpi ne, %convert_element_type3A_27, %cond3A_28 : i32
    scf.if %cond3A_29 {
      "tpu.region"() ({
        %run_scoped3A = tpu.sem_alloc : memref<!tpu.dma_semaphore, #tpu.memory_space<semaphore_mem>>
        %dma_start3A = arith.constant 0 : i32
        %dma_start3A_36 = tpu.memref_slice %arg9[%mul3A_0, %dma_start3A] : memref<10000x128xf32, #tpu.memory_space<hbm>> -> memref<624x128xf32, #tpu.memory_space<hbm>>
        %dma_start3A_37 = arith.constant 0 : i32
        %dma_start3A_38 = tpu.memref_slice %arg22[%mul3A_0, %dma_start3A_37] : memref<10016x128xf32, #tpu.memory_space<vmem_shared>> -> memref<624x128xf32, #tpu.memory_space<vmem_shared>>
        tpu.enqueue_dma source(%dma_start3A_38 : memref<624x128xf32, #tpu.memory_space<vmem_shared>>) target(%dma_start3A_36 : memref<624x128xf32, #tpu.memory_space<hbm>>) target_semaphore(%run_scoped3A : memref<!tpu.dma_semaphore, #tpu.memory_space<semaphore_mem>>)
        %dma_wait3A = arith.constant 0 : i32
        %dma_wait3A_39 = tpu.memref_slice %arg9[%mul3A_0, %dma_wait3A] : memref<10000x128xf32, #tpu.memory_space<hbm>> -> memref<624x128xf32, #tpu.memory_space<hbm>>
        %dma_wait3A_40 = arith.constant 0 : i32
        %dma_wait3A_41 = tpu.memref_slice %arg22[%mul3A_0, %dma_wait3A_40] : memref<10016x128xf32, #tpu.memory_space<vmem_shared>> -> memref<624x128xf32, #tpu.memory_space<vmem_shared>>
        tpu.wait_dma2 semaphore(%run_scoped3A : memref<!tpu.dma_semaphore, #tpu.memory_space<semaphore_mem>>) src(%dma_wait3A_41 : memref<624x128xf32, #tpu.memory_space<vmem_shared>>) dst(%dma_wait3A_39 : memref<624x128xf32, #tpu.memory_space<hbm>>)
        tpu.yield
      }) : () -> ()
    } else {
    }
    %eq3A_30 = arith.constant 1 : i32
    %eq3A_31 = arith.cmpi eq, %arg0, %eq3A_30 : i32
    %and3A_32 = arith.andi %eq3A_31, %eq3A_1 : i1
    %convert_element_type3A_33 = arith.extui %and3A_32 : i1 to i32
    %cond3A_34 = arith.constant 0 : i32
    %cond3A_35 = arith.cmpi ne, %convert_element_type3A_33, %cond3A_34 : i32
    scf.if %cond3A_35 {
      "tpu.region"() ({
        %run_scoped3A = tpu.sem_alloc : memref<!tpu.dma_semaphore, #tpu.memory_space<semaphore_mem>>
        %dma_start3A = arith.constant 0 : i32
        %dma_start3A_36 = tpu.memref_slice %arg9[%mul3A_0, %dma_start3A] : memref<10000x128xf32, #tpu.memory_space<hbm>> -> memref<640x128xf32, #tpu.memory_space<hbm>>
        %dma_start3A_37 = arith.constant 0 : i32
        %dma_start3A_38 = tpu.memref_slice %arg22[%mul3A_0, %dma_start3A_37] : memref<10016x128xf32, #tpu.memory_space<vmem_shared>> -> memref<640x128xf32, #tpu.memory_space<vmem_shared>>
        tpu.enqueue_dma source(%dma_start3A_38 : memref<640x128xf32, #tpu.memory_space<vmem_shared>>) target(%dma_start3A_36 : memref<640x128xf32, #tpu.memory_space<hbm>>) target_semaphore(%run_scoped3A : memref<!tpu.dma_semaphore, #tpu.memory_space<semaphore_mem>>)
        %dma_wait3A = arith.constant 0 : i32
        %dma_wait3A_39 = tpu.memref_slice %arg9[%mul3A_0, %dma_wait3A] : memref<10000x128xf32, #tpu.memory_space<hbm>> -> memref<640x128xf32, #tpu.memory_space<hbm>>
        %dma_wait3A_40 = arith.constant 0 : i32
        %dma_wait3A_41 = tpu.memref_slice %arg22[%mul3A_0, %dma_wait3A_40] : memref<10016x128xf32, #tpu.memory_space<vmem_shared>> -> memref<640x128xf32, #tpu.memory_space<vmem_shared>>
        tpu.wait_dma2 semaphore(%run_scoped3A : memref<!tpu.dma_semaphore, #tpu.memory_space<semaphore_mem>>) src(%dma_wait3A_41 : memref<640x128xf32, #tpu.memory_space<vmem_shared>>) dst(%dma_wait3A_39 : memref<640x128xf32, #tpu.memory_space<hbm>>)
        tpu.yield
      }) : () -> ()
    } else {
    }
    return
  }
}

module attributes {stable_mosaic.version = 14 : i64} {
  func.func @_hdot_body(%arg0: i32, %arg1: memref<2000x128xf32, #tpu.memory_space<vmem>>, %arg2: memref<128x128xf32, #tpu.memory_space<vmem>>, %arg3: memref<2000x128xf32, #tpu.memory_space<vmem>>) attributes {dimension_semantics = [#tpu.dimension_semantics<arbitrary>], iteration_bounds = array<i64: 5>, scalar_prefetch = 0 : i64, scratch_operands = 0 : i64, tpu.core_type = #tpu.core_type<tc>, window_params = [{transform_indices = @transform_0, window_bounds = array<i64: 2000, 128>}, {pipeline_mode = #tpu.pipeline_mode<synchronous>, transform_indices = @transform_1, window_bounds = array<i64: 128, 128>}, {transform_indices = @transform_2, window_bounds = array<i64: 2000, 128>}]} {
    %get3A = arith.constant 0 : index
    %get3A_0 = arith.constant 0 : index
    %get3A_1 = vector.load %arg1[%get3A, %get3A_0] : memref<2000x128xf32, #tpu.memory_space<vmem>>, vector<2000x128xf32>
    %get3A_2 = arith.constant 0 : index
    %get3A_3 = arith.constant 0 : index
    %get3A_4 = vector.load %arg2[%get3A_2, %get3A_3] : memref<128x128xf32, #tpu.memory_space<vmem>>, vector<128x128xf32>
    %dot_general3A = arith.constant dense<0.000000e+00> : vector<2000x128xf32>
    %dot_general3A_5 = tpu.matmul %get3A_1, %get3A_4, %dot_general3A {dimension_numbers = #tpu.dot_dimension_numbers<[1], [0], [0], [1], [0, 0, 1, 1], [], []>, transpose_lhs_hint = false} : vector<2000x128xf32>, vector<128x128xf32>, vector<2000x128xf32> -> vector<2000x128xf32>
    %swap3A = arith.constant 0 : index
    %swap3A_6 = arith.constant 0 : index
    %swap3A_7 = vector.load %arg3[%swap3A, %swap3A_6] : memref<2000x128xf32, #tpu.memory_space<vmem>>, vector<2000x128xf32>
    tpu.vector_store %arg3[%swap3A, %swap3A_6], %dot_general3A_5 {strides = array<i32>} : memref<2000x128xf32, #tpu.memory_space<vmem>>, vector<2000x128xf32>,
    return
  }
  func.func @transform_0(%arg0: i32) -> (i32, i32) {
    %c0_i32 = arith.constant 0 : i32
    %c0_i32_0 = arith.constant 0 : i32
    return %arg0, %c0_i32 : i32, i32
  }
  func.func @transform_1(%arg0: i32) -> (i32, i32) {
    %c0_i32 = arith.constant 0 : i32
    %c0_i32_0 = arith.constant 0 : i32
    %c0_i32_1 = arith.constant 0 : i32
    return %c0_i32, %c0_i32_0 : i32, i32
  }
  func.func @transform_2(%arg0: i32) -> (i32, i32) {
    %c0_i32 = arith.constant 0 : i32
    %c0_i32_0 = arith.constant 0 : i32
    return %arg0, %c0_i32 : i32, i32
  }
}

module attributes {stable_mosaic.version = 14 : i64} {
  func.func @_mlp_body(%arg0: i32, %arg1: memref<2000x128xf32, #tpu.memory_space<vmem>>, %arg2: memref<2000x128xf32, #tpu.memory_space<vmem>>, %arg3: memref<2000x128xf32, #tpu.memory_space<vmem>>, %arg4: memref<256x128xf32, #tpu.memory_space<vmem>>, %arg5: memref<2000x128xf32, #tpu.memory_space<vmem>>) attributes {dimension_semantics = [#tpu.dimension_semantics<arbitrary>], iteration_bounds = array<i64: 5>, scalar_prefetch = 0 : i64, scratch_operands = 0 : i64, tpu.core_type = #tpu.core_type<tc>, window_params = [{transform_indices = @transform_0, window_bounds = array<i64: 2000, 128>}, {transform_indices = @transform_1, window_bounds = array<i64: 2000, 128>}, {transform_indices = @transform_2, window_bounds = array<i64: 2000, 128>}, {pipeline_mode = #tpu.pipeline_mode<synchronous>, transform_indices = @transform_3, window_bounds = array<i64: 256, 128>}, {transform_indices = @transform_4, window_bounds = array<i64: 2000, 128>}]} {
    %get3A = arith.constant 0 : index
    %get3A_0 = arith.constant 0 : index
    %get3A_1 = vector.load %arg4[%get3A, %get3A_0] : memref<256x128xf32, #tpu.memory_space<vmem>>, vector<256x128xf32>
    %get3A_2 = arith.constant 0 : index
    %get3A_3 = arith.constant 0 : index
    %get3A_4 = vector.load %arg3[%get3A_2, %get3A_3] : memref<2000x128xf32, #tpu.memory_space<vmem>>, vector<2000x128xf32>
    %get3A_5 = arith.constant 0 : index
    %get3A_6 = arith.constant 0 : index
    %get3A_7 = vector.load %arg1[%get3A_5, %get3A_6] : memref<2000x128xf32, #tpu.memory_space<vmem>>, vector<2000x128xf32>
    %slice3A = vector.extract_strided_slice %get3A_1 {offsets = [0, 0], sizes = [128, 128], strides = [1, 1]} : vector<256x128xf32> to vector<128x128xf32>
    %dot_general3A = arith.constant dense<0.000000e+00> : vector<2000x128xf32>
    %dot_general3A_8 = tpu.matmul %get3A_7, %slice3A, %dot_general3A {dimension_numbers = #tpu.dot_dimension_numbers<[1], [0], [0], [1], [0, 0, 1, 1], [], []>, transpose_lhs_hint = false} : vector<2000x128xf32>, vector<128x128xf32>, vector<2000x128xf32> -> vector<2000x128xf32>
    %add3A = arith.addf %get3A_4, %dot_general3A_8 : vector<2000x128xf32>
    %get3A_9 = arith.constant 0 : index
    %get3A_10 = arith.constant 0 : index
    %get3A_11 = vector.load %arg2[%get3A_9, %get3A_10] : memref<2000x128xf32, #tpu.memory_space<vmem>>, vector<2000x128xf32>
    %slice3A_12 = vector.extract_strided_slice %get3A_1 {offsets = [128, 0], sizes = [128, 128], strides = [1, 1]} : vector<256x128xf32> to vector<128x128xf32>
    %dot_general3A_13 = arith.constant dense<0.000000e+00> : vector<2000x128xf32>
    %dot_general3A_14 = tpu.matmul %get3A_11, %slice3A_12, %dot_general3A_13 {dimension_numbers = #tpu.dot_dimension_numbers<[1], [0], [0], [1], [0, 0, 1, 1], [], []>, transpose_lhs_hint = false} : vector<2000x128xf32>, vector<128x128xf32>, vector<2000x128xf32> -> vector<2000x128xf32>
    %add3A_15 = arith.addf %add3A, %dot_general3A_14 : vector<2000x128xf32>
    %swap3A = arith.constant 0 : index
    %swap3A_16 = arith.constant 0 : index
    %swap3A_17 = vector.load %arg5[%swap3A, %swap3A_16] : memref<2000x128xf32, #tpu.memory_space<vmem>>, vector<2000x128xf32>
    tpu.vector_store %arg5[%swap3A, %swap3A_16], %add3A_15 {strides = array<i32>} : memref<2000x128xf32, #tpu.memory_space<vmem>>, vector<2000x128xf32>,
    return
  }
  func.func @transform_0(%arg0: i32) -> (i32, i32) {
    %c0_i32 = arith.constant 0 : i32
    %c0_i32_0 = arith.constant 0 : i32
    return %arg0, %c0_i32 : i32, i32
  }
  func.func @transform_1(%arg0: i32) -> (i32, i32) {
    %c0_i32 = arith.constant 0 : i32
    %c0_i32_0 = arith.constant 0 : i32
    return %arg0, %c0_i32 : i32, i32
  }
  func.func @transform_2(%arg0: i32) -> (i32, i32) {
    %c0_i32 = arith.constant 0 : i32
    %c0_i32_0 = arith.constant 0 : i32
    return %arg0, %c0_i32 : i32, i32
  }
  func.func @transform_3(%arg0: i32) -> (i32, i32) {
    %c0_i32 = arith.constant 0 : i32
    %c0_i32_0 = arith.constant 0 : i32
    %c0_i32_1 = arith.constant 0 : i32
    return %c0_i32, %c0_i32_0 : i32, i32
  }
  func.func @transform_4(%arg0: i32) -> (i32, i32) {
    %c0_i32 = arith.constant 0 : i32
    %c0_i32_0 = arith.constant 0 : i32
    return %arg0, %c0_i32 : i32, i32
  }
}

</mosaic_0001>

<sc_bundles>
// kernel: kernel.5.cloned.1.call-start
scs
__scs_entry_jumppad:
0x0: {  	(pc) =	sbr.rel $0x88, $3  }
0x1: {  	(tag) =	ssettag $0x0;
	lr =	simm.s32 $0x1  }
0x2: {  	[smem:$0x3F99] =	sst lr;
	_ =	strace $0xD0000000  }
0x3: {  	_ = 	snop  }
0x4: {  	_ = 	snop  }
0x5: {  	_ = 	snop  }
0x6: {  	_ = 	snop  }
0x7: {  	_ = 	snop  }
__scs_overlays_trampoline_lowered:
0x8: {  	[smem:$0x3FA8] =	sst s0  }
0x9: {  	[smem:$0x3FA9] =	sst s1  }
0xa: {  	[smem:$0x3FAA] =	sst s2  }
0xb: {  	[smem:$0x3FAB] =	sst s3  }
0xc: {  	[smem:$0x3FAC] =	sst s4  }
0xd: {  	[smem:$0x3FAD] =	sst s5  }
0xe: {  	[smem:$0x3FAE] =	sst s6  }
0xf: {  	[smem:$0x3FAF] =	sst s7  }
0x10: {  	[smem:$0x3FB0] =	sst s8  }
0x11: {  	[smem:$0x3FB1] =	sst s9;
	s0 =	simm.s32 @!p0 $0x0  }
0x12: {  	s1 =	sld [smem:$0x3F97];
	s0 =	simm.s32 @p0 $0x1  }
0x13: {  	[smem:$0x3FB2] =	sst s0;
	s0 =	simm.s32 @!p1 $0x0  }
0x14: {  	s2 =	sld [smem:$0x3F96];
	s0 =	simm.s32 @p1 $0x1  }
0x15: {  	[smem:$0x3FB3] =	sst s0;
	s0 =	simm.s32 @!p2 $0x0  }
0x16: {  	s3 =	sld [smem:$0x3FDB];
	s0 =	simm.s32 @p2 $0x1  }
0x17: {  	s4 =	simm.s32 $0x1BF5;
	[smem:$0x3FB5] =	sst s0  }
0x18: {  	s0 =	sld [smem:$0x3F98];
	_ =	swait.ge [sflag:s4], $0x0  }
0x19: {  	s7 =	sld [smem:$0x3F99]  }
0x1a: {  	s8 =	sadd.s32 $0xFFFFE003, lr  }
0x1b: {  	s9 =	sadd.s32 $0xFFFFFEF7, lr;
	s5 =	simm.s32 $0xFFFFFFFF;
	p2 =	slt.u32 s8, $0xFFFFF086  }
0x1c: {  	p1 =	slt.u32 s9, $0xF7A;
	s5 =	simm.s32 @!p2 $0x0  }
0x1d: {  	s5 =	simm.s32 @p1 $0x1;
	p0 =	seq.s32 s7, s2  }
0x1e: {  	s7 =	smul.u32 @!p0 $0xF7A, s2;
	p2 =	seq.s32 @!p0 s5, $0x0  }
0x1f: {  	s9 =	smul.u32 $0xF7A, s1;
	s8 =	simm.s32 @!p0 $0x1BF5;
	p2 =	por !p2, p0  }
0x20: {  	[sflag:s8] =	ssyncset.s32 @!p0 $0xFFFFF086;
	s6 =	sadd.s32 @!p0 s3, s7;
	s7 =	simm.s32 @!p0 $0x108  }
0x21: {  	s3 =	sadd.s32 s3, s9;
	s6 =	sadd.s32 @!p0 $0x88, s6;
	s7 =	simm.s32 @p2 $0x1082  }
0x22: {  	[simem:s7], [sflag:s8] =	dma.local @!p0 [hbm:s6], $0xF7A  }
0x23: {  	s9 =	sor.u32 $0xD0000000, s2;
	s6 =	simm.s32 $0x108;
	_ =	swait.ge @!p0 [sflag:s8], $0x0  }
0x24: {  	s3 =	sadd.s32 $0x88, s3;
	s6 =	simm.s32 @!p1 $0x1082;
	[sflag:s4] =	ssyncset.s32 $0xFFFFF086  }
0x25: {  	[simem:s6], [sflag:s4] =	dma.local [hbm:s3], $0xF7A  }
0x26: {  	[smem:$0x3F99] =	sst s1;
	(tag) =	ssettag s2;
	_ =	strace s9  }
0x27: {  	s1 =	sld [smem:$0x3FA9]  }
0x28: {  	s2 =	sld [smem:$0x3FAA]  }
0x29: {  	s4 =	sld [smem:$0x3FAC]  }
0x2a: {  	p0 =	seq.s32 s5, $0x0;
	s5 =	sld [smem:$0x3FAD]  }
0x2b: {  	s6 =	sld [smem:$0x3FAE]  }
0x2c: {  	s7 =	sld [smem:$0x3FAF]  }
0x2d: {  	s3 =	simm.s32 $0x108;
	s8 =	sld [smem:$0x3FB0]  }
0x2e: {  	s3 =	simm.s32 @!p0 $0x1082;
	s9 =	sld [smem:$0x3FB1]  }
0x2f: {  	lr =	sadd.s32 s0, s3;
	s0 =	sld [smem:$0x3FA8]  }
0x30: {  	s3 =	sld [smem:$0x3FAB]  }
0x31: {  	[smem:$0x3FB4] =	sst s10  }
0x32: {  	s10 =	sld [smem:$0x3FB2];
	_ =	sdelay $0x3  }
0x33: {  	p0 =	seq.s32 s10, $0x1;
	s10 =	sld [smem:$0x3FB4];
	_ =	sdelay $0x3  }
0x34: {  	[smem:$0x3FB4] =	sst s10  }
0x35: {  	s10 =	sld [smem:$0x3FB3];
	_ =	sdelay $0x3  }
0x36: {  	p1 =	seq.s32 s10, $0x1;
	s10 =	sld [smem:$0x3FB4];
	_ =	sdelay $0x3  }
0x37: {  	[smem:$0x3FB4] =	sst s10  }
0x38: {  	s10 =	sld [smem:$0x3FB5]  }
0x39: {  	_ = 	snop;
	(pc) =	sbr.ind lr, $3  }
0x3a: {  	_ = 	snop  }
0x3b: {  	_ = 	snop  }
0x3c: {  	p2 =	seq.s32 s10, $0x1;
	s10 =	sld [smem:$0x3FB4]  }
0x3d: {  	_ =	shalt  }
0x3e: {  	_ =	shalt  }
0x3f: {  	_ =	shalt  }
0x40: {  	_ =	shalt  }
0x41: {  	_ =	shalt  }
0x42: {  	_ =	shalt  }
0x43: {  	_ =	shalt  }
0x44: {  	_ =	shalt  }
0x45: {  	_ =	shalt  }
0x46: {  	_ =	shalt  }
0x47: {  	_ =	shalt  }
0x48: {  	_ =	shalt  }
0x49: {  	_ =	shalt  }
0x4a: {  	_ =	shalt  }
0x4b: {  	_ =	shalt  }
0x4c: {  	_ =	shalt  }
0x4d: {  	_ =	shalt  }
0x4e: {  	_ =	shalt  }
0x4f: {  	_ =	shalt  }
0x50: {  	_ =	shalt  }
0x51: {  	_ =	shalt  }
0x52: {  	_ =	shalt  }
0x53: {  	_ =	shalt  }
0x54: {  	_ =	shalt  }
0x55: {  	_ =	shalt  }
0x56: {  	_ =	shalt  }
0x57: {  	_ =	shalt  }
0x58: {  	_ =	shalt  }
0x59: {  	_ =	shalt  }
0x5a: {  	_ =	shalt  }
0x5b: {  	_ =	shalt  }
0x5c: {  	_ =	shalt  }
0x5d: {  	_ =	shalt  }
0x5e: {  	_ =	shalt  }
0x5f: {  	_ =	shalt  }
0x60: {  	_ =	shalt  }
0x61: {  	_ =	shalt  }
0x62: {  	_ =	shalt  }
0x63: {  	_ =	shalt  }
0x64: {  	_ =	shalt  }
0x65: {  	_ =	shalt  }
0x66: {  	_ =	shalt  }
0x67: {  	_ =	shalt  }
0x68: {  	_ =	shalt  }
0x69: {  	_ =	shalt  }
0x6a: {  	_ =	shalt  }
0x6b: {  	_ =	shalt  }
0x6c: {  	_ =	shalt  }
0x6d: {  	_ =	shalt  }
0x6e: {  	_ =	shalt  }
0x6f: {  	_ =	shalt  }
0x70: {  	_ =	shalt  }
0x71: {  	_ =	shalt  }
0x72: {  	_ =	shalt  }
0x73: {  	_ =	shalt  }
0x74: {  	_ =	shalt  }
0x75: {  	_ =	shalt  }
0x76: {  	_ =	shalt  }
0x77: {  	_ =	shalt  }
0x78: {  	_ =	shalt  }
0x79: {  	_ =	shalt  }
0x7a: {  	_ =	shalt  }
0x7b: {  	_ =	shalt  }
0x7c: {  	_ =	shalt  }
0x7d: {  	_ =	shalt  }
0x7e: {  	_ =	shalt  }
0x7f: {  	_ =	shalt  }
0x80: {  	_ =	shalt  }
0x81: {  	_ =	shalt  }
0x82: {  	_ =	shalt  }
0x83: {  	_ =	shalt  }
0x84: {  	_ =	shalt  }
0x85: {  	_ =	shalt  }
0x86: {  	_ =	shalt  }
0x87: {  	_ =	shalt  }
.Lfunc_end0:
.L_simem_size_0:
called_computation_lowered:
.L_overlay_start_0:
0x88: {  	s2 =	sld [smem:$0x3FD9]  }
0x89: {  	s3 =	sld [smem:$0x3FFE];
	_ =	sdelay $0x1  }
0x8a: {  	s1 =	srdreg.scid  }
0x8b: {  	s0 =	sand.u32 $0x1, s1  }
0x8c: {  	s17 =	sshll.u32 s0, $0xA;
	s2 =	sadd.s32 s3, s2  }
0x8d: {  	s2 =	sadd.s32 s2, s17  }
0x8e: {  	[smem:$0x3FC0] =	sst s2  }
0x8f: {  	_ = 	snop  }
0x90: {  	s2 =	sld [smem:$0x3FC8]  }
0x91: {  	s18 =	sld [smem:$0x3FC7]  }
0x92: {  	s4 =	sld [smem:$0x3FC6]  }
0x93: {  	s5 =	sld [smem:$0x3FC5]  }
0x94: {  	s6 =	sld [smem:$0x3FC4]  }
0x95: {  	s7 =	sld [smem:$0x3FC3]  }
0x96: {  	s8 =	sld [smem:$0x3FD0];
	(tm) =	ssettm $0x1  }
0x97: {  	s9 =	sld [smem:$0x3FFB];
	_ =	sdelay $0x3  }
0x98: {  	_ =	strace s9  }
0x99: {  	s9 =	sld [smem:$0x3FFC];
	_ =	sdelay $0x3  }
0x9a: {  	_ =	strace s9  }
0x9b: {  	s9 =	sld [smem:$0x3FFD];
	_ =	sdelay $0x3  }
0x9c: {  	_ =	strace s9  }
0x9d: {  	_ =	strace $0x8FFFFFFF  }
0x9e: {  	s19 =	sld [smem:$0x3FDB];
	_ =	sdelay $0x1  }
0x9f: {  	s10 =	simm.s32 $_scs_section_size  }
0xa0: {  	s11 =	simm.s32 $_size__tile_overlayer_lowered;
	s12 =	simm.s32 $_tile_overlayer_lowered  }
0xa1: {  	s22 =	simm.s32 $0x1BFF;
	s21 =	sshll.u32 s12, $0x1;
	s9 =	sadd.s32 s10, s19  }
0xa2: {  	s13 =	simm.s32 $0x0;
	s20 =	sshll.u32 s11, $0x1;
	s11 =	sadd.s32 s21, s9  }
0xa3: {  	[timem:s13], [sflag:s22] =	dma.local [hbm:s11], s20  }
0xa4: {  	_ =	swait.ge [sflag:s22], s20  }
0xa5: {  	s10 =	ssub.s32 $0x0, s20;
	[sflag:s22] =	ssyncset.done $0x0  }
0xa6: {  	[sflag:s22] =	ssyncadd.s32 s10;
	_ =	sdelay $0x1  }
0xa7: {  	s23 =	simm.s32 $0x1B8B  }
0xa8: {  	_ =	swait.ge [sflag:s23], $0x1  }
0xa9: {  	[sflag:s23] =	ssyncset.done $0x0  }
0xaa: {  	s25 =	simm.s32 $0x1B8E;
	s24 =	sld [smem:$0x3FFE];
	[sflag:s23] =	ssyncadd.s32 $0xFFFFFFFF  }
0xab: {  	s26 =	simm.s32 $execute0_lowered;
	[smem:$0x3FD2] =	sst s25  }
0xac: {  	s11 =	sshll.u32 s26, $0x1;
	_ =	strace $0x80000046;
	[dreg:$0x1] =	wrdreg $0xFFFFFFFF  }
0xad: {  	s28 =	simm.s32 $_size_execute0_lowered;
	s9 =	sadd.s32 s9, s11;
	[dreg:$0x0] =	wrdreg $0x0  }
0xae: {  	s11 =	sshll.u32 s28, $0x1;
	[dreg:$0x2] =	wrdreg s9  }
0xaf: {  	[dreg:$0x3] =	wrdreg s11  }
0xb0: {  	[dreg:$0x4] =	wrdreg $0xC0  }
0xb1: {  	_ =	task [dreg:s13], $0x5FFFF  }
0xb2: {  	[dreg:$0x1] =	wrdreg $0xFFFFFFFF  }
0xb3: {  	[dreg:$0x0] =	wrdreg $0x60  }
0xb4: {  	[dreg:$0x2] =	wrdreg s2  }
0xb5: {  	[dreg:$0x3] =	wrdreg s18  }
0xb6: {  	[dreg:$0x4] =	wrdreg s4  }
0xb7: {  	[dreg:$0x5] =	wrdreg s5  }
0xb8: {  	[dreg:$0x6] =	wrdreg s6  }
0xb9: {  	[dreg:$0x7] =	wrdreg s7  }
0xba: {  	[dreg:$0x8] =	wrdreg s8  }
0xbb: {  	[dreg:$0x9] =	wrdreg s24  }
0xbc: {  	[dreg:$0xa] =	wrdreg $0xC2000  }
0xbd: {  	[dreg:$0xb] =	wrdreg $0x9  }
0xbe: {  	_ =	task.clear_ibuf [dreg:s13], $0xCFFFF;
	_ =	strace $0x90000046  }
0xbf: {  	s29 =	simm.s32 $0x9;
	_ =	strace $0x80000048  }
0xc0: {  	_ =	swait.ge [sflag:s29], $0x1  }
0xc1: {  	[sflag:s29] =	ssyncadd.s32 $0xFFFFFFFF  }
0xc2: {  	_ =	strace $0x90000048  }
0xc3: {  	_ =	sfence  }
0xc4: {  	s30 =	sld [smem:$0x0];
	_ =	sdelay $0x2  }
0xc5: {  	s31 =	sshll.u32 s1, $0xD;
	s1 =	sshrl.u32 s1, $0x2  }
0xc6: {  	s3 =	sand.u32 $0x4000, s31;
	s1 =	sadd.s32 s1, s30  }
0xc7: {  	s0 =	sor.u32 s3, s0;
	s1 =	sshll.u32 s1, $0x11  }
0xc8: {  	s0 =	sor.u32 s1, s0  }
0xc9: {  	s0 =	sadd.s32 $0x8F2B, s0  }
0xca: {  	[sflag:s0] =	ssyncadd.remote.s32 $0x1  }
0xcb: {  	_ =	sfence.sel $0xFFFF  }
0xcc: {  	[dreg:$0x0] =	wrdreg $0xFFFFFFFF;
	(pc) =	sbr.abs _section_cstart, $3  }
0xcd: {  	[dreg:$0x1] =	wrdreg $0xFFFFFFFF  }
0xce: {  	_ =	task.clear_ibuf [dreg:s13], $0x2FFFF;
	_ =	strace $0x9FFFFFFF  }
0xcf: {  	(tm) =	ssettm $0x7FFFFFFF  }
tec
execute0_lowered:
.L_overlay_start_1:
0x0: {  	(tag) =	ssettag $0x1  }
0x1: {  	s0 =	rddreg [dreg:$0x0]  }
0x2: {  	s1 =	rddreg [dreg:$0x1]  }
0x3: {  	s2 =	rddreg [dreg:$0x2]  }
0x4: {  	s4 =	rddreg [dreg:$0x3]  }
0x5: {  	s5 =	rddreg [dreg:$0x4]  }
0x6: {  	s6 =	rddreg [dreg:$0x5]  }
0x7: {  	s3 =	rddreg [dreg:$0x6]  }
0x8: {  	s7 =	rddreg [dreg:$0x7]  }
0x9: {  	s8 =	rddreg [dreg:$0x8]  }
0xa: {  	s20 =	stileid.u32;
	s10 =	srdreg.scid  }
0xb: {  	s9 =	simm.s32 $0x0;
	s28 =	simm.s32 $0x9000;
	s11 =	smul.u32 $0x2700, s20  }
0xc: {  	s30 =	simm.s32 $0x4;
	s10 =	sand.u32 $0x1, s10;
	s15 =	smul.u32 $0x4E20, s20  }
0xd: {  	[smem:$0x7FF] =	sst s9;
	s16 =	smul.u32 $0x4E200, s20;
	p0 =	seq.s32 s20, $0xF  }
0xe: {  	s21 =	smul.u32 $0x4E000, s20;
	p5 =	sne.s32 s20, $0xF;
	s12 =	ssub.s32 $0x2, s10  }
0xf: {  	_ =	strace $0x80000047;
	p4 =	seq.s32 s10, $0x0;
	p1 =	seq.s32 s10, $0x1  }
0x10: {  	p2 =	sne.s32 s10, $0x0;
	s13 =	sshrl.u32 s12, $0x1;
	s14 =	sadd.s32 s0, s16  }
0x11: {  	s17 =	sshrl.u32 s15, $0x3;
	s18 =	sadd.s32 $0x4E00, s15;
	s16 =	sadd.s32 s1, s16  }
0x12: {  	p3 =	por !p4, !p5;
	p4 =	por !p4, !p0;
	[dreg:$0xa] =	wrdreg s14  }
0x13: {  	p5 =	por !p5, !p1;
	s22 =	sadd.s32 s2, s17;
	[dreg:$0xe] =	wrdreg s16  }
0x14: {  	p6 =	por !p0, !p1;
	s23 =	sadd.s32 s5, s17;
	[dreg:$0xb] =	wrdreg s22  }
0x15: {  	s12 =	ssub.s32 s12, s13;
	s24 =	sadd.s32 s4, s17;
	[dreg:$0xc] =	wrdreg s23  }
0x16: {  	s19 =	sshll.u32 s18, $0x4;
	s25 =	sadd.s32 s6, s17;
	[dreg:$0xf] =	wrdreg s24  }
0x17: {  	s13 =	sshrl.u32 s21, $0x2;
	s21 =	sadd.s32 s0, s19;
	[dreg:$0x10] =	wrdreg s25  }
0x18: {  	s18 =	sshrl.u32 s18, $0x3;
	s26 =	sadd.s32 s1, s19;
	[dreg:$0xd] =	wrdreg s21  }
0x19: {  	s14 =	sadd.s32 $0x60, s15;
	s29 =	sadd.s32 s2, s18;
	[dreg:$0x11] =	wrdreg s26  }
0x1a: {  	s15 =	sadd.s32 $0xC0, s15;
	s31 =	sadd.s32 s5, s18;
	[dreg:$0x12] =	wrdreg s29  }
0x1b: {  	p3 =	por !p3, !p3;
	s16 =	sadd.s32 s4, s18;
	[dreg:$0x13] =	wrdreg s31  }
0x1c: {  	p4 =	por !p4, !p4;
	s17 =	sadd.s32 s6, s18;
	[dreg:$0x14] =	wrdreg s16  }
0x1d: {  	s18 =	sadd.s32 s11, s7;
	s11 =	sadd.s32 s3, s11;
	[dreg:$0x15] =	wrdreg s17  }
0x1e: {  	p5 =	por !p5, !p5;
	s3 =	sadd.s32 $0x24900, s3;
	[dreg:$0x16] =	wrdreg s11  }
0x1f: {  	p6 =	por !p6, !p6;
	s19 =	sadd.s32 $0x25900, s7;
	[dreg:$0x17] =	wrdreg s3  }
0x20: {  	s13 =	sadd.s32 s13, s8;
	s22 =	sadd.s32 $0x136800, s8;
	[dreg:$0x18] =	wrdreg s19  }
0x21: {  	s10 =	simm.s32 @!p4 $0x0;
	s24 =	sadd.s32 $0x124800, s8;
	[dreg:$0x1b] =	wrdreg s22  }
0x22: {  	s7 =	simm.s32 $0x2;
	s10 =	simm.s32 @p4 $0x1;
	[dreg:$0x1d] =	wrdreg s24  }
0x23: {  	s20 =	sadd.s32 $0x1000, s18;
	s21 =	smax.u32 s12, $0x1;
	[smem:$0x7FB] =	sst s10  }
0x24: {  	s23 =	sadd.s32 $0x12000, s13;
	s25 =	sadd.s32 $0x3000, s13;
	[dreg:$0x19] =	wrdreg s20  }
0x25: {  	s26 =	sadd.s32 $0x6000, s13;
	s29 =	sadd.s32 $0x9000, s13;
	[dreg:$0x1a] =	wrdreg s21  }
0x26: {  	s31 =	sadd.s32 $0xC000, s13;
	s16 =	sadd.s32 $0xF000, s13;
	[dreg:$0x1c] =	wrdreg s23  }
.Ltmp0:
0x27: {  	s17 =	simm.s32 $0xC000;
	[dreg:$0x1e] =	wrdreg s25;
	(pc) =	sbr.rel .LBB2_1-.Ltmp0, $4  }
0x28: {  	s18 =	simm.s32 $0xC100;
	s19 =	simm.s32 $0x6000;
	[dreg:$0x1f] =	wrdreg s26  }
0x29: {  	s22 =	simm.s32 $0xC080;
	s24 =	simm.s32 $0x1;
	[smem:$0x7FC] =	sst s29  }
0x2a: {  	v1 =	vlaneseq.u32;
	[smem:$0x7FD] =	sst s31;
	s20 =	simm.s32 $0x5;
	s21 =	simm.s32 $0x3000  }
0x2b: {  	v0 =	vimm.f32 $0.0e+00;
	v1 =	vor.u32 $0x2710, v1;
	s23 =	simm.s32 $0xC180;
	s25 =	simm.s32 $0x60;
	s26 =	simm.s32 $0x3  }
.LBB2_30:
0x2c: {  	s3 =	rddreg [dreg:$0x1d]  }
0x2d: {  	s10 =	rddreg [dreg:$0x17];
	s11 =	simm.s32 $0x1FC5;
	s3 =	sshrl.u32 s3, $0x3  }
0x2e: {  	[hbm:s10], [sflag:s11] =	dma.local [spmem:s3], $0x2800  }
0x2f: {  	_ =	swait.ge [sflag:s20], $0x2800  }
0x30: {  	[sflag:s20] =	ssyncset.done $0x0  }
0x31: {  	[sflag:s20] =	ssyncadd.s32 $0xFFFFD800  }
.LBB2_31:
0x32: {  	s3 =	rddreg [dreg:$0x1d]  }
0x33: {  	s10 =	simm.s32 @p6 $0x1FC5;
	s11 =	rddreg [dreg:$0x18];
	s3 =	sshrl.u32 @p6 s3, $0x3  }
0x34: {  	[hbm:s11], [sflag:s10] =	dma.local @p6 [spmem:s3], $0x2800  }
0x35: {  	s3 =	simm.s32 @p6 $0x5  }
0x36: {  	_ =	swait.ge @p6 [sflag:s3], $0x2800  }
0x37: {  	[sflag:s3] =	ssyncset.done @p6 $0x0  }
0x38: {  	[sflag:s3] =	ssyncadd.s32 @p6 $0xFFFFD800  }
.LBB2_32:
0x39: {  	s9 =	sadd.s32 $0x1, s9;
	s3 =	rddreg [dreg:$0x1a]  }
0x3a: {  	p4 =	sne.s32 s9, s3  }
.Ltmp1:
0x3b: {  	_ = 	snop;
	(pc) =	sbr.rel @!p4 .LBB2_33-.Ltmp1, $1  }
0x3c: {  	_ =	sdelay $0x3  }
.LBB2_1:
.Ltmp2:
0x3d: {  	(pc) =	sbr.rel @p2 .LBB2_13-.Ltmp2, $1  }
0x3e: {  	_ =	sdelay $0x3  }
0x3f: {  	s3 =	simm.s32 $0x0;
	s10 =	rddreg [dreg:$0xa]  }
0x40: {  	[tilespmem:s3], [sflag:$0x1] =	stream.linear.gather [hbm4b:s10+s3], $0x3000, $0x38;
	[tilespmem:$0x1FB00] =	vst v63  }
0x41: {  	s29 =	rddreg [dreg:$0xb]  }
0x42: {  	[tilespmem:s17], [sflag:$0x1] =	stream.linear.gather [hbm4b:s29+s3], $0x60, $0x38;
	[tilespmem:$0x1FB00] =	vst v63  }
0x43: {  	s31 =	rddreg [dreg:$0xc]  }
0x44: {  	[tilespmem:s18], [sflag:$0x1] =	stream.linear.gather [hbm4b:s31+s3], $0x60, $0x38;
	[tilespmem:$0x1FB00] =	vst v63  }
0x45: {  	s10 =	simm.s32 $0x200;
	s3 =	simm.s32 $0x0  }
.LBB2_3:
0x46: {  	p4 =	seq.s32 s10, $0xBE00;
	[tilespmem:s3+$0x6070] =	vst v0  }
0x47: {  	[tilespmem:s3+$0x6000] =	vst v0  }
0x48: {  	[tilespmem:s3+$0x6010] =	vst v0  }
.Ltmp3:
0x49: {  	[tilespmem:s3+$0x6020] =	vst v0;
	(pc) =	sbr.rel @!p4 .LBB2_3-.Ltmp3, $4  }
0x4a: {  	[tilespmem:s3+$0x6030] =	vst v0  }
0x4b: {  	[tilespmem:s3+$0x6040] =	vst v0  }
0x4c: {  	[tilespmem:s3+$0x6050] =	vst v0  }
0x4d: {  	[tilespmem:s3+$0x6060] =	vst v0;
	s3 =	sshra.s32 s10, $0x2;
	s10 =	sadd.s32 $0x200, s10  }
0x4e: {  	[tilespmem:s3+$0x6070] =	vst v0  }
0x4f: {  	[tilespmem:s3+$0x6000] =	vst v0  }
0x50: {  	[tilespmem:s3+$0x6010] =	vst v0  }
0x51: {  	[tilespmem:s3+$0x6020] =	vst v0  }
0x52: {  	[tilespmem:s3+$0x6030] =	vst v0  }
0x53: {  	[tilespmem:s3+$0x6040] =	vst v0  }
0x54: {  	[tilespmem:s3+$0x6050] =	vst v0  }
0x55: {  	[tilespmem:s3+$0x6060] =	vst v0  }
0x56: {  	[spmem:s13] =	stream.linear.scatter [tilespmem:s19], [sflag:$0x5], $0x3000, $0x38;
	[tilespmem:$0x1FB00] =	vst v63  }
0x57: {  	_ =	swait.ge [sflag:s20], $0x3000  }
0x58: {  	[sflag:s20] =	ssyncset.done $0x0  }
0x59: {  	s10 =	rddreg [dreg:$0x1e];
	[sflag:s20] =	ssyncadd.s32 $0xFFFFD000  }
0x5a: {  	[spmem:s10] =	stream.linear.scatter [tilespmem:s19], [sflag:$0x5], $0x3000, $0x38;
	[tilespmem:$0x1FB00] =	vst v63  }
0x5b: {  	_ =	swait.ge [sflag:s20], $0x3000  }
0x5c: {  	[sflag:s20] =	ssyncset.done $0x0  }
0x5d: {  	s11 =	rddreg [dreg:$0x1f];
	[sflag:s20] =	ssyncadd.s32 $0xFFFFD000  }
0x5e: {  	[spmem:s11] =	stream.linear.scatter [tilespmem:s19], [sflag:$0x5], $0x3000, $0x38;
	[tilespmem:$0x1FB00] =	vst v63  }
0x5f: {  	_ =	swait.ge [sflag:s20], $0x3000  }
0x60: {  	s12 =	sld [smem:$0x7FC]  }
0x61: {  	[sflag:s20] =	ssyncset.done $0x0  }
0x62: {  	[sflag:s20] =	ssyncadd.s32 $0xFFFFD000  }
0x63: {  	[spmem:s12] =	stream.linear.scatter [tilespmem:s19], [sflag:$0x5], $0x3000, $0x38;
	[tilespmem:$0x1FB00] =	vst v63  }
0x64: {  	_ =	swait.ge [sflag:s20], $0x3000  }
0x65: {  	s29 =	sld [smem:$0x7FD]  }
0x66: {  	[sflag:s20] =	ssyncset.done $0x0  }
0x67: {  	[sflag:s20] =	ssyncadd.s32 $0xFFFFD000  }
0x68: {  	[spmem:s29] =	stream.linear.scatter [tilespmem:s19], [sflag:$0x5], $0x3000, $0x38;
	[tilespmem:$0x1FB00] =	vst v63  }
0x69: {  	_ =	swait.ge [sflag:s20], $0x3000  }
0x6a: {  	[sflag:s20] =	ssyncset.done $0x0  }
0x6b: {  	[sflag:s20] =	ssyncadd.s32 $0xFFFFD000  }
0x6c: {  	[spmem:s16] =	stream.linear.scatter [tilespmem:s19], [sflag:$0x5], $0x3000, $0x38;
	[tilespmem:$0x1FB00] =	vst v63  }
0x6d: {  	_ =	swait.ge [sflag:s20], $0x3000  }
0x6e: {  	[sflag:s20] =	ssyncset.done $0x0  }
0x6f: {  	s3 =	simm.s32 @p0 $0x6000;
	s10 =	rddreg [dreg:$0x1b];
	[sflag:s20] =	ssyncadd.s32 $0xFFFFD000  }
0x70: {  	[spmem:s10] =	stream.linear.scatter @p0 [tilespmem:s3], [sflag:$0x5], $0x2800, $0x38;
	[tilespmem:$0x1FB00] =	vst v63  }
0x71: {  	s3 =	simm.s32 @p0 $0x5  }
0x72: {  	_ =	swait.ge @p0 [sflag:s3], $0x2800  }
0x73: {  	[sflag:s3] =	ssyncset.done @p0 $0x0  }
0x74: {  	s10 =	rddreg [dreg:$0x1c];
	[sflag:s3] =	ssyncadd.s32 @p0 $0xFFFFD800;
	s3 =	simm.s32 @!p0 $0x6000  }
0x75: {  	[spmem:s10] =	stream.linear.scatter @!p0 [tilespmem:s3], [sflag:$0x5], $0x1800, $0x38;
	[tilespmem:$0x1FB00] =	vst v63  }
0x76: {  	s3 =	simm.s32 @!p0 $0x5  }
0x77: {  	_ =	swait.ge @!p0 [sflag:s3], $0x1800  }
0x78: {  	[sflag:s3] =	ssyncset.done @!p0 $0x0  }
0x79: {  	[sflag:s3] =	ssyncadd.s32 @!p0 $0xFFFFE800  }
0x7a: {  	s31 =	simm.s32 $0x0;
	s3 =	simm.s32 $0x0;
	[bflag:$0x0] =	sbarrier.arrive $0xFFFF  }
.LBB2_5:
0x7b: {  	p4 =	seq.s32 s3, $0x0  }
0x7c: {  	s10 =	simm.s32 @!p4 $0x4  }
0x7d: {  	_ =	swait.ge @!p4 [sflag:s10], $0x3000  }
0x7e: {  	s29 =	smul.u32 $0xC0, s3;
	[sflag:s10] =	ssyncset.done @!p4 $0x0  }
0x7f: {  	[sflag:s10] =	ssyncadd.s32 @!p4 $0xFFFFD000  }
0x80: {  	s11 =	sadd.s32 s29, s14;
	_ =	swait.ge @!p4 [sflag:s10], $0x3000  }
0x81: {  	s12 =	sshll.u32 s11, $0x4;
	[sflag:s10] =	ssyncset.done @!p4 $0x0  }
0x82: {  	s12 =	sadd.s32 s0, s12;
	[sflag:s10] =	ssyncadd.s32 @!p4 $0xFFFFD000  }
0x83: {  	[tilespmem:s21], [sflag:$0x2] =	stream.linear.gather [hbm4b:s12+s31], $0x3000, $0x38;
	[tilespmem:$0x1FB00] =	vst v63  }
0x84: {  	s12 =	sshrl.u32 s11, $0x3  }
0x85: {  	s11 =	sadd.s32 s2, s12  }
0x86: {  	[tilespmem:s22], [sflag:$0x2] =	stream.linear.gather [hbm4b:s11+s31], $0x60, $0x38;
	[tilespmem:$0x1FB00] =	vst v63  }
0x87: {  	s10 =	sadd.s32 s5, s12  }
0x88: {  	[tilespmem:s23], [sflag:$0x2] =	stream.linear.gather [hbm4b:s10+s31], $0x60, $0x38;
	[tilespmem:$0x1FB00] =	vst v63  }
0x89: {  	_ =	swait.ge [sflag:s24], $0x3000  }
0x8a: {  	[sflag:s24] =	ssyncset.done $0x0  }
0x8b: {  	[sflag:s24] =	ssyncadd.s32 $0xFFFFD000  }
0x8c: {  	_ =	swait.ge [sflag:s24], $0x60  }
0x8d: {  	[sflag:s24] =	ssyncset.done $0x0  }
0x8e: {  	[sflag:s24] =	ssyncadd.s32 $0xFFFFFFA0  }
0x8f: {  	_ =	swait.ge [sflag:s24], $0x60  }
0x90: {  	[sflag:s24] =	ssyncset.done $0x0  }
0x91: {  	s11 =	simm.s32 $0x0;
	[sflag:s24] =	ssyncadd.s32 $0xFFFFFFA0  }
0x92: {  	[spmem:s8] =	stream.indirect.scatter.add.f32 [tilespmem:s31], [sflag:$0x3], $0x80, s17, s25, $0xb8;
	[tilespmem:$0x1FB00] =	vst v63  }
0x93: {  	v3 =	vld [tilespmem:s11+$0x70]  }
0x94: {  	v7 =	vld [tilespmem:s11+$0x0]  }
0x95: {  	v8 =	vld [tilespmem:s11+$0x10]  }
0x96: {  	v6 =	vld [tilespmem:s11+$0x20]  }
0x97: {  	v5 =	vld [tilespmem:s11+$0x30]  }
0x98: {  	v2 =	vld [tilespmem:s11+$0x40];
	v9 =	vsub.f32 $0.0e+00, v3  }
0x99: {  	v3 =	vld [tilespmem:s11+$0x50];
	v7 =	vsub.f32 $0.0e+00, v7  }
0x9a: {  	s12 =	simm.s32 $0x400;
	s10 =	simm.s32 $0x80;
	v4 =	vld [tilespmem:s11+$0x60];
	v8 =	vsub.f32 $0.0e+00, v8;
	[tilespmem:s11+$0x6070] =	vst v9  }
.LBB2_6:
0x9b: {  	p4 =	sne.s32 s12, $0xBE00;
	v9 =	vld [tilespmem:s10+$0x70];
	[tilespmem:s11+$0x6000] =	vst v7;
	v6 =	vsub.f32 $0.0e+00, v6  }
0x9c: {  	v7 =	vld [tilespmem:s10+$0x0];
	[tilespmem:s11+$0x6010] =	vst v8;
	v5 =	vsub.f32 $0.0e+00, v5  }
0x9d: {  	v8 =	vld [tilespmem:s10+$0x10];
	[tilespmem:s11+$0x6020] =	vst v6;
	v2 =	vsub.f32 $0.0e+00, v2  }
.Ltmp4:
0x9e: {  	v6 =	vld [tilespmem:s10+$0x20];
	[tilespmem:s11+$0x6030] =	vst v5;
	v3 =	vsub.f32 $0.0e+00, v3;
	(pc) =	sbr.rel @p4 .LBB2_6-.Ltmp4, $4  }
0x9f: {  	v5 =	vld [tilespmem:s10+$0x30];
	[tilespmem:s11+$0x6040] =	vst v2;
	v4 =	vsub.f32 $0.0e+00, v4  }
0xa0: {  	v2 =	vld [tilespmem:s10+$0x40];
	v9 =	vsub.f32 $0.0e+00, v9;
	[tilespmem:s11+$0x6050] =	vst v3  }
0xa1: {  	v7 =	vsub.f32 $0.0e+00, v7;
	v3 =	vld [tilespmem:s10+$0x50];
	[tilespmem:s11+$0x6060] =	vst v4;
	s11 =	smov.u32 s10  }
0xa2: {  	s10 =	sshra.s32 s12, $0x2;
	s12 =	sadd.s32 $0x200, s12;
	v8 =	vsub.f32 $0.0e+00, v8;
	v4 =	vld [tilespmem:s11+$0x60];
	[tilespmem:s11+$0x6070] =	vst v9  }
0xa3: {  	v9 =	vld [tilespmem:s10+$0x70];
	[tilespmem:s11+$0x6000] =	vst v7;
	v6 =	vsub.f32 $0.0e+00, v6  }
0xa4: {  	v7 =	vld [tilespmem:s10+$0x0];
	[tilespmem:s11+$0x6010] =	vst v8;
	v5 =	vsub.f32 $0.0e+00, v5  }
0xa5: {  	v8 =	vld [tilespmem:s10+$0x10];
	[tilespmem:s11+$0x6020] =	vst v6;
	v2 =	vsub.f32 $0.0e+00, v2  }
0xa6: {  	v6 =	vld [tilespmem:s10+$0x20];
	[tilespmem:s11+$0x6030] =	vst v5;
	v3 =	vsub.f32 $0.0e+00, v3  }
0xa7: {  	v5 =	vld [tilespmem:s10+$0x30];
	[tilespmem:s11+$0x6040] =	vst v2;
	v4 =	vsub.f32 $0.0e+00, v4  }
0xa8: {  	v2 =	vld [tilespmem:s10+$0x40];
	[tilespmem:s11+$0x6050] =	vst v3;
	v9 =	vsub.f32 $0.0e+00, v9  }
0xa9: {  	v3 =	vld [tilespmem:s10+$0x50];
	[tilespmem:s11+$0x6060] =	vst v4;
	v4 =	vsub.f32 $0.0e+00, v7  }
0xaa: {  	v7 =	vld [tilespmem:s10+$0x60];
	v8 =	vsub.f32 $0.0e+00, v8;
	[tilespmem:s10+$0x6070] =	vst v9  }
0xab: {  	[tilespmem:s10+$0x6000] =	vst v4;
	v4 =	vsub.f32 $0.0e+00, v6  }
0xac: {  	[tilespmem:s10+$0x6010] =	vst v8;
	v5 =	vsub.f32 $0.0e+00, v5  }
0xad: {  	[tilespmem:s10+$0x6020] =	vst v4;
	v2 =	vsub.f32 $0.0e+00, v2  }
0xae: {  	[tilespmem:s10+$0x6030] =	vst v5;
	v3 =	vsub.f32 $0.0e+00, v3  }
0xaf: {  	[tilespmem:s10+$0x6040] =	vst v2;
	v2 =	vsub.f32 $0.0e+00, v7  }
0xb0: {  	p4 =	seq.s32 s3, $0x67;
	[tilespmem:s10+$0x6050] =	vst v3  }
0xb1: {  	[tilespmem:s10+$0x6060] =	vst v2;
	s10 =	simm.s32 @!p4 $0x3  }
0xb2: {  	[spmem:s8] =	stream.indirect.scatter.add.f32 [tilespmem:s19], [sflag:$0x3], $0x80, s18, s25, $0xb8;
	[tilespmem:$0x1FB00] =	vst v63  }
0xb3: {  	_ =	swait.ge @!p4 [sflag:s10], $0x3000  }
0xb4: {  	[sflag:s10] =	ssyncset.done @!p4 $0x0  }
0xb5: {  	[sflag:s10] =	ssyncadd.s32 @!p4 $0xFFFFD000  }
0xb6: {  	s11 =	sadd.s32 @!p4 s29, s15;
	_ =	swait.ge @!p4 [sflag:s10], $0x3000  }
0xb7: {  	s12 =	sshll.u32 @!p4 s11, $0x4;
	[sflag:s10] =	ssyncset.done @!p4 $0x0  }
0xb8: {  	[sflag:s10] =	ssyncadd.s32 @!p4 $0xFFFFD000;
	s10 =	sadd.s32 @!p4 s0, s12;
	s12 =	simm.s32 @!p4 $0x0  }
0xb9: {  	[tilespmem:s12], [sflag:$0x1] =	stream.linear.gather @!p4 [hbm4b:s10+s12], $0x3000, $0x38;
	[tilespmem:$0x1FB00] =	vst v63  }
0xba: {  	s10 =	sshrl.u32 @!p4 s11, $0x3  }
0xbb: {  	s29 =	simm.s32 @!p4 $0xC000;
	s11 =	sadd.s32 @!p4 s2, s10  }
0xbc: {  	[tilespmem:s29], [sflag:$0x1] =	stream.linear.gather @!p4 [hbm4b:s11+s12], $0x60, $0x38;
	[tilespmem:$0x1FB00] =	vst v63  }
0xbd: {  	s10 =	sadd.s32 @!p4 s5, s10;
	s11 =	simm.s32 @!p4 $0xC100  }
0xbe: {  	[tilespmem:s11], [sflag:$0x1] =	stream.linear.gather @!p4 [hbm4b:s10+s12], $0x60, $0x38;
	[tilespmem:$0x1FB00] =	vst v63  }
0xbf: {  	_ =	swait.ge [sflag:s7], $0x3000  }
0xc0: {  	[sflag:s7] =	ssyncset.done $0x0  }
0xc1: {  	[sflag:s7] =	ssyncadd.s32 $0xFFFFD000  }
0xc2: {  	_ =	swait.ge [sflag:s7], $0x60  }
0xc3: {  	[sflag:s7] =	ssyncset.done $0x0  }
0xc4: {  	[sflag:s7] =	ssyncadd.s32 $0xFFFFFFA0  }
0xc5: {  	_ =	swait.ge [sflag:s7], $0x60  }
0xc6: {  	[sflag:s7] =	ssyncset.done $0x0  }
0xc7: {  	s11 =	simm.s32 $0x0;
	[sflag:s7] =	ssyncadd.s32 $0xFFFFFFA0  }
0xc8: {  	[spmem:s8] =	stream.indirect.scatter.add.f32 [tilespmem:s21], [sflag:$0x4], $0x80, s22, s25, $0xb8;
	[tilespmem:$0x1FB00] =	vst v63  }
0xc9: {  	v3 =	vld [tilespmem:s11+$0x3070]  }
0xca: {  	v7 =	vld [tilespmem:s11+$0x3000]  }
0xcb: {  	v8 =	vld [tilespmem:s11+$0x3010]  }
0xcc: {  	v6 =	vld [tilespmem:s11+$0x3020]  }
0xcd: {  	v5 =	vld [tilespmem:s11+$0x3030]  }
0xce: {  	v2 =	vld [tilespmem:s11+$0x3040];
	v9 =	vsub.f32 $0.0e+00, v3  }
0xcf: {  	v3 =	vld [tilespmem:s11+$0x3050];
	v7 =	vsub.f32 $0.0e+00, v7  }
0xd0: {  	s10 =	simm.s32 $0x80;
	s12 =	simm.s32 $0x400;
	v4 =	vld [tilespmem:s11+$0x3060];
	v8 =	vsub.f32 $0.0e+00, v8;
	[tilespmem:s11+$0x9070] =	vst v9  }
.LBB2_8:
0xd1: {  	p4 =	sne.s32 s12, $0xBE00;
	v9 =	vld [tilespmem:s10+$0x3070];
	[tilespmem:s11+$0x9000] =	vst v7;
	v6 =	vsub.f32 $0.0e+00, v6  }
0xd2: {  	v7 =	vld [tilespmem:s10+$0x3000];
	[tilespmem:s11+$0x9010] =	vst v8;
	v5 =	vsub.f32 $0.0e+00, v5  }
0xd3: {  	v8 =	vld [tilespmem:s10+$0x3010];
	[tilespmem:s11+$0x9020] =	vst v6;
	v2 =	vsub.f32 $0.0e+00, v2  }
.Ltmp5:
0xd4: {  	v6 =	vld [tilespmem:s10+$0x3020];
	[tilespmem:s11+$0x9030] =	vst v5;
	v3 =	vsub.f32 $0.0e+00, v3;
	(pc) =	sbr.rel @p4 .LBB2_8-.Ltmp5, $4  }
0xd5: {  	v5 =	vld [tilespmem:s10+$0x3030];
	[tilespmem:s11+$0x9040] =	vst v2;
	v4 =	vsub.f32 $0.0e+00, v4  }
0xd6: {  	v2 =	vld [tilespmem:s10+$0x3040];
	v9 =	vsub.f32 $0.0e+00, v9;
	[tilespmem:s11+$0x9050] =	vst v3  }
0xd7: {  	v7 =	vsub.f32 $0.0e+00, v7;
	v3 =	vld [tilespmem:s10+$0x3050];
	[tilespmem:s11+$0x9060] =	vst v4;
	s11 =	smov.u32 s10  }
0xd8: {  	s10 =	sshra.s32 s12, $0x2;
	s12 =	sadd.s32 $0x200, s12;
	v8 =	vsub.f32 $0.0e+00, v8;
	v4 =	vld [tilespmem:s11+$0x3060];
	[tilespmem:s11+$0x9070] =	vst v9  }
0xd9: {  	v9 =	vld [tilespmem:s10+$0x3070];
	[tilespmem:s11+$0x9000] =	vst v7;
	v6 =	vsub.f32 $0.0e+00, v6  }
0xda: {  	v7 =	vld [tilespmem:s10+$0x3000];
	[tilespmem:s11+$0x9010] =	vst v8;
	v5 =	vsub.f32 $0.0e+00, v5  }
0xdb: {  	v8 =	vld [tilespmem:s10+$0x3010];
	[tilespmem:s11+$0x9020] =	vst v6;
	v2 =	vsub.f32 $0.0e+00, v2  }
0xdc: {  	v6 =	vld [tilespmem:s10+$0x3020];
	[tilespmem:s11+$0x9030] =	vst v5;
	v3 =	vsub.f32 $0.0e+00, v3  }
0xdd: {  	v5 =	vld [tilespmem:s10+$0x3030];
	[tilespmem:s11+$0x9040] =	vst v2;
	v4 =	vsub.f32 $0.0e+00, v4  }
0xde: {  	v2 =	vld [tilespmem:s10+$0x3040];
	[tilespmem:s11+$0x9050] =	vst v3;
	v9 =	vsub.f32 $0.0e+00, v9  }
0xdf: {  	v3 =	vld [tilespmem:s10+$0x3050];
	[tilespmem:s11+$0x9060] =	vst v4;
	v61 =	vsub.f32 $0.0e+00, v7  }
0xe0: {  	v62 =	vld [tilespmem:s10+$0x3060];
	v8 =	vsub.f32 $0.0e+00, v8;
	[tilespmem:s10+$0x9070] =	vst v9  }
0xe1: {  	[tilespmem:s10+$0x9000] =	vst v61;
	v63 =	vsub.f32 $0.0e+00, v6  }
0xe2: {  	s3 =	sadd.s32 $0x1, s3;
	[tilespmem:s10+$0x9010] =	vst v8;
	v5 =	vsub.f32 $0.0e+00, v5  }
0xe3: {  	p4 =	sne.s32 s3, $0x68;
	[tilespmem:s10+$0x9020] =	vst v63;
	v2 =	vsub.f32 $0.0e+00, v2  }
.Ltmp6:
0xe4: {  	[tilespmem:s10+$0x9030] =	vst v5;
	v3 =	vsub.f32 $0.0e+00, v3;
	(pc) =	sbr.rel @p4 .LBB2_5-.Ltmp6, $4  }
0xe5: {  	[tilespmem:s10+$0x9040] =	vst v2;
	v2 =	vsub.f32 $0.0e+00, v62  }
0xe6: {  	[tilespmem:s10+$0x9050] =	vst v3  }
0xe7: {  	[tilespmem:s10+$0x9060] =	vst v2  }
0xe8: {  	[spmem:s8] =	stream.indirect.scatter.add.f32 [tilespmem:s28], [sflag:$0x4], $0x80, s23, s25, $0xb8;
	[tilespmem:$0x1FB00] =	vst v63  }
0xe9: {  	_ =	swait.ge [sflag:s26], $0x3000  }
0xea: {  	[sflag:s26] =	ssyncset.done $0x0  }
0xeb: {  	[sflag:s26] =	ssyncadd.s32 $0xFFFFD000  }
0xec: {  	_ =	swait.ge [sflag:s26], $0x3000  }
0xed: {  	[sflag:s26] =	ssyncset.done $0x0  }
0xee: {  	s3 =	simm.s32 $0x0;
	s10 =	rddreg [dreg:$0xd];
	[sflag:s26] =	ssyncadd.s32 $0xFFFFD000  }
0xef: {  	[tilespmem:s3], [sflag:$0x5] =	stream.linear.gather [hbm4b:s10+s3], $0x1000, $0x38;
	[tilespmem:$0x1FB00] =	vst v63  }
0xf0: {  	_ =	swait.ge [sflag:s20], $0x1000  }
0xf1: {  	[sflag:s20] =	ssyncset.done $0x0  }
0xf2: {  	s29 =	rddreg [dreg:$0x12];
	[sflag:s20] =	ssyncadd.s32 $0xFFFFF000  }
0xf3: {  	[tilespmem:s17], [sflag:$0x5] =	stream.linear.gather [hbm4b:s29+s3], $0x20, $0x38;
	[tilespmem:$0x1FB00] =	vst v63  }
0xf4: {  	_ =	swait.ge [sflag:s20], $0x20  }
0xf5: {  	[sflag:s20] =	ssyncset.done $0x0  }
0xf6: {  	s31 =	rddreg [dreg:$0x13];
	[sflag:s20] =	ssyncadd.s32 $0xFFFFFFE0  }
0xf7: {  	[tilespmem:s18], [sflag:$0x5] =	stream.linear.gather [hbm4b:s31+s3], $0x20, $0x38;
	[tilespmem:$0x1FB00] =	vst v63  }
0xf8: {  	_ =	swait.ge [sflag:s20], $0x20  }
0xf9: {  	[sflag:s20] =	ssyncset.done $0x0  }
0xfa: {  	[sflag:s20] =	ssyncadd.s32 $0xFFFFFFE0  }
0xfb: {  	[tilespmem:$0xC020] =	vst v1  }
0xfc: {  	[tilespmem:$0xC120] =	vst v1  }
0xfd: {  	[tilespmem:$0xC030] =	vst v1  }
0xfe: {  	[tilespmem:$0xC130] =	vst v1  }
0xff: {  	[tilespmem:$0xC040] =	vst v1  }
0x100: {  	[tilespmem:$0xC140] =	vst v1  }
0x101: {  	[tilespmem:$0xC050] =	vst v1  }
0x102: {  	s10 =	simm.s32 $0x0;
	[tilespmem:$0xC150] =	vst v1  }
0x103: {  	[spmem:s8] =	stream.indirect.scatter.add.f32 [tilespmem:s3], [sflag:$0x3], $0x80, s17, s25, $0xb8;
	[tilespmem:$0x1FB00] =	vst v63  }
0x104: {  	v3 =	vld [tilespmem:s10+$0x70]  }
0x105: {  	v7 =	vld [tilespmem:s10+$0x0]  }
0x106: {  	v8 =	vld [tilespmem:s10+$0x10]  }
0x107: {  	v6 =	vld [tilespmem:s10+$0x20]  }
0x108: {  	v5 =	vld [tilespmem:s10+$0x30]  }
0x109: {  	v2 =	vld [tilespmem:s10+$0x40];
	v9 =	vsub.f32 $0.0e+00, v3  }
0x10a: {  	v3 =	vld [tilespmem:s10+$0x50];
	v7 =	vsub.f32 $0.0e+00, v7  }
0x10b: {  	s11 =	simm.s32 $0x400;
	s3 =	simm.s32 $0x80;
	v4 =	vld [tilespmem:s10+$0x60];
	v8 =	vsub.f32 $0.0e+00, v8;
	[tilespmem:s10+$0x6070] =	vst v9  }
.LBB2_11:
0x10c: {  	p4 =	sne.s32 s11, $0x3E00;
	v9 =	vld [tilespmem:s3+$0x70];
	[tilespmem:s10+$0x6000] =	vst v7;
	v6 =	vsub.f32 $0.0e+00, v6  }
0x10d: {  	v7 =	vld [tilespmem:s3+$0x0];
	[tilespmem:s10+$0x6010] =	vst v8;
	v5 =	vsub.f32 $0.0e+00, v5  }
0x10e: {  	v8 =	vld [tilespmem:s3+$0x10];
	[tilespmem:s10+$0x6020] =	vst v6;
	v2 =	vsub.f32 $0.0e+00, v2  }
.Ltmp7:
0x10f: {  	v6 =	vld [tilespmem:s3+$0x20];
	[tilespmem:s10+$0x6030] =	vst v5;
	v3 =	vsub.f32 $0.0e+00, v3;
	(pc) =	sbr.rel @p4 .LBB2_11-.Ltmp7, $4  }
0x110: {  	v5 =	vld [tilespmem:s3+$0x30];
	[tilespmem:s10+$0x6040] =	vst v2;
	v4 =	vsub.f32 $0.0e+00, v4  }
0x111: {  	v2 =	vld [tilespmem:s3+$0x40];
	v9 =	vsub.f32 $0.0e+00, v9;
	[tilespmem:s10+$0x6050] =	vst v3  }
0x112: {  	v7 =	vsub.f32 $0.0e+00, v7;
	v3 =	vld [tilespmem:s3+$0x50];
	[tilespmem:s10+$0x6060] =	vst v4;
	s10 =	smov.u32 s3  }
0x113: {  	s3 =	sshra.s32 s11, $0x2;
	s11 =	sadd.s32 $0x200, s11;
	v8 =	vsub.f32 $0.0e+00, v8;
	v4 =	vld [tilespmem:s10+$0x60];
	[tilespmem:s10+$0x6070] =	vst v9  }
0x114: {  	v9 =	vld [tilespmem:s3+$0x70];
	[tilespmem:s10+$0x6000] =	vst v7;
	v6 =	vsub.f32 $0.0e+00, v6  }
0x115: {  	v7 =	vld [tilespmem:s3+$0x0];
	[tilespmem:s10+$0x6010] =	vst v8;
	v5 =	vsub.f32 $0.0e+00, v5  }
0x116: {  	v8 =	vld [tilespmem:s3+$0x10];
	[tilespmem:s10+$0x6020] =	vst v6;
	v2 =	vsub.f32 $0.0e+00, v2  }
0x117: {  	v6 =	vld [tilespmem:s3+$0x20];
	[tilespmem:s10+$0x6030] =	vst v5;
	v3 =	vsub.f32 $0.0e+00, v3  }
0x118: {  	v5 =	vld [tilespmem:s3+$0x30];
	[tilespmem:s10+$0x6040] =	vst v2;
	v4 =	vsub.f32 $0.0e+00, v4  }
0x119: {  	v2 =	vld [tilespmem:s3+$0x40];
	[tilespmem:s10+$0x6050] =	vst v3;
	v9 =	vsub.f32 $0.0e+00, v9  }
0x11a: {  	v3 =	vld [tilespmem:s3+$0x50];
	[tilespmem:s10+$0x6060] =	vst v4;
	v61 =	vsub.f32 $0.0e+00, v7  }
0x11b: {  	v62 =	vld [tilespmem:s3+$0x60];
	v8 =	vsub.f32 $0.0e+00, v8;
	[tilespmem:s3+$0x6070] =	vst v9  }
0x11c: {  	[tilespmem:s3+$0x6000] =	vst v61;
	v63 =	vsub.f32 $0.0e+00, v6  }
0x11d: {  	[tilespmem:s3+$0x6010] =	vst v8;
	v5 =	vsub.f32 $0.0e+00, v5  }
0x11e: {  	[tilespmem:s3+$0x6020] =	vst v63;
	v2 =	vsub.f32 $0.0e+00, v2  }
0x11f: {  	[tilespmem:s3+$0x6030] =	vst v5;
	v3 =	vsub.f32 $0.0e+00, v3  }
0x120: {  	[tilespmem:s3+$0x6040] =	vst v2;
	v2 =	vsub.f32 $0.0e+00, v62  }
0x121: {  	[tilespmem:s3+$0x6050] =	vst v3  }
0x122: {  	[tilespmem:s3+$0x6060] =	vst v2  }
0x123: {  	[spmem:s8] =	stream.indirect.scatter.add.f32 [tilespmem:s19], [sflag:$0x3], $0x80, s18, s25, $0xb8;
	[tilespmem:$0x1FB00] =	vst v63  }
0x124: {  	_ =	swait.ge [sflag:s30], $0x3000  }
0x125: {  	[sflag:s30] =	ssyncset.done $0x0  }
0x126: {  	[sflag:s30] =	ssyncadd.s32 $0xFFFFD000  }
0x127: {  	_ =	swait.ge [sflag:s30], $0x3000  }
0x128: {  	[sflag:s30] =	ssyncset.done $0x0  }
0x129: {  	[sflag:s30] =	ssyncadd.s32 $0xFFFFD000  }
0x12a: {  	_ =	swait.ge [sflag:s26], $0x3000  }
0x12b: {  	[sflag:s26] =	ssyncset.done $0x0  }
0x12c: {  	[sflag:s26] =	ssyncadd.s32 $0xFFFFD000  }
0x12d: {  	_ =	swait.ge [sflag:s26], $0x3000  }
0x12e: {  	[sflag:s26] =	ssyncset.done $0x0  }
0x12f: {  	[sflag:s26] =	ssyncadd.s32 $0xFFFFD000  }
.LBB2_13:
.Ltmp8:
0x130: {  	(pc) =	sbr.rel @!p1 .LBB2_25-.Ltmp8, $1  }
0x131: {  	_ =	sdelay $0x3  }
0x132: {  	s3 =	simm.s32 $0x0;
	s10 =	rddreg [dreg:$0xe]  }
0x133: {  	[tilespmem:s3], [sflag:$0x1] =	stream.linear.gather [hbm4b:s10+s3], $0x3000, $0x38;
	[tilespmem:$0x1FB00] =	vst v63  }
0x134: {  	s29 =	rddreg [dreg:$0xf]  }
0x135: {  	[tilespmem:s17], [sflag:$0x1] =	stream.linear.gather [hbm4b:s29+s3], $0x60, $0x38;
	[tilespmem:$0x1FB00] =	vst v63  }
0x136: {  	s31 =	rddreg [dreg:$0x10]  }
0x137: {  	[tilespmem:s18], [sflag:$0x1] =	stream.linear.gather [hbm4b:s31+s3], $0x60, $0x38;
	[tilespmem:$0x1FB00] =	vst v63  }
0x138: {  	s10 =	simm.s32 $0x200;
	s3 =	simm.s32 $0x0  }
.LBB2_15:
0x139: {  	p4 =	seq.s32 s10, $0xBE00;
	[tilespmem:s3+$0x6070] =	vst v0  }
0x13a: {  	[tilespmem:s3+$0x6000] =	vst v0  }
0x13b: {  	[tilespmem:s3+$0x6010] =	vst v0  }
.Ltmp9:
0x13c: {  	[tilespmem:s3+$0x6020] =	vst v0;
	(pc) =	sbr.rel @!p4 .LBB2_15-.Ltmp9, $4  }
0x13d: {  	[tilespmem:s3+$0x6030] =	vst v0  }
0x13e: {  	[tilespmem:s3+$0x6040] =	vst v0  }
0x13f: {  	[tilespmem:s3+$0x6050] =	vst v0  }
0x140: {  	[tilespmem:s3+$0x6060] =	vst v0;
	s3 =	sshra.s32 s10, $0x2;
	s10 =	sadd.s32 $0x200, s10  }
0x141: {  	[tilespmem:s3+$0x6070] =	vst v0  }
0x142: {  	[tilespmem:s3+$0x6000] =	vst v0  }
0x143: {  	[tilespmem:s3+$0x6010] =	vst v0  }
0x144: {  	[tilespmem:s3+$0x6020] =	vst v0  }
0x145: {  	[tilespmem:s3+$0x6030] =	vst v0  }
0x146: {  	[tilespmem:s3+$0x6040] =	vst v0  }
0x147: {  	[tilespmem:s3+$0x6050] =	vst v0  }
0x148: {  	[tilespmem:s3+$0x6060] =	vst v0  }
0x149: {  	[spmem:s13] =	stream.linear.scatter [tilespmem:s19], [sflag:$0x5], $0x3000, $0x38;
	[tilespmem:$0x1FB00] =	vst v63  }
0x14a: {  	_ =	swait.ge [sflag:s20], $0x3000  }
0x14b: {  	[sflag:s20] =	ssyncset.done $0x0  }
0x14c: {  	s10 =	rddreg [dreg:$0x1e];
	[sflag:s20] =	ssyncadd.s32 $0xFFFFD000  }
0x14d: {  	[spmem:s10] =	stream.linear.scatter [tilespmem:s19], [sflag:$0x5], $0x3000, $0x38;
	[tilespmem:$0x1FB00] =	vst v63  }
0x14e: {  	_ =	swait.ge [sflag:s20], $0x3000  }
0x14f: {  	[sflag:s20] =	ssyncset.done $0x0  }
0x150: {  	s11 =	rddreg [dreg:$0x1f];
	[sflag:s20] =	ssyncadd.s32 $0xFFFFD000  }
0x151: {  	[spmem:s11] =	stream.linear.scatter [tilespmem:s19], [sflag:$0x5], $0x3000, $0x38;
	[tilespmem:$0x1FB00] =	vst v63  }
0x152: {  	_ =	swait.ge [sflag:s20], $0x3000  }
0x153: {  	s12 =	sld [smem:$0x7FC]  }
0x154: {  	[sflag:s20] =	ssyncset.done $0x0  }
0x155: {  	[sflag:s20] =	ssyncadd.s32 $0xFFFFD000  }
0x156: {  	[spmem:s12] =	stream.linear.scatter [tilespmem:s19], [sflag:$0x5], $0x3000, $0x38;
	[tilespmem:$0x1FB00] =	vst v63  }
0x157: {  	_ =	swait.ge [sflag:s20], $0x3000  }
0x158: {  	s29 =	sld [smem:$0x7FD]  }
0x159: {  	[sflag:s20] =	ssyncset.done $0x0  }
0x15a: {  	[sflag:s20] =	ssyncadd.s32 $0xFFFFD000  }
0x15b: {  	[spmem:s29] =	stream.linear.scatter [tilespmem:s19], [sflag:$0x5], $0x3000, $0x38;
	[tilespmem:$0x1FB00] =	vst v63  }
0x15c: {  	_ =	swait.ge [sflag:s20], $0x3000  }
0x15d: {  	[sflag:s20] =	ssyncset.done $0x0  }
0x15e: {  	[sflag:s20] =	ssyncadd.s32 $0xFFFFD000  }
0x15f: {  	[spmem:s16] =	stream.linear.scatter [tilespmem:s19], [sflag:$0x5], $0x3000, $0x38;
	[tilespmem:$0x1FB00] =	vst v63  }
0x160: {  	_ =	swait.ge [sflag:s20], $0x3000  }
0x161: {  	[sflag:s20] =	ssyncset.done $0x0  }
0x162: {  	s3 =	simm.s32 @p0 $0x6000;
	s10 =	rddreg [dreg:$0x1b];
	[sflag:s20] =	ssyncadd.s32 $0xFFFFD000  }
0x163: {  	[spmem:s10] =	stream.linear.scatter @p0 [tilespmem:s3], [sflag:$0x5], $0x2800, $0x38;
	[tilespmem:$0x1FB00] =	vst v63  }
0x164: {  	s3 =	simm.s32 @p0 $0x5  }
0x165: {  	_ =	swait.ge @p0 [sflag:s3], $0x2800  }
0x166: {  	[sflag:s3] =	ssyncset.done @p0 $0x0  }
0x167: {  	s10 =	rddreg [dreg:$0x1c];
	[sflag:s3] =	ssyncadd.s32 @p0 $0xFFFFD800;
	s3 =	simm.s32 @!p0 $0x6000  }
0x168: {  	[spmem:s10] =	stream.linear.scatter @!p0 [tilespmem:s3], [sflag:$0x5], $0x1800, $0x38;
	[tilespmem:$0x1FB00] =	vst v63  }
0x169: {  	s3 =	simm.s32 @!p0 $0x5  }
0x16a: {  	_ =	swait.ge @!p0 [sflag:s3], $0x1800  }
0x16b: {  	[sflag:s3] =	ssyncset.done @!p0 $0x0  }
0x16c: {  	[sflag:s3] =	ssyncadd.s32 @!p0 $0xFFFFE800  }
0x16d: {  	s31 =	simm.s32 $0x0;
	s3 =	simm.s32 $0x0;
	[bflag:$0x0] =	sbarrier.arrive $0xFFFF  }
.LBB2_17:
0x16e: {  	p4 =	seq.s32 s3, $0x0  }
0x16f: {  	s10 =	simm.s32 @!p4 $0x4  }
0x170: {  	_ =	swait.ge @!p4 [sflag:s10], $0x3000  }
0x171: {  	s29 =	smul.u32 $0xC0, s3;
	[sflag:s10] =	ssyncset.done @!p4 $0x0  }
0x172: {  	[sflag:s10] =	ssyncadd.s32 @!p4 $0xFFFFD000  }
0x173: {  	s11 =	sadd.s32 s29, s14;
	_ =	swait.ge @!p4 [sflag:s10], $0x3000  }
0x174: {  	s12 =	sshll.u32 s11, $0x4;
	[sflag:s10] =	ssyncset.done @!p4 $0x0  }
0x175: {  	s12 =	sadd.s32 s1, s12;
	[sflag:s10] =	ssyncadd.s32 @!p4 $0xFFFFD000  }
0x176: {  	[tilespmem:s21], [sflag:$0x2] =	stream.linear.gather [hbm4b:s12+s31], $0x3000, $0x38;
	[tilespmem:$0x1FB00] =	vst v63  }
0x177: {  	s12 =	sshrl.u32 s11, $0x3  }
0x178: {  	s11 =	sadd.s32 s4, s12  }
0x179: {  	[tilespmem:s22], [sflag:$0x2] =	stream.linear.gather [hbm4b:s11+s31], $0x60, $0x38;
	[tilespmem:$0x1FB00] =	vst v63  }
0x17a: {  	s10 =	sadd.s32 s6, s12  }
0x17b: {  	[tilespmem:s23], [sflag:$0x2] =	stream.linear.gather [hbm4b:s10+s31], $0x60, $0x38;
	[tilespmem:$0x1FB00] =	vst v63  }
0x17c: {  	_ =	swait.ge [sflag:s24], $0x3000  }
0x17d: {  	[sflag:s24] =	ssyncset.done $0x0  }
0x17e: {  	[sflag:s24] =	ssyncadd.s32 $0xFFFFD000  }
0x17f: {  	_ =	swait.ge [sflag:s24], $0x60  }
0x180: {  	[sflag:s24] =	ssyncset.done $0x0  }
0x181: {  	[sflag:s24] =	ssyncadd.s32 $0xFFFFFFA0  }
0x182: {  	_ =	swait.ge [sflag:s24], $0x60  }
0x183: {  	[sflag:s24] =	ssyncset.done $0x0  }
0x184: {  	s11 =	simm.s32 $0x0;
	[sflag:s24] =	ssyncadd.s32 $0xFFFFFFA0  }
0x185: {  	[spmem:s8] =	stream.indirect.scatter.add.f32 [tilespmem:s31], [sflag:$0x3], $0x80, s17, s25, $0xb8;
	[tilespmem:$0x1FB00] =	vst v63  }
0x186: {  	v3 =	vld [tilespmem:s11+$0x70]  }
0x187: {  	v7 =	vld [tilespmem:s11+$0x0]  }
0x188: {  	v8 =	vld [tilespmem:s11+$0x10]  }
0x189: {  	v6 =	vld [tilespmem:s11+$0x20]  }
0x18a: {  	v5 =	vld [tilespmem:s11+$0x30]  }
0x18b: {  	v2 =	vld [tilespmem:s11+$0x40];
	v9 =	vsub.f32 $0.0e+00, v3  }
0x18c: {  	v3 =	vld [tilespmem:s11+$0x50];
	v7 =	vsub.f32 $0.0e+00, v7  }
0x18d: {  	s12 =	simm.s32 $0x400;
	s10 =	simm.s32 $0x80;
	v4 =	vld [tilespmem:s11+$0x60];
	v8 =	vsub.f32 $0.0e+00, v8;
	[tilespmem:s11+$0x6070] =	vst v9  }
.LBB2_18:
0x18e: {  	p4 =	sne.s32 s12, $0xBE00;
	v9 =	vld [tilespmem:s10+$0x70];
	[tilespmem:s11+$0x6000] =	vst v7;
	v6 =	vsub.f32 $0.0e+00, v6  }
0x18f: {  	v7 =	vld [tilespmem:s10+$0x0];
	[tilespmem:s11+$0x6010] =	vst v8;
	v5 =	vsub.f32 $0.0e+00, v5  }
0x190: {  	v8 =	vld [tilespmem:s10+$0x10];
	[tilespmem:s11+$0x6020] =	vst v6;
	v2 =	vsub.f32 $0.0e+00, v2  }
.Ltmp10:
0x191: {  	v6 =	vld [tilespmem:s10+$0x20];
	[tilespmem:s11+$0x6030] =	vst v5;
	v3 =	vsub.f32 $0.0e+00, v3;
	(pc) =	sbr.rel @p4 .LBB2_18-.Ltmp10, $4  }
0x192: {  	v5 =	vld [tilespmem:s10+$0x30];
	[tilespmem:s11+$0x6040] =	vst v2;
	v4 =	vsub.f32 $0.0e+00, v4  }
0x193: {  	v2 =	vld [tilespmem:s10+$0x40];
	v9 =	vsub.f32 $0.0e+00, v9;
	[tilespmem:s11+$0x6050] =	vst v3  }
0x194: {  	v7 =	vsub.f32 $0.0e+00, v7;
	v3 =	vld [tilespmem:s10+$0x50];
	[tilespmem:s11+$0x6060] =	vst v4;
	s11 =	smov.u32 s10  }
0x195: {  	s10 =	sshra.s32 s12, $0x2;
	s12 =	sadd.s32 $0x200, s12;
	v8 =	vsub.f32 $0.0e+00, v8;
	v4 =	vld [tilespmem:s11+$0x60];
	[tilespmem:s11+$0x6070] =	vst v9  }
0x196: {  	v9 =	vld [tilespmem:s10+$0x70];
	[tilespmem:s11+$0x6000] =	vst v7;
	v6 =	vsub.f32 $0.0e+00, v6  }
0x197: {  	v7 =	vld [tilespmem:s10+$0x0];
	[tilespmem:s11+$0x6010] =	vst v8;
	v5 =	vsub.f32 $0.0e+00, v5  }
0x198: {  	v8 =	vld [tilespmem:s10+$0x10];
	[tilespmem:s11+$0x6020] =	vst v6;
	v2 =	vsub.f32 $0.0e+00, v2  }
0x199: {  	v6 =	vld [tilespmem:s10+$0x20];
	[tilespmem:s11+$0x6030] =	vst v5;
	v3 =	vsub.f32 $0.0e+00, v3  }
0x19a: {  	v5 =	vld [tilespmem:s10+$0x30];
	[tilespmem:s11+$0x6040] =	vst v2;
	v4 =	vsub.f32 $0.0e+00, v4  }
0x19b: {  	v2 =	vld [tilespmem:s10+$0x40];
	[tilespmem:s11+$0x6050] =	vst v3;
	v9 =	vsub.f32 $0.0e+00, v9  }
0x19c: {  	v3 =	vld [tilespmem:s10+$0x50];
	[tilespmem:s11+$0x6060] =	vst v4;
	v4 =	vsub.f32 $0.0e+00, v7  }
0x19d: {  	v7 =	vld [tilespmem:s10+$0x60];
	v8 =	vsub.f32 $0.0e+00, v8;
	[tilespmem:s10+$0x6070] =	vst v9  }
0x19e: {  	[tilespmem:s10+$0x6000] =	vst v4;
	v4 =	vsub.f32 $0.0e+00, v6  }
0x19f: {  	[tilespmem:s10+$0x6010] =	vst v8;
	v5 =	vsub.f32 $0.0e+00, v5  }
0x1a0: {  	[tilespmem:s10+$0x6020] =	vst v4;
	v2 =	vsub.f32 $0.0e+00, v2  }
0x1a1: {  	[tilespmem:s10+$0x6030] =	vst v5;
	v3 =	vsub.f32 $0.0e+00, v3  }
0x1a2: {  	[tilespmem:s10+$0x6040] =	vst v2;
	v2 =	vsub.f32 $0.0e+00, v7  }
0x1a3: {  	p4 =	seq.s32 s3, $0x67;
	[tilespmem:s10+$0x6050] =	vst v3  }
0x1a4: {  	[tilespmem:s10+$0x6060] =	vst v2;
	s10 =	simm.s32 @!p4 $0x3  }
0x1a5: {  	[spmem:s8] =	stream.indirect.scatter.add.f32 [tilespmem:s19], [sflag:$0x3], $0x80, s18, s25, $0xb8;
	[tilespmem:$0x1FB00] =	vst v63  }
0x1a6: {  	_ =	swait.ge @!p4 [sflag:s10], $0x3000  }
0x1a7: {  	[sflag:s10] =	ssyncset.done @!p4 $0x0  }
0x1a8: {  	[sflag:s10] =	ssyncadd.s32 @!p4 $0xFFFFD000  }
0x1a9: {  	s11 =	sadd.s32 @!p4 s29, s15;
	_ =	swait.ge @!p4 [sflag:s10], $0x3000  }
0x1aa: {  	s12 =	sshll.u32 @!p4 s11, $0x4;
	[sflag:s10] =	ssyncset.done @!p4 $0x0  }
0x1ab: {  	[sflag:s10] =	ssyncadd.s32 @!p4 $0xFFFFD000;
	s10 =	sadd.s32 @!p4 s1, s12;
	s12 =	simm.s32 @!p4 $0x0  }
0x1ac: {  	[tilespmem:s12], [sflag:$0x1] =	stream.linear.gather @!p4 [hbm4b:s10+s12], $0x3000, $0x38;
	[tilespmem:$0x1FB00] =	vst v63  }
0x1ad: {  	s10 =	sshrl.u32 @!p4 s11, $0x3  }
0x1ae: {  	s29 =	simm.s32 @!p4 $0xC000;
	s11 =	sadd.s32 @!p4 s4, s10  }
0x1af: {  	[tilespmem:s29], [sflag:$0x1] =	stream.linear.gather @!p4 [hbm4b:s11+s12], $0x60, $0x38;
	[tilespmem:$0x1FB00] =	vst v63  }
0x1b0: {  	s10 =	sadd.s32 @!p4 s6, s10;
	s11 =	simm.s32 @!p4 $0xC100  }
0x1b1: {  	[tilespmem:s11], [sflag:$0x1] =	stream.linear.gather @!p4 [hbm4b:s10+s12], $0x60, $0x38;
	[tilespmem:$0x1FB00] =	vst v63  }
0x1b2: {  	_ =	swait.ge [sflag:s7], $0x3000  }
0x1b3: {  	[sflag:s7] =	ssyncset.done $0x0  }
0x1b4: {  	[sflag:s7] =	ssyncadd.s32 $0xFFFFD000  }
0x1b5: {  	_ =	swait.ge [sflag:s7], $0x60  }
0x1b6: {  	[sflag:s7] =	ssyncset.done $0x0  }
0x1b7: {  	[sflag:s7] =	ssyncadd.s32 $0xFFFFFFA0  }
0x1b8: {  	_ =	swait.ge [sflag:s7], $0x60  }
0x1b9: {  	[sflag:s7] =	ssyncset.done $0x0  }
0x1ba: {  	s11 =	simm.s32 $0x0;
	[sflag:s7] =	ssyncadd.s32 $0xFFFFFFA0  }
0x1bb: {  	[spmem:s8] =	stream.indirect.scatter.add.f32 [tilespmem:s21], [sflag:$0x4], $0x80, s22, s25, $0xb8;
	[tilespmem:$0x1FB00] =	vst v63  }
0x1bc: {  	v3 =	vld [tilespmem:s11+$0x3070]  }
0x1bd: {  	v7 =	vld [tilespmem:s11+$0x3000]  }
0x1be: {  	v8 =	vld [tilespmem:s11+$0x3010]  }
0x1bf: {  	v6 =	vld [tilespmem:s11+$0x3020]  }
0x1c0: {  	v5 =	vld [tilespmem:s11+$0x3030]  }
0x1c1: {  	v2 =	vld [tilespmem:s11+$0x3040];
	v9 =	vsub.f32 $0.0e+00, v3  }
0x1c2: {  	v3 =	vld [tilespmem:s11+$0x3050];
	v7 =	vsub.f32 $0.0e+00, v7  }
0x1c3: {  	s10 =	simm.s32 $0x80;
	s12 =	simm.s32 $0x400;
	v4 =	vld [tilespmem:s11+$0x3060];
	v8 =	vsub.f32 $0.0e+00, v8;
	[tilespmem:s11+$0x9070] =	vst v9  }
.LBB2_20:
0x1c4: {  	p4 =	sne.s32 s12, $0xBE00;
	v9 =	vld [tilespmem:s10+$0x3070];
	[tilespmem:s11+$0x9000] =	vst v7;
	v6 =	vsub.f32 $0.0e+00, v6  }
0x1c5: {  	v7 =	vld [tilespmem:s10+$0x3000];
	[tilespmem:s11+$0x9010] =	vst v8;
	v5 =	vsub.f32 $0.0e+00, v5  }
0x1c6: {  	v8 =	vld [tilespmem:s10+$0x3010];
	[tilespmem:s11+$0x9020] =	vst v6;
	v2 =	vsub.f32 $0.0e+00, v2  }
.Ltmp11:
0x1c7: {  	v6 =	vld [tilespmem:s10+$0x3020];
	[tilespmem:s11+$0x9030] =	vst v5;
	v3 =	vsub.f32 $0.0e+00, v3;
	(pc) =	sbr.rel @p4 .LBB2_20-.Ltmp11, $4  }
0x1c8: {  	v5 =	vld [tilespmem:s10+$0x3030];
	[tilespmem:s11+$0x9040] =	vst v2;
	v4 =	vsub.f32 $0.0e+00, v4  }
0x1c9: {  	v2 =	vld [tilespmem:s10+$0x3040];
	v9 =	vsub.f32 $0.0e+00, v9;
	[tilespmem:s11+$0x9050] =	vst v3  }
0x1ca: {  	v7 =	vsub.f32 $0.0e+00, v7;
	v3 =	vld [tilespmem:s10+$0x3050];
	[tilespmem:s11+$0x9060] =	vst v4;
	s11 =	smov.u32 s10  }
0x1cb: {  	s10 =	sshra.s32 s12, $0x2;
	s12 =	sadd.s32 $0x200, s12;
	v8 =	vsub.f32 $0.0e+00, v8;
	v4 =	vld [tilespmem:s11+$0x3060];
	[tilespmem:s11+$0x9070] =	vst v9  }
0x1cc: {  	v9 =	vld [tilespmem:s10+$0x3070];
	[tilespmem:s11+$0x9000] =	vst v7;
	v6 =	vsub.f32 $0.0e+00, v6  }
0x1cd: {  	v7 =	vld [tilespmem:s10+$0x3000];
	[tilespmem:s11+$0x9010] =	vst v8;
	v5 =	vsub.f32 $0.0e+00, v5  }
0x1ce: {  	v8 =	vld [tilespmem:s10+$0x3010];
	[tilespmem:s11+$0x9020] =	vst v6;
	v2 =	vsub.f32 $0.0e+00, v2  }
0x1cf: {  	v6 =	vld [tilespmem:s10+$0x3020];
	[tilespmem:s11+$0x9030] =	vst v5;
	v3 =	vsub.f32 $0.0e+00, v3  }
0x1d0: {  	v5 =	vld [tilespmem:s10+$0x3030];
	[tilespmem:s11+$0x9040] =	vst v2;
	v4 =	vsub.f32 $0.0e+00, v4  }
0x1d1: {  	v2 =	vld [tilespmem:s10+$0x3040];
	[tilespmem:s11+$0x9050] =	vst v3;
	v9 =	vsub.f32 $0.0e+00, v9  }
0x1d2: {  	v3 =	vld [tilespmem:s10+$0x3050];
	[tilespmem:s11+$0x9060] =	vst v4;
	v61 =	vsub.f32 $0.0e+00, v7  }
0x1d3: {  	v62 =	vld [tilespmem:s10+$0x3060];
	v8 =	vsub.f32 $0.0e+00, v8;
	[tilespmem:s10+$0x9070] =	vst v9  }
0x1d4: {  	[tilespmem:s10+$0x9000] =	vst v61;
	v63 =	vsub.f32 $0.0e+00, v6  }
0x1d5: {  	s3 =	sadd.s32 $0x1, s3;
	[tilespmem:s10+$0x9010] =	vst v8;
	v5 =	vsub.f32 $0.0e+00, v5  }
0x1d6: {  	p4 =	sne.s32 s3, $0x68;
	[tilespmem:s10+$0x9020] =	vst v63;
	v2 =	vsub.f32 $0.0e+00, v2  }
.Ltmp12:
0x1d7: {  	[tilespmem:s10+$0x9030] =	vst v5;
	v3 =	vsub.f32 $0.0e+00, v3;
	(pc) =	sbr.rel @p4 .LBB2_17-.Ltmp12, $4  }
0x1d8: {  	[tilespmem:s10+$0x9040] =	vst v2;
	v2 =	vsub.f32 $0.0e+00, v62  }
0x1d9: {  	[tilespmem:s10+$0x9050] =	vst v3  }
0x1da: {  	[tilespmem:s10+$0x9060] =	vst v2  }
0x1db: {  	[spmem:s8] =	stream.indirect.scatter.add.f32 [tilespmem:s28], [sflag:$0x4], $0x80, s23, s25, $0xb8;
	[tilespmem:$0x1FB00] =	vst v63  }
0x1dc: {  	_ =	swait.ge [sflag:s26], $0x3000  }
0x1dd: {  	[sflag:s26] =	ssyncset.done $0x0  }
0x1de: {  	[sflag:s26] =	ssyncadd.s32 $0xFFFFD000  }
0x1df: {  	_ =	swait.ge [sflag:s26], $0x3000  }
0x1e0: {  	[sflag:s26] =	ssyncset.done $0x0  }
0x1e1: {  	s3 =	simm.s32 $0x0;
	s10 =	rddreg [dreg:$0x11];
	[sflag:s26] =	ssyncadd.s32 $0xFFFFD000  }
0x1e2: {  	[tilespmem:s3], [sflag:$0x5] =	stream.linear.gather [hbm4b:s10+s3], $0x1000, $0x38;
	[tilespmem:$0x1FB00] =	vst v63  }
0x1e3: {  	_ =	swait.ge [sflag:s20], $0x1000  }
0x1e4: {  	[sflag:s20] =	ssyncset.done $0x0  }
0x1e5: {  	s29 =	rddreg [dreg:$0x14];
	[sflag:s20] =	ssyncadd.s32 $0xFFFFF000  }
0x1e6: {  	[tilespmem:s17], [sflag:$0x5] =	stream.linear.gather [hbm4b:s29+s3], $0x20, $0x38;
	[tilespmem:$0x1FB00] =	vst v63  }
0x1e7: {  	_ =	swait.ge [sflag:s20], $0x20  }
0x1e8: {  	[sflag:s20] =	ssyncset.done $0x0  }
0x1e9: {  	s31 =	rddreg [dreg:$0x15];
	[sflag:s20] =	ssyncadd.s32 $0xFFFFFFE0  }
0x1ea: {  	[tilespmem:s18], [sflag:$0x5] =	stream.linear.gather [hbm4b:s31+s3], $0x20, $0x38;
	[tilespmem:$0x1FB00] =	vst v63  }
0x1eb: {  	_ =	swait.ge [sflag:s20], $0x20  }
0x1ec: {  	[sflag:s20] =	ssyncset.done $0x0  }
0x1ed: {  	[sflag:s20] =	ssyncadd.s32 $0xFFFFFFE0  }
0x1ee: {  	[tilespmem:$0xC020] =	vst v1  }
0x1ef: {  	[tilespmem:$0xC120] =	vst v1  }
0x1f0: {  	[tilespmem:$0xC030] =	vst v1  }
0x1f1: {  	[tilespmem:$0xC130] =	vst v1  }
0x1f2: {  	[tilespmem:$0xC040] =	vst v1  }
0x1f3: {  	[tilespmem:$0xC140] =	vst v1  }
0x1f4: {  	[tilespmem:$0xC050] =	vst v1  }
0x1f5: {  	s10 =	simm.s32 $0x0;
	[tilespmem:$0xC150] =	vst v1  }
0x1f6: {  	[spmem:s8] =	stream.indirect.scatter.add.f32 [tilespmem:s3], [sflag:$0x3], $0x80, s17, s25, $0xb8;
	[tilespmem:$0x1FB00] =	vst v63  }
0x1f7: {  	v3 =	vld [tilespmem:s10+$0x70]  }
0x1f8: {  	v7 =	vld [tilespmem:s10+$0x0]  }
0x1f9: {  	v8 =	vld [tilespmem:s10+$0x10]  }
0x1fa: {  	v6 =	vld [tilespmem:s10+$0x20]  }
0x1fb: {  	v5 =	vld [tilespmem:s10+$0x30]  }
0x1fc: {  	v2 =	vld [tilespmem:s10+$0x40];
	v9 =	vsub.f32 $0.0e+00, v3  }
0x1fd: {  	v3 =	vld [tilespmem:s10+$0x50];
	v7 =	vsub.f32 $0.0e+00, v7  }
0x1fe: {  	s11 =	simm.s32 $0x400;
	s3 =	simm.s32 $0x80;
	v4 =	vld [tilespmem:s10+$0x60];
	v8 =	vsub.f32 $0.0e+00, v8;
	[tilespmem:s10+$0x6070] =	vst v9  }
.LBB2_23:
0x1ff: {  	p4 =	sne.s32 s11, $0x3E00;
	v9 =	vld [tilespmem:s3+$0x70];
	[tilespmem:s10+$0x6000] =	vst v7;
	v6 =	vsub.f32 $0.0e+00, v6  }
0x200: {  	v7 =	vld [tilespmem:s3+$0x0];
	[tilespmem:s10+$0x6010] =	vst v8;
	v5 =	vsub.f32 $0.0e+00, v5  }
0x201: {  	v8 =	vld [tilespmem:s3+$0x10];
	[tilespmem:s10+$0x6020] =	vst v6;
	v2 =	vsub.f32 $0.0e+00, v2  }
.Ltmp13:
0x202: {  	v6 =	vld [tilespmem:s3+$0x20];
	[tilespmem:s10+$0x6030] =	vst v5;
	v3 =	vsub.f32 $0.0e+00, v3;
	(pc) =	sbr.rel @p4 .LBB2_23-.Ltmp13, $4  }
0x203: {  	v5 =	vld [tilespmem:s3+$0x30];
	[tilespmem:s10+$0x6040] =	vst v2;
	v4 =	vsub.f32 $0.0e+00, v4  }
0x204: {  	v2 =	vld [tilespmem:s3+$0x40];
	v9 =	vsub.f32 $0.0e+00, v9;
	[tilespmem:s10+$0x6050] =	vst v3  }
0x205: {  	v7 =	vsub.f32 $0.0e+00, v7;
	v3 =	vld [tilespmem:s3+$0x50];
	[tilespmem:s10+$0x6060] =	vst v4;
	s10 =	smov.u32 s3  }
0x206: {  	s3 =	sshra.s32 s11, $0x2;
	s11 =	sadd.s32 $0x200, s11;
	v8 =	vsub.f32 $0.0e+00, v8;
	v4 =	vld [tilespmem:s10+$0x60];
	[tilespmem:s10+$0x6070] =	vst v9  }
0x207: {  	v9 =	vld [tilespmem:s3+$0x70];
	[tilespmem:s10+$0x6000] =	vst v7;
	v6 =	vsub.f32 $0.0e+00, v6  }
0x208: {  	v7 =	vld [tilespmem:s3+$0x0];
	[tilespmem:s10+$0x6010] =	vst v8;
	v5 =	vsub.f32 $0.0e+00, v5  }
0x209: {  	v8 =	vld [tilespmem:s3+$0x10];
	[tilespmem:s10+$0x6020] =	vst v6;
	v2 =	vsub.f32 $0.0e+00, v2  }
0x20a: {  	v6 =	vld [tilespmem:s3+$0x20];
	[tilespmem:s10+$0x6030] =	vst v5;
	v3 =	vsub.f32 $0.0e+00, v3  }
0x20b: {  	v5 =	vld [tilespmem:s3+$0x30];
	[tilespmem:s10+$0x6040] =	vst v2;
	v4 =	vsub.f32 $0.0e+00, v4  }
0x20c: {  	v2 =	vld [tilespmem:s3+$0x40];
	[tilespmem:s10+$0x6050] =	vst v3;
	v9 =	vsub.f32 $0.0e+00, v9  }
0x20d: {  	v3 =	vld [tilespmem:s3+$0x50];
	[tilespmem:s10+$0x6060] =	vst v4;
	v61 =	vsub.f32 $0.0e+00, v7  }
0x20e: {  	v62 =	vld [tilespmem:s3+$0x60];
	v8 =	vsub.f32 $0.0e+00, v8;
	[tilespmem:s3+$0x6070] =	vst v9  }
0x20f: {  	[tilespmem:s3+$0x6000] =	vst v61;
	v63 =	vsub.f32 $0.0e+00, v6  }
0x210: {  	[tilespmem:s3+$0x6010] =	vst v8;
	v5 =	vsub.f32 $0.0e+00, v5  }
0x211: {  	[tilespmem:s3+$0x6020] =	vst v63;
	v2 =	vsub.f32 $0.0e+00, v2  }
0x212: {  	[tilespmem:s3+$0x6030] =	vst v5;
	v3 =	vsub.f32 $0.0e+00, v3  }
0x213: {  	[tilespmem:s3+$0x6040] =	vst v2;
	v2 =	vsub.f32 $0.0e+00, v62  }
0x214: {  	[tilespmem:s3+$0x6050] =	vst v3  }
0x215: {  	[tilespmem:s3+$0x6060] =	vst v2  }
0x216: {  	[spmem:s8] =	stream.indirect.scatter.add.f32 [tilespmem:s19], [sflag:$0x3], $0x80, s18, s25, $0xb8;
	[tilespmem:$0x1FB00] =	vst v63  }
0x217: {  	_ =	swait.ge [sflag:s30], $0x3000  }
0x218: {  	[sflag:s30] =	ssyncset.done $0x0  }
0x219: {  	[sflag:s30] =	ssyncadd.s32 $0xFFFFD000  }
0x21a: {  	_ =	swait.ge [sflag:s30], $0x3000  }
0x21b: {  	[sflag:s30] =	ssyncset.done $0x0  }
0x21c: {  	[sflag:s30] =	ssyncadd.s32 $0xFFFFD000  }
0x21d: {  	_ =	swait.ge [sflag:s26], $0x3000  }
0x21e: {  	[sflag:s26] =	ssyncset.done $0x0  }
0x21f: {  	[sflag:s26] =	ssyncadd.s32 $0xFFFFD000  }
0x220: {  	_ =	swait.ge [sflag:s26], $0x3000  }
0x221: {  	[sflag:s26] =	ssyncset.done $0x0  }
0x222: {  	[sflag:s26] =	ssyncadd.s32 $0xFFFFD000  }
.LBB2_25:
.Ltmp14:
0x223: {  	(pc) =	sbr.rel @!p3 .LBB2_29-.Ltmp14, $2  }
0x224: {  	_ =	sdelay $0x1  }
0x225: {  	[bflag:$0x0] =	sbarrier.arrive $0xFFFF;
	_ =	sdelay $0x1  }
0x226: {  	s3 =	stileid.u32  }
0x227: {  	s10 =	sshrl.u32 s13, $0x3;
	s3 =	sshll.u32 s3, $0x6  }
.Ltmp15:
0x228: {  	s11 =	rddreg [dreg:$0x16];
	s3 =	sor.u32 $0x1C05, s3;
	(pc) =	sbr.rel .LBB2_27-.Ltmp15, $4  }
0x229: {  	[hbm:s11], [sflag:s3] =	dma.local [spmem:s10], $0x2700  }
0x22a: {  	_ =	swait.ge [sflag:s20], $0x2700  }
0x22b: {  	[sflag:s20] =	ssyncset.done $0x0  }
0x22c: {  	[sflag:s20] =	ssyncadd.s32 $0xFFFFD900  }
.LBB2_29:
0x22d: {  	s3 =	sld [smem:$0x7FB];
	_ =	sdelay $0x2  }
0x22e: {  	p4 =	seq.s32 s3, $0x1  }
.Ltmp16:
0x22f: {  	_ = 	snop;
	(pc) =	sbr.rel @p4 .LBB2_30-.Ltmp16, $1  }
0x230: {  	_ =	sdelay $0x3  }
.LBB2_27:
.Ltmp17:
0x231: {  	(pc) =	sbr.rel @!p5 .LBB2_31-.Ltmp17, $1  }
0x232: {  	_ =	sdelay $0x3  }
0x233: {  	s3 =	stileid.u32  }
0x234: {  	s10 =	sshrl.u32 s13, $0x3;
	s3 =	sshll.u32 s3, $0x6  }
.Ltmp18:
0x235: {  	s11 =	rddreg [dreg:$0x19];
	s3 =	sor.u32 $0x1C05, s3;
	(pc) =	sbr.rel .LBB2_32-.Ltmp18, $4  }
0x236: {  	[hbm:s11], [sflag:s3] =	dma.local [spmem:s10], $0x2700  }
0x237: {  	_ =	swait.ge [sflag:s20], $0x2700  }
0x238: {  	[sflag:s20] =	ssyncset.done $0x0  }
0x239: {  	[sflag:s20] =	ssyncadd.s32 $0xFFFFD900  }
.LBB2_33:
0x23a: {  	_ =	sfence.sel $0x180000  }
0x23b: {  	[bflag:$0x0] =	sbarrier.arrive $0xFFFF  }
0x23c: {  	_ =	strace $0x90000047  }
0x23d: {  	s0 =	stileid.u32;
	[bflag:$0x2] =	sbarrier.arrive $0xFFFF  }
0x23e: {  	p0 =	sne.s32 s0, $0x0;
	s0 =	rddreg [dreg:$0x9]  }
0x23f: {  	s0 =	sadd.s32 @!p0 $0x100000, s0  }
0x240: {  	[sflag:s0] =	ssyncadd.tile.s32 @!p0 $0x1;
	_ =	shalt  }
.Lfunc_end2:
_tile_overlayer_lowered:
.L_overlay_start_2:
0x241: {  	(tag) =	ssettag $0x2  }
0x242: {  	s0 =	rddreg [dreg:$0x0];
	s2 =	stileid.u32  }
0x243: {  	s1 =	rddreg [dreg:$0x1];
	p0 =	sne.s32 s2, $0x0  }
0x244: {  	s3 =	rddreg [dreg:$0x2];
	[bflag:$0x3] =	sbarrier.arrive $0xFFFF;
	s2 =	simm.s32 @!p0 $0x1C05  }
0x245: {  	[timem:s3], [sflag:s2] =	dma.local @!p0 [hbm:s0], s1  }
0x246: {  	s0 =	simm.s32 @!p0 $0x5  }
0x247: {  	_ =	swait.ge @!p0 [sflag:s0], s1  }
0x248: {  	s1 =	ssub.s32 @!p0 $0x0, s1;
	[sflag:s0] =	ssyncset.done @!p0 $0x0  }
0x249: {  	[sflag:s0] =	ssyncadd.s32 @!p0 s1  }
0x24a: {  	[bflag:$0x3] =	sbarrier.arrive $0xFFFF  }
0x24b: {  	_ =	shalt  }

</sc_bundles>
